<compile_context>
chip_gen: v7x
topology: tpu7x:2x2x1
jax: 0.10.2.dev20260603
libtpu: 0.0.44.dev20260713+nightly
codegen_flags: <defaults>
</compile_context>

<pallas_src>
import jax
import jax.numpy as jnp
from jax import lax
from jax.experimental import pallas as pl
from jax.experimental.pallas import tpu as pltpu
from jax.experimental.pallas import tpu_sc as plsc

_VOCAB = 32000
_HIDDEN = 768
_SEQ = 64
_BATCH = 4096
_NC, _NS, _L = 2, 16, 16
_NW = _NC * _NS
_TOK = _BATCH * _SEQ
_TPW = _TOK // _NW
_SPW = _TPW // _SEQ
_C = 16
_NBUF = 8
_D = 4
_NG = _SPW // _C
_NCHUNK = _NG * _SEQ
_NVREG = _HIDDEN // _L
_SCALE = float(_HIDDEN) ** 0.5


def _body(ids_hbm, table_hbm, pos_hbm, out_hbm, idx_v, oidx, *rest):
    rows = rest[:_NBUF]
    pos_v = rest[_NBUF]
    gsem = rest[_NBUF + 1:2 * _NBUF + 1]
    ssem = rest[2 * _NBUF + 1:3 * _NBUF + 1]
    psem = rest[3 * _NBUF + 1:3 * _NBUF + 3]
    wid = lax.axis_index("s") * _NC + lax.axis_index("c")
    base = wid * _TPW
    pltpu.sync_copy(ids_hbm.at[:, pl.ds(wid * _SPW, _SPW)], idx_v)
    iota64 = lax.iota(jnp.int32, _L) * _SEQ

    def cslice(k):
        return idx_v.at[k // _NG, pl.ds((k % _NG) * _C, _C)]

    def build_and_gather(k, b):
        p = k // _NG
        g = k % _NG
        lo = base + g * (_C * _SEQ) + p
        for h in range(_C // _L):
            oidx[b, pl.ds(h * _L, _L)] = iota64 + (lo + h * _L * _SEQ)
        pltpu.async_copy(table_hbm.at[cslice(k)], rows[b], gsem[b])

    def one_iter(k, b):
        nb = (b + _D) % _NBUF
        p = k // _NG
        g = k % _NG

        @pl.when(k + _D - _NBUF >= 0)
        def _():
            pltpu.make_async_copy(
                rows[nb], out_hbm.at[oidx.at[nb]], ssem[nb]).wait()

        @pl.when(k + _D < _NCHUNK)
        def _():
            build_and_gather(k + _D, nb)

        @pl.when(g == 0)
        def _():
            for par in (0, 1):
                @pl.when(p % 2 == par)
                def _():
                    pltpu.make_async_copy(
                        pos_hbm.at[p], pos_v.at[par], psem[par]).wait()

                    @pl.when(p + 1 < _SEQ)
                    def _():
                        pltpu.async_copy(
                            pos_hbm.at[p + 1], pos_v.at[1 - par],
                            psem[1 - par])

        pltpu.make_async_copy(
            table_hbm.at[cslice(k)], rows[b], gsem[b]).wait()

        pass

        pltpu.async_copy(rows[b], out_hbm.at[oidx.at[b]], ssem[b])

    pltpu.async_copy(pos_hbm.at[0], pos_v.at[0], psem[0])
    for k in range(_D):
        build_and_gather(k, k % _NBUF)

    @pl.loop(0, _NCHUNK, step=_NBUF)
    def _ring(k0):
        for b in range(_NBUF):
            one_iter(k0 + b, b)

    for k in range(_NCHUNK - _NBUF + _D, _NCHUNK):
        b = k % _NBUF
        pltpu.make_async_copy(rows[b], out_hbm.at[oidx.at[b]], ssem[b]).wait()


def kernel(input_ids, token_embedding, position_embedding):
    ids_t = input_ids.T.astype(jnp.int32)
    run = pl.kernel(
        _body,
        out_type=jax.ShapeDtypeStruct((_TOK, _HIDDEN), jnp.float32),
        mesh=plsc.VectorSubcoreMesh(core_axis_name="c", subcore_axis_name="s"),
        scratch_types=(
            [pltpu.VMEM((_SEQ, _SPW), jnp.int32),
             pltpu.VMEM((_NBUF, _C), jnp.int32)]
            + [pltpu.VMEM((_C, _HIDDEN), jnp.float32) for _ in range(_NBUF)]
            + [pltpu.VMEM((2, _HIDDEN), jnp.float32)]
            + [pltpu.SemaphoreType.DMA for _ in range(2 * _NBUF + 2)]
        ),
    )
    out = run(ids_t, token_embedding, position_embedding)
    return out.reshape(_BATCH, _SEQ, _HIDDEN)

# --- scband reference (transcript-rebuilt; emitter-appended) ---
"""Pipeline reference for scband-video-prism-text-embeddings-80255758893105 (READ-ONLY COPY).

The authoritative reference and input builder live on the scoring server;
editing this copy changes nothing except your own understanding.
"""

import jax, jax.numpy as jnp
import numpy as np

VOCAB = 32000
HIDDEN = 768
MAX_POS = 64


def create_sinusoidal_positions(num_pos, dim):
    # standard sinusoidal position embeddings (half sin, half cos)
    inv_freq = 1.0 / (10000 ** (np.arange(0, dim, 2, dtype=np.float32) / dim))
    pos = np.arange(num_pos, dtype=np.float32)
    sinusoid_inp = np.einsum('i,j->ij', pos, inv_freq)
    emb = np.concatenate([np.sin(sinusoid_inp), np.cos(sinusoid_inp)], axis=-1)
    return jnp.asarray(emb, dtype=jnp.float32)


def setup_inputs(seed: int = 0) -> dict:
    key = jax.random.key(seed)
    k1, k2 = jax.random.split(key)
    input_ids = jax.random.randint(k1, (4096, 64), 0, VOCAB, dtype=jnp.int64 if jax.config.jax_enable_x64 else jnp.int32)
    token_embedding = jax.random.normal(k2, (VOCAB, HIDDEN), dtype=jnp.float32) * 0.02
    position_embedding = create_sinusoidal_positions(MAX_POS, HIDDEN)
    return {"input_ids": input_ids, "token_embedding": token_embedding, "position_embedding": position_embedding}


def reference(input_ids, token_embedding, position_embedding):
    seq_length = input_ids.shape[-1]
    position_ids = jnp.arange(MAX_POS)[None, :seq_length]  # [1, S]
    inputs_embeds = jnp.take(token_embedding, input_ids, axis=0)  # [B, S, H]
    inputs_embeds = inputs_embeds * (HIDDEN ** 0.5)
    position_embeddings = jnp.take(position_embedding, position_ids, axis=0)  # [1, S, H]
    embeddings = inputs_embeds + position_embeddings
    return embeddings

if __name__ == "__main__":
    import jax
    _d = setup_inputs()
    print(jax.jit(kernel)(*tuple(_d.values())))

</pallas_src>

<mosaic_0001>
#map = affine_map<(d0, d1) -> (0, 0)>
module attributes {stable_mosaic.version = 14 : i64} {
  func.func @_body(%arg0: i32, %arg1: i32, %arg2: memref<64x4096xi32, #tpu.memory_space<hbm>>, %arg3: memref<32000x768xf32, #tpu.memory_space<hbm>>, %arg4: memref<64x768xf32, #tpu.memory_space<hbm>>, %arg5: memref<262144x768xf32, #tpu.memory_space<hbm>>, %arg6: memref<64x128xi32, #tpu.memory_space<vmem>>, %arg7: memref<8x16xi32, #tpu.memory_space<vmem>>, %arg8: memref<16x768xf32, #tpu.memory_space<vmem>>, %arg9: memref<16x768xf32, #tpu.memory_space<vmem>>, %arg10: memref<16x768xf32, #tpu.memory_space<vmem>>, %arg11: memref<16x768xf32, #tpu.memory_space<vmem>>, %arg12: memref<16x768xf32, #tpu.memory_space<vmem>>, %arg13: memref<16x768xf32, #tpu.memory_space<vmem>>, %arg14: memref<16x768xf32, #tpu.memory_space<vmem>>, %arg15: memref<16x768xf32, #tpu.memory_space<vmem>>, %arg16: memref<2x768xf32, #tpu.memory_space<vmem>>, %arg17: memref<!tpu.dma_semaphore, #tpu.memory_space<semaphore_mem>>, %arg18: memref<!tpu.dma_semaphore, #tpu.memory_space<semaphore_mem>>, %arg19: memref<!tpu.dma_semaphore, #tpu.memory_space<semaphore_mem>>, %arg20: memref<!tpu.dma_semaphore, #tpu.memory_space<semaphore_mem>>, %arg21: memref<!tpu.dma_semaphore, #tpu.memory_space<semaphore_mem>>, %arg22: memref<!tpu.dma_semaphore, #tpu.memory_space<semaphore_mem>>, %arg23: memref<!tpu.dma_semaphore, #tpu.memory_space<semaphore_mem>>, %arg24: memref<!tpu.dma_semaphore, #tpu.memory_space<semaphore_mem>>, %arg25: memref<!tpu.dma_semaphore, #tpu.memory_space<semaphore_mem>>, %arg26: memref<!tpu.dma_semaphore, #tpu.memory_space<semaphore_mem>>, %arg27: memref<!tpu.dma_semaphore, #tpu.memory_space<semaphore_mem>>, %arg28: memref<!tpu.dma_semaphore, #tpu.memory_space<semaphore_mem>>, %arg29: memref<!tpu.dma_semaphore, #tpu.memory_space<semaphore_mem>>, %arg30: memref<!tpu.dma_semaphore, #tpu.memory_space<semaphore_mem>>, %arg31: memref<!tpu.dma_semaphore, #tpu.memory_space<semaphore_mem>>, %arg32: memref<!tpu.dma_semaphore, #tpu.memory_space<semaphore_mem>>, %arg33: memref<!tpu.dma_semaphore, #tpu.memory_space<semaphore_mem>>, %arg34: memref<!tpu.dma_semaphore, #tpu.memory_space<semaphore_mem>>) attributes {dimension_semantics = [#tpu.dimension_semantics<core_parallel>, #tpu.dimension_semantics<subcore_parallel>], iteration_bounds = array<i64: 2, 16>, scalar_prefetch = 0 : i64, scratch_operands = 29 : i64, tpu.core_type = #tpu.core_type<sc_vector_subcore>, window_params = [{transform_indices = #map}, {transform_indices = #map}, {transform_indices = #map}, {transform_indices = #map}]} {
    %mul3A = arith.constant 2 : i32
    %mul3A_0 = arith.muli %arg1, %mul3A : i32
    %add3A = arith.addi %mul3A_0, %arg0 : i32
    %mul3A_1 = arith.constant 8192 : i32
    %mul3A_2 = arith.muli %add3A, %mul3A_1 : i32
    %mul3A_3 = arith.constant 128 : i32
    %mul3A_4 = arith.muli %add3A, %mul3A_3 : i32
    "tpu.region"() ({
      %run_scoped3A = tpu.sem_alloc : memref<!tpu.dma_semaphore, #tpu.memory_space<semaphore_mem>>
      %dma_start3A_135 = arith.constant 0 : i32
      %dma_start3A_136 = tpu.memref_slice %arg2[%dma_start3A_135, %mul3A_4] : memref<64x4096xi32, #tpu.memory_space<hbm>> -> memref<64x128xi32, #tpu.memory_space<hbm>>
      %dma_start3A_137 = arith.constant 0 : i32
      %dma_start3A_138 = tpu.memref_slice %arg2[%dma_start3A_137, %mul3A_4] : memref<64x4096xi32, #tpu.memory_space<hbm>> -> memref<64x128xi32, #tpu.memory_space<hbm>>
      tpu.enqueue_dma source(%dma_start3A_138 : memref<64x128xi32, #tpu.memory_space<hbm>>) target(%arg6 : memref<64x128xi32, #tpu.memory_space<vmem>>) target_semaphore(%run_scoped3A : memref<!tpu.dma_semaphore, #tpu.memory_space<semaphore_mem>>)
      %dma_wait3A_139 = arith.constant 0 : i32
      %dma_wait3A_140 = tpu.memref_slice %arg2[%dma_wait3A_139, %mul3A_4] : memref<64x4096xi32, #tpu.memory_space<hbm>> -> memref<64x128xi32, #tpu.memory_space<hbm>>
      %dma_wait3A_141 = arith.constant 0 : i32
      %dma_wait3A_142 = tpu.memref_slice %arg2[%dma_wait3A_141, %mul3A_4] : memref<64x4096xi32, #tpu.memory_space<hbm>> -> memref<64x128xi32, #tpu.memory_space<hbm>>
      tpu.wait_dma2 semaphore(%run_scoped3A : memref<!tpu.dma_semaphore, #tpu.memory_space<semaphore_mem>>) src(%dma_wait3A_142 : memref<64x128xi32, #tpu.memory_space<hbm>>) dst(%arg6 : memref<64x128xi32, #tpu.memory_space<vmem>>)
      tpu.yield
    }) : () -> ()
    %iota3A = tpu.iota {dimensions = array<i32: 0>} : vector<16xi32>
    %mul3A_5 = arith.constant 64 : i32
    %mul3A_6 = vector.broadcast %mul3A_5 : i32 to vector<16xi32>
    %mul3A_7 = arith.muli %iota3A, %mul3A_6 : vector<16xi32>
    %dma_start3A = arith.constant 0 : i32
    %dma_start3A_8 = arith.constant 0 : i32
    %dma_start3A_9 = arith.constant 0 : i32
    %dma_start3A_10 = tpu.memref_slice %arg16[%dma_start3A_8, %dma_start3A_9] : memref<2x768xf32, #tpu.memory_space<vmem>> -> memref<1x768xf32, #tpu.memory_space<vmem>>
    %dma_start3A_11 = tpu.memref_squeeze %dma_start3A_10 : memref<1x768xf32, #tpu.memory_space<vmem>> -> memref<768xf32, #tpu.memory_space<vmem>>
    %dma_start3A_12 = arith.constant 0 : i32
    %dma_start3A_13 = tpu.memref_slice %arg4[%dma_start3A, %dma_start3A_12] : memref<64x768xf32, #tpu.memory_space<hbm>> -> memref<1x768xf32, #tpu.memory_space<hbm>>
    %dma_start3A_14 = tpu.memref_squeeze %dma_start3A_13 : memref<1x768xf32, #tpu.memory_space<hbm>> -> memref<768xf32, #tpu.memory_space<hbm>>
    %dma_start3A_15 = arith.constant 0 : i32
    %dma_start3A_16 = tpu.memref_slice %arg16[%dma_start3A_8, %dma_start3A_15] : memref<2x768xf32, #tpu.memory_space<vmem>> -> memref<1x768xf32, #tpu.memory_space<vmem>>
    %dma_start3A_17 = tpu.memref_squeeze %dma_start3A_16 : memref<1x768xf32, #tpu.memory_space<vmem>> -> memref<768xf32, #tpu.memory_space<vmem>>
    %dma_start3A_18 = arith.constant 0 : i32
    %dma_start3A_19 = tpu.memref_slice %arg4[%dma_start3A, %dma_start3A_18] : memref<64x768xf32, #tpu.memory_space<hbm>> -> memref<1x768xf32, #tpu.memory_space<hbm>>
    %dma_start3A_20 = tpu.memref_squeeze %dma_start3A_19 : memref<1x768xf32, #tpu.memory_space<hbm>> -> memref<768xf32, #tpu.memory_space<hbm>>
    tpu.enqueue_dma source(%dma_start3A_20 : memref<768xf32, #tpu.memory_space<hbm>>) target(%dma_start3A_17 : memref<768xf32, #tpu.memory_space<vmem>>) target_semaphore(%arg33 : memref<!tpu.dma_semaphore, #tpu.memory_space<semaphore_mem>>)
    %add3A_21 = arith.constant 0 : i32
    %add3A_22 = arith.addi %mul3A_2, %add3A_21 : i32
    %add3A_23 = arith.constant 0 : i32
    %add3A_24 = arith.addi %add3A_22, %add3A_23 : i32
    %add3A_25 = arith.constant 0 : i32
    %add3A_26 = arith.addi %add3A_24, %add3A_25 : i32
    %add3A_27 = vector.broadcast %add3A_26 : i32 to vector<16xi32>
    %add3A_28 = arith.addi %mul3A_7, %add3A_27 : vector<16xi32>
    %swap3A = arith.constant 0 : i32
    %swap3A_29 = arith.index_cast %swap3A : i32 to index
    %swap3A_30 = arith.constant 0 : index
    %swap3A_31 = tpu.vector_load %arg7[%swap3A_29, %swap3A_30] {strides = array<i32>} : memref<8x16xi32, #tpu.memory_space<vmem>>, vector<1x16xi32>,
    %swap3A_32 = vector.shape_cast %swap3A_31 : vector<1x16xi32> to vector<16xi32>
    %swap3A_33 = vector.shape_cast %add3A_28 : vector<16xi32> to vector<1x16xi32>
    tpu.vector_store %arg7[%swap3A_29, %swap3A_30], %swap3A_33 {strides = array<i32>} : memref<8x16xi32, #tpu.memory_space<vmem>>, vector<1x16xi32>,
    %dma_start3A_34 = arith.constant 0 : i32
    %dma_start3A_35 = arith.constant 0 : i32
    %dma_start3A_36 = tpu.memref_slice %arg6[%dma_start3A_34, %dma_start3A_35] : memref<64x128xi32, #tpu.memory_space<vmem>> -> memref<1x16xi32, #tpu.memory_space<vmem>>
    %dma_start3A_37 = tpu.memref_squeeze %dma_start3A_36 : memref<1x16xi32, #tpu.memory_space<vmem>> -> memref<16xi32, #tpu.memory_space<vmem>>
    %dma_start3A_38 = arith.constant 0 : i32
    %dma_start3A_39 = arith.constant 0 : i32
    %dma_start3A_40 = tpu.memref_slice %arg3[%dma_start3A_38, %dma_start3A_39] : memref<32000x768xf32, #tpu.memory_space<hbm>> -> memref<32000x768xf32, #tpu.memory_space<hbm>>
    tpu.enqueue_indirect_dma source(%dma_start3A_40 : memref<32000x768xf32, #tpu.memory_space<hbm>>) target(%arg8 : memref<16x768xf32, #tpu.memory_space<vmem>>) offsets(%dma_start3A_37 : memref<16xi32, #tpu.memory_space<vmem>>) semaphore(%arg17 : memref<!tpu.dma_semaphore, #tpu.memory_space<semaphore_mem>>)
    %add3A_41 = arith.constant 1024 : i32
    %add3A_42 = arith.addi %mul3A_2, %add3A_41 : i32
    %add3A_43 = arith.constant 0 : i32
    %add3A_44 = arith.addi %add3A_42, %add3A_43 : i32
    %add3A_45 = arith.constant 0 : i32
    %add3A_46 = arith.addi %add3A_44, %add3A_45 : i32
    %add3A_47 = vector.broadcast %add3A_46 : i32 to vector<16xi32>
    %add3A_48 = arith.addi %mul3A_7, %add3A_47 : vector<16xi32>
    %swap3A_49 = arith.constant 1 : i32
    %swap3A_50 = arith.index_cast %swap3A_49 : i32 to index
    %swap3A_51 = arith.constant 0 : index
    %swap3A_52 = tpu.vector_load %arg7[%swap3A_50, %swap3A_51] {strides = array<i32>} : memref<8x16xi32, #tpu.memory_space<vmem>>, vector<1x16xi32>,
    %swap3A_53 = vector.shape_cast %swap3A_52 : vector<1x16xi32> to vector<16xi32>
    %swap3A_54 = vector.shape_cast %add3A_48 : vector<16xi32> to vector<1x16xi32>
    tpu.vector_store %arg7[%swap3A_50, %swap3A_51], %swap3A_54 {strides = array<i32>} : memref<8x16xi32, #tpu.memory_space<vmem>>, vector<1x16xi32>,
    %dma_start3A_55 = arith.constant 0 : i32
    %dma_start3A_56 = arith.constant 16 : i32
    %dma_start3A_57 = tpu.memref_slice %arg6[%dma_start3A_55, %dma_start3A_56] : memref<64x128xi32, #tpu.memory_space<vmem>> -> memref<1x16xi32, #tpu.memory_space<vmem>>
    %dma_start3A_58 = tpu.memref_squeeze %dma_start3A_57 : memref<1x16xi32, #tpu.memory_space<vmem>> -> memref<16xi32, #tpu.memory_space<vmem>>
    %dma_start3A_59 = arith.constant 0 : i32
    %dma_start3A_60 = arith.constant 0 : i32
    %dma_start3A_61 = tpu.memref_slice %arg3[%dma_start3A_59, %dma_start3A_60] : memref<32000x768xf32, #tpu.memory_space<hbm>> -> memref<32000x768xf32, #tpu.memory_space<hbm>>
    tpu.enqueue_indirect_dma source(%dma_start3A_61 : memref<32000x768xf32, #tpu.memory_space<hbm>>) target(%arg9 : memref<16x768xf32, #tpu.memory_space<vmem>>) offsets(%dma_start3A_58 : memref<16xi32, #tpu.memory_space<vmem>>) semaphore(%arg18 : memref<!tpu.dma_semaphore, #tpu.memory_space<semaphore_mem>>)
    %add3A_62 = arith.constant 2048 : i32
    %add3A_63 = arith.addi %mul3A_2, %add3A_62 : i32
    %add3A_64 = arith.constant 0 : i32
    %add3A_65 = arith.addi %add3A_63, %add3A_64 : i32
    %add3A_66 = arith.constant 0 : i32
    %add3A_67 = arith.addi %add3A_65, %add3A_66 : i32
    %add3A_68 = vector.broadcast %add3A_67 : i32 to vector<16xi32>
    %add3A_69 = arith.addi %mul3A_7, %add3A_68 : vector<16xi32>
    %swap3A_70 = arith.constant 2 : i32
    %swap3A_71 = arith.index_cast %swap3A_70 : i32 to index
    %swap3A_72 = arith.constant 0 : index
    %swap3A_73 = tpu.vector_load %arg7[%swap3A_71, %swap3A_72] {strides = array<i32>} : memref<8x16xi32, #tpu.memory_space<vmem>>, vector<1x16xi32>,
    %swap3A_74 = vector.shape_cast %swap3A_73 : vector<1x16xi32> to vector<16xi32>
    %swap3A_75 = vector.shape_cast %add3A_69 : vector<16xi32> to vector<1x16xi32>
    tpu.vector_store %arg7[%swap3A_71, %swap3A_72], %swap3A_75 {strides = array<i32>} : memref<8x16xi32, #tpu.memory_space<vmem>>, vector<1x16xi32>,
    %dma_start3A_76 = arith.constant 0 : i32
    %dma_start3A_77 = arith.constant 32 : i32
    %dma_start3A_78 = tpu.memref_slice %arg6[%dma_start3A_76, %dma_start3A_77] : memref<64x128xi32, #tpu.memory_space<vmem>> -> memref<1x16xi32, #tpu.memory_space<vmem>>
    %dma_start3A_79 = tpu.memref_squeeze %dma_start3A_78 : memref<1x16xi32, #tpu.memory_space<vmem>> -> memref<16xi32, #tpu.memory_space<vmem>>
    %dma_start3A_80 = arith.constant 0 : i32
    %dma_start3A_81 = arith.constant 0 : i32
    %dma_start3A_82 = tpu.memref_slice %arg3[%dma_start3A_80, %dma_start3A_81] : memref<32000x768xf32, #tpu.memory_space<hbm>> -> memref<32000x768xf32, #tpu.memory_space<hbm>>
    tpu.enqueue_indirect_dma source(%dma_start3A_82 : memref<32000x768xf32, #tpu.memory_space<hbm>>) target(%arg10 : memref<16x768xf32, #tpu.memory_space<vmem>>) offsets(%dma_start3A_79 : memref<16xi32, #tpu.memory_space<vmem>>) semaphore(%arg19 : memref<!tpu.dma_semaphore, #tpu.memory_space<semaphore_mem>>)
    %add3A_83 = arith.constant 3072 : i32
    %add3A_84 = arith.addi %mul3A_2, %add3A_83 : i32
    %add3A_85 = arith.constant 0 : i32
    %add3A_86 = arith.addi %add3A_84, %add3A_85 : i32
    %add3A_87 = arith.constant 0 : i32
    %add3A_88 = arith.addi %add3A_86, %add3A_87 : i32
    %add3A_89 = vector.broadcast %add3A_88 : i32 to vector<16xi32>
    %add3A_90 = arith.addi %mul3A_7, %add3A_89 : vector<16xi32>
    %swap3A_91 = arith.constant 3 : i32
    %swap3A_92 = arith.index_cast %swap3A_91 : i32 to index
    %swap3A_93 = arith.constant 0 : index
    %swap3A_94 = tpu.vector_load %arg7[%swap3A_92, %swap3A_93] {strides = array<i32>} : memref<8x16xi32, #tpu.memory_space<vmem>>, vector<1x16xi32>,
    %swap3A_95 = vector.shape_cast %swap3A_94 : vector<1x16xi32> to vector<16xi32>
    %swap3A_96 = vector.shape_cast %add3A_90 : vector<16xi32> to vector<1x16xi32>
    tpu.vector_store %arg7[%swap3A_92, %swap3A_93], %swap3A_96 {strides = array<i32>} : memref<8x16xi32, #tpu.memory_space<vmem>>, vector<1x16xi32>,
    %dma_start3A_97 = arith.constant 0 : i32
    %dma_start3A_98 = arith.constant 48 : i32
    %dma_start3A_99 = tpu.memref_slice %arg6[%dma_start3A_97, %dma_start3A_98] : memref<64x128xi32, #tpu.memory_space<vmem>> -> memref<1x16xi32, #tpu.memory_space<vmem>>
    %dma_start3A_100 = tpu.memref_squeeze %dma_start3A_99 : memref<1x16xi32, #tpu.memory_space<vmem>> -> memref<16xi32, #tpu.memory_space<vmem>>
    %dma_start3A_101 = arith.constant 0 : i32
    %dma_start3A_102 = arith.constant 0 : i32
    %dma_start3A_103 = tpu.memref_slice %arg3[%dma_start3A_101, %dma_start3A_102] : memref<32000x768xf32, #tpu.memory_space<hbm>> -> memref<32000x768xf32, #tpu.memory_space<hbm>>
    tpu.enqueue_indirect_dma source(%dma_start3A_103 : memref<32000x768xf32, #tpu.memory_space<hbm>>) target(%arg11 : memref<16x768xf32, #tpu.memory_space<vmem>>) offsets(%dma_start3A_100 : memref<16xi32, #tpu.memory_space<vmem>>) semaphore(%arg20 : memref<!tpu.dma_semaphore, #tpu.memory_space<semaphore_mem>>)
    %scan3A = arith.constant 0 : i32
    %scan3A_104 = arith.constant 64 : i32
    %scan3A_105 = arith.addi %scan3A, %scan3A_104 : i32
    %scan3A_106 = arith.constant 1 : i32
    scf.for %scan3A_135 = %scan3A to %scan3A_105 step %scan3A_106  : i32 {
      %mul3A_136 = arith.constant 8 : i32
      %mul3A_137 = arith.muli %scan3A_135, %mul3A_136 : i32
      %add3A_138 = arith.constant 0 : i32
      %add3A_139 = arith.addi %add3A_138, %mul3A_137 : i32
      %add3A_140 = arith.constant 0 : i32
      %add3A_141 = arith.addi %add3A_139, %add3A_140 : i32
      %jit3A = arith.constant 8 : i32
      %div3A = arith.divsi %add3A_141, %jit3A : i32
      %sign3A = arith.constant 0 : i32
      %sign3A_142 = arith.cmpi sgt, %add3A_141, %sign3A : i32
      %sign3A_143 = arith.extui %sign3A_142 : i1 to i32
      %sign3A_144 = arith.constant 0 : i32
      %sign3A_145 = arith.cmpi slt, %add3A_141, %sign3A_144 : i32
      %sign3A_146 = arith.extui %sign3A_145 : i1 to i32
      %sign3A_147 = arith.subi %sign3A_143, %sign3A_146 : i32
      %sign3A_148 = arith.constant 0 : i32
      %sign3A_149 = arith.cmpi sgt, %jit3A, %sign3A_148 : i32
      %sign3A_150 = arith.extui %sign3A_149 : i1 to i32
      %sign3A_151 = arith.constant 0 : i32
      %sign3A_152 = arith.cmpi slt, %jit3A, %sign3A_151 : i32
      %sign3A_153 = arith.extui %sign3A_152 : i1 to i32
      %sign3A_154 = arith.subi %sign3A_150, %sign3A_153 : i32
      %ne3A = arith.cmpi ne, %sign3A_147, %sign3A_154 : i32
      %rem3A = arith.remsi %add3A_141, %jit3A : i32
      %ne3A_155 = arith.constant 0 : i32
      %ne3A_156 = arith.cmpi ne, %rem3A, %ne3A_155 : i32
      %and3A = arith.andi %ne3A, %ne3A_156 : i1
      %sub3A = arith.constant 1 : i32
      %sub3A_157 = arith.subi %div3A, %sub3A : i32
      %select_n3A = arith.select %and3A, %sub3A_157, %div3A : i32
      %jit3A_158 = arith.constant 8 : i32
      %eq3A = arith.constant 0 : i32
      %eq3A_159 = arith.cmpi eq, %jit3A_158, %eq3A : i32
      %jit3A_160 = arith.constant 1 : i32
      %select_n3A_161 = arith.select %eq3A_159, %jit3A_160, %jit3A_158 : i32
      %rem3A_162 = arith.remsi %add3A_141, %select_n3A_161 : i32
      %ne3A_163 = arith.constant 0 : i32
      %ne3A_164 = arith.cmpi ne, %rem3A_162, %ne3A_163 : i32
      %lt3A = arith.constant 0 : i32
      %lt3A_165 = arith.cmpi slt, %rem3A_162, %lt3A : i32
      %lt3A_166 = arith.constant 0 : i32
      %lt3A_167 = arith.cmpi slt, %select_n3A_161, %lt3A_166 : i32
      %ne3A_168 = arith.xori %lt3A_165, %lt3A_167 : i1
      %and3A_169 = arith.andi %ne3A_168, %ne3A_164 : i1
      %add3A_170 = arith.addi %rem3A_162, %select_n3A_161 : i32
      %select_n3A_171 = arith.select %and3A_169, %add3A_170, %rem3A_162 : i32
      %add3A_172 = arith.constant 4 : i32
      %add3A_173 = arith.addi %add3A_141, %add3A_172 : i32
      %sub3A_174 = arith.constant 8 : i32
      %sub3A_175 = arith.subi %add3A_173, %sub3A_174 : i32
      %ge3A = arith.constant 0 : i32
      %ge3A_176 = arith.cmpi sge, %sub3A_175, %ge3A : i32
      %convert_element_type3A = arith.extui %ge3A_176 : i1 to i32
      %cond3A = arith.constant 0 : i32
      %cond3A_177 = arith.cmpi ne, %convert_element_type3A, %cond3A : i32
      scf.if %cond3A_177 {
        %dma_wait3A_1063 = arith.constant 4 : i32
        %dma_wait3A_1064 = arith.constant 0 : i32
        %dma_wait3A_1065 = tpu.memref_slice %arg7[%dma_wait3A_1063, %dma_wait3A_1064] : memref<8x16xi32, #tpu.memory_space<vmem>> -> memref<1x16xi32, #tpu.memory_space<vmem>>
        %dma_wait3A_1066 = tpu.memref_squeeze %dma_wait3A_1065 : memref<1x16xi32, #tpu.memory_space<vmem>> -> memref<16xi32, #tpu.memory_space<vmem>>
        %dma_wait3A_1067 = arith.constant 0 : i32
        %dma_wait3A_1068 = arith.constant 0 : i32
        %dma_wait3A_1069 = tpu.memref_slice %arg5[%dma_wait3A_1067, %dma_wait3A_1068] : memref<262144x768xf32, #tpu.memory_space<hbm>> -> memref<262144x768xf32, #tpu.memory_space<hbm>>
        tpu.wait_indirect_dma semaphore(%arg29 : memref<!tpu.dma_semaphore, #tpu.memory_space<semaphore_mem>>) src(%arg12 : memref<16x768xf32, #tpu.memory_space<vmem>>) dst(%dma_wait3A_1069 : memref<262144x768xf32, #tpu.memory_space<hbm>>)
      } else {
      }
      %add3A_178 = arith.constant 4 : i32
      %add3A_179 = arith.addi %add3A_141, %add3A_178 : i32
      %lt3A_180 = arith.constant 512 : i32
      %lt3A_181 = arith.cmpi slt, %add3A_179, %lt3A_180 : i32
      %convert_element_type3A_182 = arith.extui %lt3A_181 : i1 to i32
      %cond3A_183 = arith.constant 0 : i32
      %cond3A_184 = arith.cmpi ne, %convert_element_type3A_182, %cond3A_183 : i32
      scf.if %cond3A_184 {
        %add3A_1063 = arith.constant 4 : i32
        %add3A_1064 = arith.addi %add3A_141, %add3A_1063 : i32
        %jit3A_1065 = arith.constant 8 : i32
        %div3A_1066 = arith.divsi %add3A_1064, %jit3A_1065 : i32
        %sign3A_1067 = arith.constant 0 : i32
        %sign3A_1068 = arith.cmpi sgt, %add3A_1064, %sign3A_1067 : i32
        %sign3A_1069 = arith.extui %sign3A_1068 : i1 to i32
        %sign3A_1070 = arith.constant 0 : i32
        %sign3A_1071 = arith.cmpi slt, %add3A_1064, %sign3A_1070 : i32
        %sign3A_1072 = arith.extui %sign3A_1071 : i1 to i32
        %sign3A_1073 = arith.subi %sign3A_1069, %sign3A_1072 : i32
        %sign3A_1074 = arith.constant 0 : i32
        %sign3A_1075 = arith.cmpi sgt, %jit3A_1065, %sign3A_1074 : i32
        %sign3A_1076 = arith.extui %sign3A_1075 : i1 to i32
        %sign3A_1077 = arith.constant 0 : i32
        %sign3A_1078 = arith.cmpi slt, %jit3A_1065, %sign3A_1077 : i32
        %sign3A_1079 = arith.extui %sign3A_1078 : i1 to i32
        %sign3A_1080 = arith.subi %sign3A_1076, %sign3A_1079 : i32
        %ne3A_1081 = arith.cmpi ne, %sign3A_1073, %sign3A_1080 : i32
        %rem3A_1082 = arith.remsi %add3A_1064, %jit3A_1065 : i32
        %ne3A_1083 = arith.constant 0 : i32
        %ne3A_1084 = arith.cmpi ne, %rem3A_1082, %ne3A_1083 : i32
        %and3A_1085 = arith.andi %ne3A_1081, %ne3A_1084 : i1
        %sub3A_1086 = arith.constant 1 : i32
        %sub3A_1087 = arith.subi %div3A_1066, %sub3A_1086 : i32
        %select_n3A_1088 = arith.select %and3A_1085, %sub3A_1087, %div3A_1066 : i32
        %jit3A_1089 = arith.constant 8 : i32
        %eq3A_1090 = arith.constant 0 : i32
        %eq3A_1091 = arith.cmpi eq, %jit3A_1089, %eq3A_1090 : i32
        %jit3A_1092 = arith.constant 1 : i32
        %select_n3A_1093 = arith.select %eq3A_1091, %jit3A_1092, %jit3A_1089 : i32
        %rem3A_1094 = arith.remsi %add3A_1064, %select_n3A_1093 : i32
        %ne3A_1095 = arith.constant 0 : i32
        %ne3A_1096 = arith.cmpi ne, %rem3A_1094, %ne3A_1095 : i32
        %lt3A_1097 = arith.constant 0 : i32
        %lt3A_1098 = arith.cmpi slt, %rem3A_1094, %lt3A_1097 : i32
        %lt3A_1099 = arith.constant 0 : i32
        %lt3A_1100 = arith.cmpi slt, %select_n3A_1093, %lt3A_1099 : i32
        %ne3A_1101 = arith.xori %lt3A_1098, %lt3A_1100 : i1
        %and3A_1102 = arith.andi %ne3A_1101, %ne3A_1096 : i1
        %add3A_1103 = arith.addi %rem3A_1094, %select_n3A_1093 : i32
        %select_n3A_1104 = arith.select %and3A_1102, %add3A_1103, %rem3A_1094 : i32
        %mul3A_1105 = arith.constant 1024 : i32
        %mul3A_1106 = arith.muli %select_n3A_1104, %mul3A_1105 : i32
        %add3A_1107 = arith.addi %mul3A_2, %mul3A_1106 : i32
        %add3A_1108 = arith.addi %add3A_1107, %select_n3A_1088 : i32
        %add3A_1109 = arith.constant 0 : i32
        %add3A_1110 = arith.addi %add3A_1108, %add3A_1109 : i32
        %add3A_1111 = vector.broadcast %add3A_1110 : i32 to vector<16xi32>
        %add3A_1112 = arith.addi %mul3A_7, %add3A_1111 : vector<16xi32>
        %swap3A_1113 = arith.constant 4 : i32
        %swap3A_1114 = arith.index_cast %swap3A_1113 : i32 to index
        %swap3A_1115 = arith.constant 0 : index
        %swap3A_1116 = tpu.vector_load %arg7[%swap3A_1114, %swap3A_1115] {strides = array<i32>} : memref<8x16xi32, #tpu.memory_space<vmem>>, vector<1x16xi32>,
        %swap3A_1117 = vector.shape_cast %swap3A_1116 : vector<1x16xi32> to vector<16xi32>
        %swap3A_1118 = vector.shape_cast %add3A_1112 : vector<16xi32> to vector<1x16xi32>
        tpu.vector_store %arg7[%swap3A_1114, %swap3A_1115], %swap3A_1118 {strides = array<i32>} : memref<8x16xi32, #tpu.memory_space<vmem>>, vector<1x16xi32>,
        %jit3A_1119 = arith.constant 8 : i32
        %div3A_1120 = arith.divsi %add3A_1064, %jit3A_1119 : i32
        %sign3A_1121 = arith.constant 0 : i32
        %sign3A_1122 = arith.cmpi sgt, %add3A_1064, %sign3A_1121 : i32
        %sign3A_1123 = arith.extui %sign3A_1122 : i1 to i32
        %sign3A_1124 = arith.constant 0 : i32
        %sign3A_1125 = arith.cmpi slt, %add3A_1064, %sign3A_1124 : i32
        %sign3A_1126 = arith.extui %sign3A_1125 : i1 to i32
        %sign3A_1127 = arith.subi %sign3A_1123, %sign3A_1126 : i32
        %sign3A_1128 = arith.constant 0 : i32
        %sign3A_1129 = arith.cmpi sgt, %jit3A_1119, %sign3A_1128 : i32
        %sign3A_1130 = arith.extui %sign3A_1129 : i1 to i32
        %sign3A_1131 = arith.constant 0 : i32
        %sign3A_1132 = arith.cmpi slt, %jit3A_1119, %sign3A_1131 : i32
        %sign3A_1133 = arith.extui %sign3A_1132 : i1 to i32
        %sign3A_1134 = arith.subi %sign3A_1130, %sign3A_1133 : i32
        %ne3A_1135 = arith.cmpi ne, %sign3A_1127, %sign3A_1134 : i32
        %rem3A_1136 = arith.remsi %add3A_1064, %jit3A_1119 : i32
        %ne3A_1137 = arith.constant 0 : i32
        %ne3A_1138 = arith.cmpi ne, %rem3A_1136, %ne3A_1137 : i32
        %and3A_1139 = arith.andi %ne3A_1135, %ne3A_1138 : i1
        %sub3A_1140 = arith.constant 1 : i32
        %sub3A_1141 = arith.subi %div3A_1120, %sub3A_1140 : i32
        %select_n3A_1142 = arith.select %and3A_1139, %sub3A_1141, %div3A_1120 : i32
        %jit3A_1143 = arith.constant 8 : i32
        %eq3A_1144 = arith.constant 0 : i32
        %eq3A_1145 = arith.cmpi eq, %jit3A_1143, %eq3A_1144 : i32
        %jit3A_1146 = arith.constant 1 : i32
        %select_n3A_1147 = arith.select %eq3A_1145, %jit3A_1146, %jit3A_1143 : i32
        %rem3A_1148 = arith.remsi %add3A_1064, %select_n3A_1147 : i32
        %ne3A_1149 = arith.constant 0 : i32
        %ne3A_1150 = arith.cmpi ne, %rem3A_1148, %ne3A_1149 : i32
        %lt3A_1151 = arith.constant 0 : i32
        %lt3A_1152 = arith.cmpi slt, %rem3A_1148, %lt3A_1151 : i32
        %lt3A_1153 = arith.constant 0 : i32
        %lt3A_1154 = arith.cmpi slt, %select_n3A_1147, %lt3A_1153 : i32
        %ne3A_1155 = arith.xori %lt3A_1152, %lt3A_1154 : i1
        %and3A_1156 = arith.andi %ne3A_1155, %ne3A_1150 : i1
        %add3A_1157 = arith.addi %rem3A_1148, %select_n3A_1147 : i32
        %select_n3A_1158 = arith.select %and3A_1156, %add3A_1157, %rem3A_1148 : i32
        %mul3A_1159 = arith.constant 16 : i32
        %mul3A_1160 = arith.muli %select_n3A_1158, %mul3A_1159 : i32
        %dma_start3A_1161 = tpu.memref_slice %arg6[%select_n3A_1142, %mul3A_1160] : memref<64x128xi32, #tpu.memory_space<vmem>> -> memref<1x16xi32, #tpu.memory_space<vmem>>
        %dma_start3A_1162 = tpu.memref_squeeze %dma_start3A_1161 : memref<1x16xi32, #tpu.memory_space<vmem>> -> memref<16xi32, #tpu.memory_space<vmem>>
        %dma_start3A_1163 = arith.constant 0 : i32
        %dma_start3A_1164 = arith.constant 0 : i32
        %dma_start3A_1165 = tpu.memref_slice %arg3[%dma_start3A_1163, %dma_start3A_1164] : memref<32000x768xf32, #tpu.memory_space<hbm>> -> memref<32000x768xf32, #tpu.memory_space<hbm>>
        tpu.enqueue_indirect_dma source(%dma_start3A_1165 : memref<32000x768xf32, #tpu.memory_space<hbm>>) target(%arg12 : memref<16x768xf32, #tpu.memory_space<vmem>>) offsets(%dma_start3A_1162 : memref<16xi32, #tpu.memory_space<vmem>>) semaphore(%arg21 : memref<!tpu.dma_semaphore, #tpu.memory_space<semaphore_mem>>)
      } else {
      }
      %eq3A_185 = arith.constant 0 : i32
      %eq3A_186 = arith.cmpi eq, %select_n3A_171, %eq3A_185 : i32
      %convert_element_type3A_187 = arith.extui %eq3A_186 : i1 to i32
      %cond3A_188 = arith.constant 0 : i32
      %cond3A_189 = arith.cmpi ne, %convert_element_type3A_187, %cond3A_188 : i32
      scf.if %cond3A_189 {
        %jit3A_1063 = arith.constant 2 : i32
        %eq3A_1064 = arith.constant 0 : i32
        %eq3A_1065 = arith.cmpi eq, %jit3A_1063, %eq3A_1064 : i32
        %jit3A_1066 = arith.constant 1 : i32
        %select_n3A_1067 = arith.select %eq3A_1065, %jit3A_1066, %jit3A_1063 : i32
        %rem3A_1068 = arith.remsi %select_n3A, %select_n3A_1067 : i32
        %ne3A_1069 = arith.constant 0 : i32
        %ne3A_1070 = arith.cmpi ne, %rem3A_1068, %ne3A_1069 : i32
        %lt3A_1071 = arith.constant 0 : i32
        %lt3A_1072 = arith.cmpi slt, %rem3A_1068, %lt3A_1071 : i32
        %lt3A_1073 = arith.constant 0 : i32
        %lt3A_1074 = arith.cmpi slt, %select_n3A_1067, %lt3A_1073 : i32
        %ne3A_1075 = arith.xori %lt3A_1072, %lt3A_1074 : i1
        %and3A_1076 = arith.andi %ne3A_1075, %ne3A_1070 : i1
        %add3A_1077 = arith.addi %rem3A_1068, %select_n3A_1067 : i32
        %select_n3A_1078 = arith.select %and3A_1076, %add3A_1077, %rem3A_1068 : i32
        %eq3A_1079 = arith.constant 0 : i32
        %eq3A_1080 = arith.cmpi eq, %select_n3A_1078, %eq3A_1079 : i32
        %convert_element_type3A_1081 = arith.extui %eq3A_1080 : i1 to i32
        %cond3A_1082 = arith.constant 0 : i32
        %cond3A_1083 = arith.cmpi ne, %convert_element_type3A_1081, %cond3A_1082 : i32
        scf.if %cond3A_1083 {
          %dma_wait3A_1105 = arith.constant 0 : i32
          %dma_wait3A_1106 = arith.constant 0 : i32
          %dma_wait3A_1107 = tpu.memref_slice %arg16[%dma_wait3A_1105, %dma_wait3A_1106] : memref<2x768xf32, #tpu.memory_space<vmem>> -> memref<1x768xf32, #tpu.memory_space<vmem>>
          %dma_wait3A_1108 = tpu.memref_squeeze %dma_wait3A_1107 : memref<1x768xf32, #tpu.memory_space<vmem>> -> memref<768xf32, #tpu.memory_space<vmem>>
          %dma_wait3A_1109 = arith.constant 0 : i32
          %dma_wait3A_1110 = tpu.memref_slice %arg4[%select_n3A, %dma_wait3A_1109] : memref<64x768xf32, #tpu.memory_space<hbm>> -> memref<1x768xf32, #tpu.memory_space<hbm>>
          %dma_wait3A_1111 = tpu.memref_squeeze %dma_wait3A_1110 : memref<1x768xf32, #tpu.memory_space<hbm>> -> memref<768xf32, #tpu.memory_space<hbm>>
          %dma_wait3A_1112 = arith.constant 0 : i32
          %dma_wait3A_1113 = tpu.memref_slice %arg16[%dma_wait3A_1105, %dma_wait3A_1112] : memref<2x768xf32, #tpu.memory_space<vmem>> -> memref<1x768xf32, #tpu.memory_space<vmem>>
          %dma_wait3A_1114 = tpu.memref_squeeze %dma_wait3A_1113 : memref<1x768xf32, #tpu.memory_space<vmem>> -> memref<768xf32, #tpu.memory_space<vmem>>
          %dma_wait3A_1115 = arith.constant 0 : i32
          %dma_wait3A_1116 = tpu.memref_slice %arg4[%select_n3A, %dma_wait3A_1115] : memref<64x768xf32, #tpu.memory_space<hbm>> -> memref<1x768xf32, #tpu.memory_space<hbm>>
          %dma_wait3A_1117 = tpu.memref_squeeze %dma_wait3A_1116 : memref<1x768xf32, #tpu.memory_space<hbm>> -> memref<768xf32, #tpu.memory_space<hbm>>
          tpu.wait_dma2 semaphore(%arg33 : memref<!tpu.dma_semaphore, #tpu.memory_space<semaphore_mem>>) src(%dma_wait3A_1117 : memref<768xf32, #tpu.memory_space<hbm>>) dst(%dma_wait3A_1114 : memref<768xf32, #tpu.memory_space<vmem>>)
          %add3A_1118 = arith.constant 1 : i32
          %add3A_1119 = arith.addi %select_n3A, %add3A_1118 : i32
          %lt3A_1120 = arith.constant 64 : i32
          %lt3A_1121 = arith.cmpi slt, %add3A_1119, %lt3A_1120 : i32
          %convert_element_type3A_1122 = arith.extui %lt3A_1121 : i1 to i32
          %cond3A_1123 = arith.constant 0 : i32
          %cond3A_1124 = arith.cmpi ne, %convert_element_type3A_1122, %cond3A_1123 : i32
          scf.if %cond3A_1124 {
            %add3A_1125 = arith.constant 1 : i32
            %add3A_1126 = arith.addi %select_n3A, %add3A_1125 : i32
            %dma_start3A_1127 = arith.constant 1 : i32
            %dma_start3A_1128 = arith.constant 0 : i32
            %dma_start3A_1129 = tpu.memref_slice %arg16[%dma_start3A_1127, %dma_start3A_1128] : memref<2x768xf32, #tpu.memory_space<vmem>> -> memref<1x768xf32, #tpu.memory_space<vmem>>
            %dma_start3A_1130 = tpu.memref_squeeze %dma_start3A_1129 : memref<1x768xf32, #tpu.memory_space<vmem>> -> memref<768xf32, #tpu.memory_space<vmem>>
            %dma_start3A_1131 = arith.constant 0 : i32
            %dma_start3A_1132 = tpu.memref_slice %arg4[%add3A_1126, %dma_start3A_1131] : memref<64x768xf32, #tpu.memory_space<hbm>> -> memref<1x768xf32, #tpu.memory_space<hbm>>
            %dma_start3A_1133 = tpu.memref_squeeze %dma_start3A_1132 : memref<1x768xf32, #tpu.memory_space<hbm>> -> memref<768xf32, #tpu.memory_space<hbm>>
            %dma_start3A_1134 = arith.constant 0 : i32
            %dma_start3A_1135 = tpu.memref_slice %arg16[%dma_start3A_1127, %dma_start3A_1134] : memref<2x768xf32, #tpu.memory_space<vmem>> -> memref<1x768xf32, #tpu.memory_space<vmem>>
            %dma_start3A_1136 = tpu.memref_squeeze %dma_start3A_1135 : memref<1x768xf32, #tpu.memory_space<vmem>> -> memref<768xf32, #tpu.memory_space<vmem>>
            %dma_start3A_1137 = arith.constant 0 : i32
            %dma_start3A_1138 = tpu.memref_slice %arg4[%add3A_1126, %dma_start3A_1137] : memref<64x768xf32, #tpu.memory_space<hbm>> -> memref<1x768xf32, #tpu.memory_space<hbm>>
            %dma_start3A_1139 = tpu.memref_squeeze %dma_start3A_1138 : memref<1x768xf32, #tpu.memory_space<hbm>> -> memref<768xf32, #tpu.memory_space<hbm>>
            tpu.enqueue_dma source(%dma_start3A_1139 : memref<768xf32, #tpu.memory_space<hbm>>) target(%dma_start3A_1136 : memref<768xf32, #tpu.memory_space<vmem>>) target_semaphore(%arg34 : memref<!tpu.dma_semaphore, #tpu.memory_space<semaphore_mem>>)
          } else {
          }
        } else {
        }
        %jit3A_1084 = arith.constant 2 : i32
        %eq3A_1085 = arith.constant 0 : i32
        %eq3A_1086 = arith.cmpi eq, %jit3A_1084, %eq3A_1085 : i32
        %jit3A_1087 = arith.constant 1 : i32
        %select_n3A_1088 = arith.select %eq3A_1086, %jit3A_1087, %jit3A_1084 : i32
        %rem3A_1089 = arith.remsi %select_n3A, %select_n3A_1088 : i32
        %ne3A_1090 = arith.constant 0 : i32
        %ne3A_1091 = arith.cmpi ne, %rem3A_1089, %ne3A_1090 : i32
        %lt3A_1092 = arith.constant 0 : i32
        %lt3A_1093 = arith.cmpi slt, %rem3A_1089, %lt3A_1092 : i32
        %lt3A_1094 = arith.constant 0 : i32
        %lt3A_1095 = arith.cmpi slt, %select_n3A_1088, %lt3A_1094 : i32
        %ne3A_1096 = arith.xori %lt3A_1093, %lt3A_1095 : i1
        %and3A_1097 = arith.andi %ne3A_1096, %ne3A_1091 : i1
        %add3A_1098 = arith.addi %rem3A_1089, %select_n3A_1088 : i32
        %select_n3A_1099 = arith.select %and3A_1097, %add3A_1098, %rem3A_1089 : i32
        %eq3A_1100 = arith.constant 1 : i32
        %eq3A_1101 = arith.cmpi eq, %select_n3A_1099, %eq3A_1100 : i32
        %convert_element_type3A_1102 = arith.extui %eq3A_1101 : i1 to i32
        %cond3A_1103 = arith.constant 0 : i32
        %cond3A_1104 = arith.cmpi ne, %convert_element_type3A_1102, %cond3A_1103 : i32
        scf.if %cond3A_1104 {
          %dma_wait3A_1105 = arith.constant 1 : i32
          %dma_wait3A_1106 = arith.constant 0 : i32
          %dma_wait3A_1107 = tpu.memref_slice %arg16[%dma_wait3A_1105, %dma_wait3A_1106] : memref<2x768xf32, #tpu.memory_space<vmem>> -> memref<1x768xf32, #tpu.memory_space<vmem>>
          %dma_wait3A_1108 = tpu.memref_squeeze %dma_wait3A_1107 : memref<1x768xf32, #tpu.memory_space<vmem>> -> memref<768xf32, #tpu.memory_space<vmem>>
          %dma_wait3A_1109 = arith.constant 0 : i32
          %dma_wait3A_1110 = tpu.memref_slice %arg4[%select_n3A, %dma_wait3A_1109] : memref<64x768xf32, #tpu.memory_space<hbm>> -> memref<1x768xf32, #tpu.memory_space<hbm>>
          %dma_wait3A_1111 = tpu.memref_squeeze %dma_wait3A_1110 : memref<1x768xf32, #tpu.memory_space<hbm>> -> memref<768xf32, #tpu.memory_space<hbm>>
          %dma_wait3A_1112 = arith.constant 0 : i32
          %dma_wait3A_1113 = tpu.memref_slice %arg16[%dma_wait3A_1105, %dma_wait3A_1112] : memref<2x768xf32, #tpu.memory_space<vmem>> -> memref<1x768xf32, #tpu.memory_space<vmem>>
          %dma_wait3A_1114 = tpu.memref_squeeze %dma_wait3A_1113 : memref<1x768xf32, #tpu.memory_space<vmem>> -> memref<768xf32, #tpu.memory_space<vmem>>
          %dma_wait3A_1115 = arith.constant 0 : i32
          %dma_wait3A_1116 = tpu.memref_slice %arg4[%select_n3A, %dma_wait3A_1115] : memref<64x768xf32, #tpu.memory_space<hbm>> -> memref<1x768xf32, #tpu.memory_space<hbm>>
          %dma_wait3A_1117 = tpu.memref_squeeze %dma_wait3A_1116 : memref<1x768xf32, #tpu.memory_space<hbm>> -> memref<768xf32, #tpu.memory_space<hbm>>
          tpu.wait_dma2 semaphore(%arg34 : memref<!tpu.dma_semaphore, #tpu.memory_space<semaphore_mem>>) src(%dma_wait3A_1117 : memref<768xf32, #tpu.memory_space<hbm>>) dst(%dma_wait3A_1114 : memref<768xf32, #tpu.memory_space<vmem>>)
          %add3A_1118 = arith.constant 1 : i32
          %add3A_1119 = arith.addi %select_n3A, %add3A_1118 : i32
          %lt3A_1120 = arith.constant 64 : i32
          %lt3A_1121 = arith.cmpi slt, %add3A_1119, %lt3A_1120 : i32
          %convert_element_type3A_1122 = arith.extui %lt3A_1121 : i1 to i32
          %cond3A_1123 = arith.constant 0 : i32
          %cond3A_1124 = arith.cmpi ne, %convert_element_type3A_1122, %cond3A_1123 : i32
          scf.if %cond3A_1124 {
            %add3A_1125 = arith.constant 1 : i32
            %add3A_1126 = arith.addi %select_n3A, %add3A_1125 : i32
            %dma_start3A_1127 = arith.constant 0 : i32
            %dma_start3A_1128 = arith.constant 0 : i32
            %dma_start3A_1129 = tpu.memref_slice %arg16[%dma_start3A_1127, %dma_start3A_1128] : memref<2x768xf32, #tpu.memory_space<vmem>> -> memref<1x768xf32, #tpu.memory_space<vmem>>
            %dma_start3A_1130 = tpu.memref_squeeze %dma_start3A_1129 : memref<1x768xf32, #tpu.memory_space<vmem>> -> memref<768xf32, #tpu.memory_space<vmem>>
            %dma_start3A_1131 = arith.constant 0 : i32
            %dma_start3A_1132 = tpu.memref_slice %arg4[%add3A_1126, %dma_start3A_1131] : memref<64x768xf32, #tpu.memory_space<hbm>> -> memref<1x768xf32, #tpu.memory_space<hbm>>
            %dma_start3A_1133 = tpu.memref_squeeze %dma_start3A_1132 : memref<1x768xf32, #tpu.memory_space<hbm>> -> memref<768xf32, #tpu.memory_space<hbm>>
            %dma_start3A_1134 = arith.constant 0 : i32
            %dma_start3A_1135 = tpu.memref_slice %arg16[%dma_start3A_1127, %dma_start3A_1134] : memref<2x768xf32, #tpu.memory_space<vmem>> -> memref<1x768xf32, #tpu.memory_space<vmem>>
            %dma_start3A_1136 = tpu.memref_squeeze %dma_start3A_1135 : memref<1x768xf32, #tpu.memory_space<vmem>> -> memref<768xf32, #tpu.memory_space<vmem>>
            %dma_start3A_1137 = arith.constant 0 : i32
            %dma_start3A_1138 = tpu.memref_slice %arg4[%add3A_1126, %dma_start3A_1137] : memref<64x768xf32, #tpu.memory_space<hbm>> -> memref<1x768xf32, #tpu.memory_space<hbm>>
            %dma_start3A_1139 = tpu.memref_squeeze %dma_start3A_1138 : memref<1x768xf32, #tpu.memory_space<hbm>> -> memref<768xf32, #tpu.memory_space<hbm>>
            tpu.enqueue_dma source(%dma_start3A_1139 : memref<768xf32, #tpu.memory_space<hbm>>) target(%dma_start3A_1136 : memref<768xf32, #tpu.memory_space<vmem>>) target_semaphore(%arg33 : memref<!tpu.dma_semaphore, #tpu.memory_space<semaphore_mem>>)
          } else {
          }
        } else {
        }
      } else {
      }
      %jit3A_190 = arith.constant 8 : i32
      %div3A_191 = arith.divsi %add3A_141, %jit3A_190 : i32
      %sign3A_192 = arith.constant 0 : i32
      %sign3A_193 = arith.cmpi sgt, %add3A_141, %sign3A_192 : i32
      %sign3A_194 = arith.extui %sign3A_193 : i1 to i32
      %sign3A_195 = arith.constant 0 : i32
      %sign3A_196 = arith.cmpi slt, %add3A_141, %sign3A_195 : i32
      %sign3A_197 = arith.extui %sign3A_196 : i1 to i32
      %sign3A_198 = arith.subi %sign3A_194, %sign3A_197 : i32
      %sign3A_199 = arith.constant 0 : i32
      %sign3A_200 = arith.cmpi sgt, %jit3A_190, %sign3A_199 : i32
      %sign3A_201 = arith.extui %sign3A_200 : i1 to i32
      %sign3A_202 = arith.constant 0 : i32
      %sign3A_203 = arith.cmpi slt, %jit3A_190, %sign3A_202 : i32
      %sign3A_204 = arith.extui %sign3A_203 : i1 to i32
      %sign3A_205 = arith.subi %sign3A_201, %sign3A_204 : i32
      %ne3A_206 = arith.cmpi ne, %sign3A_198, %sign3A_205 : i32
      %rem3A_207 = arith.remsi %add3A_141, %jit3A_190 : i32
      %ne3A_208 = arith.constant 0 : i32
      %ne3A_209 = arith.cmpi ne, %rem3A_207, %ne3A_208 : i32
      %and3A_210 = arith.andi %ne3A_206, %ne3A_209 : i1
      %sub3A_211 = arith.constant 1 : i32
      %sub3A_212 = arith.subi %div3A_191, %sub3A_211 : i32
      %select_n3A_213 = arith.select %and3A_210, %sub3A_212, %div3A_191 : i32
      %jit3A_214 = arith.constant 8 : i32
      %eq3A_215 = arith.constant 0 : i32
      %eq3A_216 = arith.cmpi eq, %jit3A_214, %eq3A_215 : i32
      %jit3A_217 = arith.constant 1 : i32
      %select_n3A_218 = arith.select %eq3A_216, %jit3A_217, %jit3A_214 : i32
      %rem3A_219 = arith.remsi %add3A_141, %select_n3A_218 : i32
      %ne3A_220 = arith.constant 0 : i32
      %ne3A_221 = arith.cmpi ne, %rem3A_219, %ne3A_220 : i32
      %lt3A_222 = arith.constant 0 : i32
      %lt3A_223 = arith.cmpi slt, %rem3A_219, %lt3A_222 : i32
      %lt3A_224 = arith.constant 0 : i32
      %lt3A_225 = arith.cmpi slt, %select_n3A_218, %lt3A_224 : i32
      %ne3A_226 = arith.xori %lt3A_223, %lt3A_225 : i1
      %and3A_227 = arith.andi %ne3A_226, %ne3A_221 : i1
      %add3A_228 = arith.addi %rem3A_219, %select_n3A_218 : i32
      %select_n3A_229 = arith.select %and3A_227, %add3A_228, %rem3A_219 : i32
      %mul3A_230 = arith.constant 16 : i32
      %mul3A_231 = arith.muli %select_n3A_229, %mul3A_230 : i32
      %dma_wait3A_232 = tpu.memref_slice %arg6[%select_n3A_213, %mul3A_231] : memref<64x128xi32, #tpu.memory_space<vmem>> -> memref<1x16xi32, #tpu.memory_space<vmem>>
      %dma_wait3A_233 = tpu.memref_squeeze %dma_wait3A_232 : memref<1x16xi32, #tpu.memory_space<vmem>> -> memref<16xi32, #tpu.memory_space<vmem>>
      %dma_wait3A_234 = arith.constant 0 : i32
      %dma_wait3A_235 = arith.constant 0 : i32
      %dma_wait3A_236 = tpu.memref_slice %arg3[%dma_wait3A_234, %dma_wait3A_235] : memref<32000x768xf32, #tpu.memory_space<hbm>> -> memref<32000x768xf32, #tpu.memory_space<hbm>>
      tpu.wait_indirect_dma semaphore(%arg17 : memref<!tpu.dma_semaphore, #tpu.memory_space<semaphore_mem>>) src(%dma_wait3A_236 : memref<32000x768xf32, #tpu.memory_space<hbm>>) dst(%arg8 : memref<16x768xf32, #tpu.memory_space<vmem>>)
      %dma_start3A_237 = arith.constant 0 : i32
      %dma_start3A_238 = arith.constant 0 : i32
      %dma_start3A_239 = tpu.memref_slice %arg7[%dma_start3A_237, %dma_start3A_238] : memref<8x16xi32, #tpu.memory_space<vmem>> -> memref<1x16xi32, #tpu.memory_space<vmem>>
      %dma_start3A_240 = tpu.memref_squeeze %dma_start3A_239 : memref<1x16xi32, #tpu.memory_space<vmem>> -> memref<16xi32, #tpu.memory_space<vmem>>
      %dma_start3A_241 = arith.constant 0 : i32
      %dma_start3A_242 = arith.constant 0 : i32
      %dma_start3A_243 = tpu.memref_slice %arg5[%dma_start3A_241, %dma_start3A_242] : memref<262144x768xf32, #tpu.memory_space<hbm>> -> memref<262144x768xf32, #tpu.memory_space<hbm>>
      tpu.enqueue_indirect_dma source(%arg8 : memref<16x768xf32, #tpu.memory_space<vmem>>) target(%dma_start3A_243 : memref<262144x768xf32, #tpu.memory_space<hbm>>) offsets(%dma_start3A_240 : memref<16xi32, #tpu.memory_space<vmem>>) semaphore(%arg25 : memref<!tpu.dma_semaphore, #tpu.memory_space<semaphore_mem>>)
      %add3A_244 = arith.constant 1 : i32
      %add3A_245 = arith.addi %add3A_139, %add3A_244 : i32
      %jit3A_246 = arith.constant 8 : i32
      %div3A_247 = arith.divsi %add3A_245, %jit3A_246 : i32
      %sign3A_248 = arith.constant 0 : i32
      %sign3A_249 = arith.cmpi sgt, %add3A_245, %sign3A_248 : i32
      %sign3A_250 = arith.extui %sign3A_249 : i1 to i32
      %sign3A_251 = arith.constant 0 : i32
      %sign3A_252 = arith.cmpi slt, %add3A_245, %sign3A_251 : i32
      %sign3A_253 = arith.extui %sign3A_252 : i1 to i32
      %sign3A_254 = arith.subi %sign3A_250, %sign3A_253 : i32
      %sign3A_255 = arith.constant 0 : i32
      %sign3A_256 = arith.cmpi sgt, %jit3A_246, %sign3A_255 : i32
      %sign3A_257 = arith.extui %sign3A_256 : i1 to i32
      %sign3A_258 = arith.constant 0 : i32
      %sign3A_259 = arith.cmpi slt, %jit3A_246, %sign3A_258 : i32
      %sign3A_260 = arith.extui %sign3A_259 : i1 to i32
      %sign3A_261 = arith.subi %sign3A_257, %sign3A_260 : i32
      %ne3A_262 = arith.cmpi ne, %sign3A_254, %sign3A_261 : i32
      %rem3A_263 = arith.remsi %add3A_245, %jit3A_246 : i32
      %ne3A_264 = arith.constant 0 : i32
      %ne3A_265 = arith.cmpi ne, %rem3A_263, %ne3A_264 : i32
      %and3A_266 = arith.andi %ne3A_262, %ne3A_265 : i1
      %sub3A_267 = arith.constant 1 : i32
      %sub3A_268 = arith.subi %div3A_247, %sub3A_267 : i32
      %select_n3A_269 = arith.select %and3A_266, %sub3A_268, %div3A_247 : i32
      %jit3A_270 = arith.constant 8 : i32
      %eq3A_271 = arith.constant 0 : i32
      %eq3A_272 = arith.cmpi eq, %jit3A_270, %eq3A_271 : i32
      %jit3A_273 = arith.constant 1 : i32
      %select_n3A_274 = arith.select %eq3A_272, %jit3A_273, %jit3A_270 : i32
      %rem3A_275 = arith.remsi %add3A_245, %select_n3A_274 : i32
      %ne3A_276 = arith.constant 0 : i32
      %ne3A_277 = arith.cmpi ne, %rem3A_275, %ne3A_276 : i32
      %lt3A_278 = arith.constant 0 : i32
      %lt3A_279 = arith.cmpi slt, %rem3A_275, %lt3A_278 : i32
      %lt3A_280 = arith.constant 0 : i32
      %lt3A_281 = arith.cmpi slt, %select_n3A_274, %lt3A_280 : i32
      %ne3A_282 = arith.xori %lt3A_279, %lt3A_281 : i1
      %and3A_283 = arith.andi %ne3A_282, %ne3A_277 : i1
      %add3A_284 = arith.addi %rem3A_275, %select_n3A_274 : i32
      %select_n3A_285 = arith.select %and3A_283, %add3A_284, %rem3A_275 : i32
      %add3A_286 = arith.constant 4 : i32
      %add3A_287 = arith.addi %add3A_245, %add3A_286 : i32
      %sub3A_288 = arith.constant 8 : i32
      %sub3A_289 = arith.subi %add3A_287, %sub3A_288 : i32
      %ge3A_290 = arith.constant 0 : i32
      %ge3A_291 = arith.cmpi sge, %sub3A_289, %ge3A_290 : i32
      %convert_element_type3A_292 = arith.extui %ge3A_291 : i1 to i32
      %cond3A_293 = arith.constant 0 : i32
      %cond3A_294 = arith.cmpi ne, %convert_element_type3A_292, %cond3A_293 : i32
      scf.if %cond3A_294 {
        %dma_wait3A_1063 = arith.constant 5 : i32
        %dma_wait3A_1064 = arith.constant 0 : i32
        %dma_wait3A_1065 = tpu.memref_slice %arg7[%dma_wait3A_1063, %dma_wait3A_1064] : memref<8x16xi32, #tpu.memory_space<vmem>> -> memref<1x16xi32, #tpu.memory_space<vmem>>
        %dma_wait3A_1066 = tpu.memref_squeeze %dma_wait3A_1065 : memref<1x16xi32, #tpu.memory_space<vmem>> -> memref<16xi32, #tpu.memory_space<vmem>>
        %dma_wait3A_1067 = arith.constant 0 : i32
        %dma_wait3A_1068 = arith.constant 0 : i32
        %dma_wait3A_1069 = tpu.memref_slice %arg5[%dma_wait3A_1067, %dma_wait3A_1068] : memref<262144x768xf32, #tpu.memory_space<hbm>> -> memref<262144x768xf32, #tpu.memory_space<hbm>>
        tpu.wait_indirect_dma semaphore(%arg30 : memref<!tpu.dma_semaphore, #tpu.memory_space<semaphore_mem>>) src(%arg13 : memref<16x768xf32, #tpu.memory_space<vmem>>) dst(%dma_wait3A_1069 : memref<262144x768xf32, #tpu.memory_space<hbm>>)
      } else {
      }
      %add3A_295 = arith.constant 4 : i32
      %add3A_296 = arith.addi %add3A_245, %add3A_295 : i32
      %lt3A_297 = arith.constant 512 : i32
      %lt3A_298 = arith.cmpi slt, %add3A_296, %lt3A_297 : i32
      %convert_element_type3A_299 = arith.extui %lt3A_298 : i1 to i32
      %cond3A_300 = arith.constant 0 : i32
      %cond3A_301 = arith.cmpi ne, %convert_element_type3A_299, %cond3A_300 : i32
      scf.if %cond3A_301 {
        %add3A_1063 = arith.constant 4 : i32
        %add3A_1064 = arith.addi %add3A_245, %add3A_1063 : i32
        %jit3A_1065 = arith.constant 8 : i32
        %div3A_1066 = arith.divsi %add3A_1064, %jit3A_1065 : i32
        %sign3A_1067 = arith.constant 0 : i32
        %sign3A_1068 = arith.cmpi sgt, %add3A_1064, %sign3A_1067 : i32
        %sign3A_1069 = arith.extui %sign3A_1068 : i1 to i32
        %sign3A_1070 = arith.constant 0 : i32
        %sign3A_1071 = arith.cmpi slt, %add3A_1064, %sign3A_1070 : i32
        %sign3A_1072 = arith.extui %sign3A_1071 : i1 to i32
        %sign3A_1073 = arith.subi %sign3A_1069, %sign3A_1072 : i32
        %sign3A_1074 = arith.constant 0 : i32
        %sign3A_1075 = arith.cmpi sgt, %jit3A_1065, %sign3A_1074 : i32
        %sign3A_1076 = arith.extui %sign3A_1075 : i1 to i32
        %sign3A_1077 = arith.constant 0 : i32
        %sign3A_1078 = arith.cmpi slt, %jit3A_1065, %sign3A_1077 : i32
        %sign3A_1079 = arith.extui %sign3A_1078 : i1 to i32
        %sign3A_1080 = arith.subi %sign3A_1076, %sign3A_1079 : i32
        %ne3A_1081 = arith.cmpi ne, %sign3A_1073, %sign3A_1080 : i32
        %rem3A_1082 = arith.remsi %add3A_1064, %jit3A_1065 : i32
        %ne3A_1083 = arith.constant 0 : i32
        %ne3A_1084 = arith.cmpi ne, %rem3A_1082, %ne3A_1083 : i32
        %and3A_1085 = arith.andi %ne3A_1081, %ne3A_1084 : i1
        %sub3A_1086 = arith.constant 1 : i32
        %sub3A_1087 = arith.subi %div3A_1066, %sub3A_1086 : i32
        %select_n3A_1088 = arith.select %and3A_1085, %sub3A_1087, %div3A_1066 : i32
        %jit3A_1089 = arith.constant 8 : i32
        %eq3A_1090 = arith.constant 0 : i32
        %eq3A_1091 = arith.cmpi eq, %jit3A_1089, %eq3A_1090 : i32
        %jit3A_1092 = arith.constant 1 : i32
        %select_n3A_1093 = arith.select %eq3A_1091, %jit3A_1092, %jit3A_1089 : i32
        %rem3A_1094 = arith.remsi %add3A_1064, %select_n3A_1093 : i32
        %ne3A_1095 = arith.constant 0 : i32
        %ne3A_1096 = arith.cmpi ne, %rem3A_1094, %ne3A_1095 : i32
        %lt3A_1097 = arith.constant 0 : i32
        %lt3A_1098 = arith.cmpi slt, %rem3A_1094, %lt3A_1097 : i32
        %lt3A_1099 = arith.constant 0 : i32
        %lt3A_1100 = arith.cmpi slt, %select_n3A_1093, %lt3A_1099 : i32
        %ne3A_1101 = arith.xori %lt3A_1098, %lt3A_1100 : i1
        %and3A_1102 = arith.andi %ne3A_1101, %ne3A_1096 : i1
        %add3A_1103 = arith.addi %rem3A_1094, %select_n3A_1093 : i32
        %select_n3A_1104 = arith.select %and3A_1102, %add3A_1103, %rem3A_1094 : i32
        %mul3A_1105 = arith.constant 1024 : i32
        %mul3A_1106 = arith.muli %select_n3A_1104, %mul3A_1105 : i32
        %add3A_1107 = arith.addi %mul3A_2, %mul3A_1106 : i32
        %add3A_1108 = arith.addi %add3A_1107, %select_n3A_1088 : i32
        %add3A_1109 = arith.constant 0 : i32
        %add3A_1110 = arith.addi %add3A_1108, %add3A_1109 : i32
        %add3A_1111 = vector.broadcast %add3A_1110 : i32 to vector<16xi32>
        %add3A_1112 = arith.addi %mul3A_7, %add3A_1111 : vector<16xi32>
        %swap3A_1113 = arith.constant 5 : i32
        %swap3A_1114 = arith.index_cast %swap3A_1113 : i32 to index
        %swap3A_1115 = arith.constant 0 : index
        %swap3A_1116 = tpu.vector_load %arg7[%swap3A_1114, %swap3A_1115] {strides = array<i32>} : memref<8x16xi32, #tpu.memory_space<vmem>>, vector<1x16xi32>,
        %swap3A_1117 = vector.shape_cast %swap3A_1116 : vector<1x16xi32> to vector<16xi32>
        %swap3A_1118 = vector.shape_cast %add3A_1112 : vector<16xi32> to vector<1x16xi32>
        tpu.vector_store %arg7[%swap3A_1114, %swap3A_1115], %swap3A_1118 {strides = array<i32>} : memref<8x16xi32, #tpu.memory_space<vmem>>, vector<1x16xi32>,
        %jit3A_1119 = arith.constant 8 : i32
        %div3A_1120 = arith.divsi %add3A_1064, %jit3A_1119 : i32
        %sign3A_1121 = arith.constant 0 : i32
        %sign3A_1122 = arith.cmpi sgt, %add3A_1064, %sign3A_1121 : i32
        %sign3A_1123 = arith.extui %sign3A_1122 : i1 to i32
        %sign3A_1124 = arith.constant 0 : i32
        %sign3A_1125 = arith.cmpi slt, %add3A_1064, %sign3A_1124 : i32
        %sign3A_1126 = arith.extui %sign3A_1125 : i1 to i32
        %sign3A_1127 = arith.subi %sign3A_1123, %sign3A_1126 : i32
        %sign3A_1128 = arith.constant 0 : i32
        %sign3A_1129 = arith.cmpi sgt, %jit3A_1119, %sign3A_1128 : i32
        %sign3A_1130 = arith.extui %sign3A_1129 : i1 to i32
        %sign3A_1131 = arith.constant 0 : i32
        %sign3A_1132 = arith.cmpi slt, %jit3A_1119, %sign3A_1131 : i32
        %sign3A_1133 = arith.extui %sign3A_1132 : i1 to i32
        %sign3A_1134 = arith.subi %sign3A_1130, %sign3A_1133 : i32
        %ne3A_1135 = arith.cmpi ne, %sign3A_1127, %sign3A_1134 : i32
        %rem3A_1136 = arith.remsi %add3A_1064, %jit3A_1119 : i32
        %ne3A_1137 = arith.constant 0 : i32
        %ne3A_1138 = arith.cmpi ne, %rem3A_1136, %ne3A_1137 : i32
        %and3A_1139 = arith.andi %ne3A_1135, %ne3A_1138 : i1
        %sub3A_1140 = arith.constant 1 : i32
        %sub3A_1141 = arith.subi %div3A_1120, %sub3A_1140 : i32
        %select_n3A_1142 = arith.select %and3A_1139, %sub3A_1141, %div3A_1120 : i32
        %jit3A_1143 = arith.constant 8 : i32
        %eq3A_1144 = arith.constant 0 : i32
        %eq3A_1145 = arith.cmpi eq, %jit3A_1143, %eq3A_1144 : i32
        %jit3A_1146 = arith.constant 1 : i32
        %select_n3A_1147 = arith.select %eq3A_1145, %jit3A_1146, %jit3A_1143 : i32
        %rem3A_1148 = arith.remsi %add3A_1064, %select_n3A_1147 : i32
        %ne3A_1149 = arith.constant 0 : i32
        %ne3A_1150 = arith.cmpi ne, %rem3A_1148, %ne3A_1149 : i32
        %lt3A_1151 = arith.constant 0 : i32
        %lt3A_1152 = arith.cmpi slt, %rem3A_1148, %lt3A_1151 : i32
        %lt3A_1153 = arith.constant 0 : i32
        %lt3A_1154 = arith.cmpi slt, %select_n3A_1147, %lt3A_1153 : i32
        %ne3A_1155 = arith.xori %lt3A_1152, %lt3A_1154 : i1
        %and3A_1156 = arith.andi %ne3A_1155, %ne3A_1150 : i1
        %add3A_1157 = arith.addi %rem3A_1148, %select_n3A_1147 : i32
        %select_n3A_1158 = arith.select %and3A_1156, %add3A_1157, %rem3A_1148 : i32
        %mul3A_1159 = arith.constant 16 : i32
        %mul3A_1160 = arith.muli %select_n3A_1158, %mul3A_1159 : i32
        %dma_start3A_1161 = tpu.memref_slice %arg6[%select_n3A_1142, %mul3A_1160] : memref<64x128xi32, #tpu.memory_space<vmem>> -> memref<1x16xi32, #tpu.memory_space<vmem>>
        %dma_start3A_1162 = tpu.memref_squeeze %dma_start3A_1161 : memref<1x16xi32, #tpu.memory_space<vmem>> -> memref<16xi32, #tpu.memory_space<vmem>>
        %dma_start3A_1163 = arith.constant 0 : i32
        %dma_start3A_1164 = arith.constant 0 : i32
        %dma_start3A_1165 = tpu.memref_slice %arg3[%dma_start3A_1163, %dma_start3A_1164] : memref<32000x768xf32, #tpu.memory_space<hbm>> -> memref<32000x768xf32, #tpu.memory_space<hbm>>
        tpu.enqueue_indirect_dma source(%dma_start3A_1165 : memref<32000x768xf32, #tpu.memory_space<hbm>>) target(%arg13 : memref<16x768xf32, #tpu.memory_space<vmem>>) offsets(%dma_start3A_1162 : memref<16xi32, #tpu.memory_space<vmem>>) semaphore(%arg22 : memref<!tpu.dma_semaphore, #tpu.memory_space<semaphore_mem>>)
      } else {
      }
      %eq3A_302 = arith.constant 0 : i32
      %eq3A_303 = arith.cmpi eq, %select_n3A_285, %eq3A_302 : i32
      %convert_element_type3A_304 = arith.extui %eq3A_303 : i1 to i32
      %cond3A_305 = arith.constant 0 : i32
      %cond3A_306 = arith.cmpi ne, %convert_element_type3A_304, %cond3A_305 : i32
      scf.if %cond3A_306 {
        %jit3A_1063 = arith.constant 2 : i32
        %eq3A_1064 = arith.constant 0 : i32
        %eq3A_1065 = arith.cmpi eq, %jit3A_1063, %eq3A_1064 : i32
        %jit3A_1066 = arith.constant 1 : i32
        %select_n3A_1067 = arith.select %eq3A_1065, %jit3A_1066, %jit3A_1063 : i32
        %rem3A_1068 = arith.remsi %select_n3A_269, %select_n3A_1067 : i32
        %ne3A_1069 = arith.constant 0 : i32
        %ne3A_1070 = arith.cmpi ne, %rem3A_1068, %ne3A_1069 : i32
        %lt3A_1071 = arith.constant 0 : i32
        %lt3A_1072 = arith.cmpi slt, %rem3A_1068, %lt3A_1071 : i32
        %lt3A_1073 = arith.constant 0 : i32
        %lt3A_1074 = arith.cmpi slt, %select_n3A_1067, %lt3A_1073 : i32
        %ne3A_1075 = arith.xori %lt3A_1072, %lt3A_1074 : i1
        %and3A_1076 = arith.andi %ne3A_1075, %ne3A_1070 : i1
        %add3A_1077 = arith.addi %rem3A_1068, %select_n3A_1067 : i32
        %select_n3A_1078 = arith.select %and3A_1076, %add3A_1077, %rem3A_1068 : i32
        %eq3A_1079 = arith.constant 0 : i32
        %eq3A_1080 = arith.cmpi eq, %select_n3A_1078, %eq3A_1079 : i32
        %convert_element_type3A_1081 = arith.extui %eq3A_1080 : i1 to i32
        %cond3A_1082 = arith.constant 0 : i32
        %cond3A_1083 = arith.cmpi ne, %convert_element_type3A_1081, %cond3A_1082 : i32
        scf.if %cond3A_1083 {
          %dma_wait3A_1105 = arith.constant 0 : i32
          %dma_wait3A_1106 = arith.constant 0 : i32
          %dma_wait3A_1107 = tpu.memref_slice %arg16[%dma_wait3A_1105, %dma_wait3A_1106] : memref<2x768xf32, #tpu.memory_space<vmem>> -> memref<1x768xf32, #tpu.memory_space<vmem>>
          %dma_wait3A_1108 = tpu.memref_squeeze %dma_wait3A_1107 : memref<1x768xf32, #tpu.memory_space<vmem>> -> memref<768xf32, #tpu.memory_space<vmem>>
          %dma_wait3A_1109 = arith.constant 0 : i32
          %dma_wait3A_1110 = tpu.memref_slice %arg4[%select_n3A_269, %dma_wait3A_1109] : memref<64x768xf32, #tpu.memory_space<hbm>> -> memref<1x768xf32, #tpu.memory_space<hbm>>
          %dma_wait3A_1111 = tpu.memref_squeeze %dma_wait3A_1110 : memref<1x768xf32, #tpu.memory_space<hbm>> -> memref<768xf32, #tpu.memory_space<hbm>>
          %dma_wait3A_1112 = arith.constant 0 : i32
          %dma_wait3A_1113 = tpu.memref_slice %arg16[%dma_wait3A_1105, %dma_wait3A_1112] : memref<2x768xf32, #tpu.memory_space<vmem>> -> memref<1x768xf32, #tpu.memory_space<vmem>>
          %dma_wait3A_1114 = tpu.memref_squeeze %dma_wait3A_1113 : memref<1x768xf32, #tpu.memory_space<vmem>> -> memref<768xf32, #tpu.memory_space<vmem>>
          %dma_wait3A_1115 = arith.constant 0 : i32
          %dma_wait3A_1116 = tpu.memref_slice %arg4[%select_n3A_269, %dma_wait3A_1115] : memref<64x768xf32, #tpu.memory_space<hbm>> -> memref<1x768xf32, #tpu.memory_space<hbm>>
          %dma_wait3A_1117 = tpu.memref_squeeze %dma_wait3A_1116 : memref<1x768xf32, #tpu.memory_space<hbm>> -> memref<768xf32, #tpu.memory_space<hbm>>
          tpu.wait_dma2 semaphore(%arg33 : memref<!tpu.dma_semaphore, #tpu.memory_space<semaphore_mem>>) src(%dma_wait3A_1117 : memref<768xf32, #tpu.memory_space<hbm>>) dst(%dma_wait3A_1114 : memref<768xf32, #tpu.memory_space<vmem>>)
          %add3A_1118 = arith.constant 1 : i32
          %add3A_1119 = arith.addi %select_n3A_269, %add3A_1118 : i32
          %lt3A_1120 = arith.constant 64 : i32
          %lt3A_1121 = arith.cmpi slt, %add3A_1119, %lt3A_1120 : i32
          %convert_element_type3A_1122 = arith.extui %lt3A_1121 : i1 to i32
          %cond3A_1123 = arith.constant 0 : i32
          %cond3A_1124 = arith.cmpi ne, %convert_element_type3A_1122, %cond3A_1123 : i32
          scf.if %cond3A_1124 {
            %add3A_1125 = arith.constant 1 : i32
            %add3A_1126 = arith.addi %select_n3A_269, %add3A_1125 : i32
            %dma_start3A_1127 = arith.constant 1 : i32
            %dma_start3A_1128 = arith.constant 0 : i32
            %dma_start3A_1129 = tpu.memref_slice %arg16[%dma_start3A_1127, %dma_start3A_1128] : memref<2x768xf32, #tpu.memory_space<vmem>> -> memref<1x768xf32, #tpu.memory_space<vmem>>
            %dma_start3A_1130 = tpu.memref_squeeze %dma_start3A_1129 : memref<1x768xf32, #tpu.memory_space<vmem>> -> memref<768xf32, #tpu.memory_space<vmem>>
            %dma_start3A_1131 = arith.constant 0 : i32
            %dma_start3A_1132 = tpu.memref_slice %arg4[%add3A_1126, %dma_start3A_1131] : memref<64x768xf32, #tpu.memory_space<hbm>> -> memref<1x768xf32, #tpu.memory_space<hbm>>
            %dma_start3A_1133 = tpu.memref_squeeze %dma_start3A_1132 : memref<1x768xf32, #tpu.memory_space<hbm>> -> memref<768xf32, #tpu.memory_space<hbm>>
            %dma_start3A_1134 = arith.constant 0 : i32
            %dma_start3A_1135 = tpu.memref_slice %arg16[%dma_start3A_1127, %dma_start3A_1134] : memref<2x768xf32, #tpu.memory_space<vmem>> -> memref<1x768xf32, #tpu.memory_space<vmem>>
            %dma_start3A_1136 = tpu.memref_squeeze %dma_start3A_1135 : memref<1x768xf32, #tpu.memory_space<vmem>> -> memref<768xf32, #tpu.memory_space<vmem>>
            %dma_start3A_1137 = arith.constant 0 : i32
            %dma_start3A_1138 = tpu.memref_slice %arg4[%add3A_1126, %dma_start3A_1137] : memref<64x768xf32, #tpu.memory_space<hbm>> -> memref<1x768xf32, #tpu.memory_space<hbm>>
            %dma_start3A_1139 = tpu.memref_squeeze %dma_start3A_1138 : memref<1x768xf32, #tpu.memory_space<hbm>> -> memref<768xf32, #tpu.memory_space<hbm>>
            tpu.enqueue_dma source(%dma_start3A_1139 : memref<768xf32, #tpu.memory_space<hbm>>) target(%dma_start3A_1136 : memref<768xf32, #tpu.memory_space<vmem>>) target_semaphore(%arg34 : memref<!tpu.dma_semaphore, #tpu.memory_space<semaphore_mem>>)
          } else {
          }
        } else {
        }
        %jit3A_1084 = arith.constant 2 : i32
        %eq3A_1085 = arith.constant 0 : i32
        %eq3A_1086 = arith.cmpi eq, %jit3A_1084, %eq3A_1085 : i32
        %jit3A_1087 = arith.constant 1 : i32
        %select_n3A_1088 = arith.select %eq3A_1086, %jit3A_1087, %jit3A_1084 : i32
        %rem3A_1089 = arith.remsi %select_n3A_269, %select_n3A_1088 : i32
        %ne3A_1090 = arith.constant 0 : i32
        %ne3A_1091 = arith.cmpi ne, %rem3A_1089, %ne3A_1090 : i32
        %lt3A_1092 = arith.constant 0 : i32
        %lt3A_1093 = arith.cmpi slt, %rem3A_1089, %lt3A_1092 : i32
        %lt3A_1094 = arith.constant 0 : i32
        %lt3A_1095 = arith.cmpi slt, %select_n3A_1088, %lt3A_1094 : i32
        %ne3A_1096 = arith.xori %lt3A_1093, %lt3A_1095 : i1
        %and3A_1097 = arith.andi %ne3A_1096, %ne3A_1091 : i1
        %add3A_1098 = arith.addi %rem3A_1089, %select_n3A_1088 : i32
        %select_n3A_1099 = arith.select %and3A_1097, %add3A_1098, %rem3A_1089 : i32
        %eq3A_1100 = arith.constant 1 : i32
        %eq3A_1101 = arith.cmpi eq, %select_n3A_1099, %eq3A_1100 : i32
        %convert_element_type3A_1102 = arith.extui %eq3A_1101 : i1 to i32
        %cond3A_1103 = arith.constant 0 : i32
        %cond3A_1104 = arith.cmpi ne, %convert_element_type3A_1102, %cond3A_1103 : i32
        scf.if %cond3A_1104 {
          %dma_wait3A_1105 = arith.constant 1 : i32
          %dma_wait3A_1106 = arith.constant 0 : i32
          %dma_wait3A_1107 = tpu.memref_slice %arg16[%dma_wait3A_1105, %dma_wait3A_1106] : memref<2x768xf32, #tpu.memory_space<vmem>> -> memref<1x768xf32, #tpu.memory_space<vmem>>
          %dma_wait3A_1108 = tpu.memref_squeeze %dma_wait3A_1107 : memref<1x768xf32, #tpu.memory_space<vmem>> -> memref<768xf32, #tpu.memory_space<vmem>>
          %dma_wait3A_1109 = arith.constant 0 : i32
          %dma_wait3A_1110 = tpu.memref_slice %arg4[%select_n3A_269, %dma_wait3A_1109] : memref<64x768xf32, #tpu.memory_space<hbm>> -> memref<1x768xf32, #tpu.memory_space<hbm>>
          %dma_wait3A_1111 = tpu.memref_squeeze %dma_wait3A_1110 : memref<1x768xf32, #tpu.memory_space<hbm>> -> memref<768xf32, #tpu.memory_space<hbm>>
          %dma_wait3A_1112 = arith.constant 0 : i32
          %dma_wait3A_1113 = tpu.memref_slice %arg16[%dma_wait3A_1105, %dma_wait3A_1112] : memref<2x768xf32, #tpu.memory_space<vmem>> -> memref<1x768xf32, #tpu.memory_space<vmem>>
          %dma_wait3A_1114 = tpu.memref_squeeze %dma_wait3A_1113 : memref<1x768xf32, #tpu.memory_space<vmem>> -> memref<768xf32, #tpu.memory_space<vmem>>
          %dma_wait3A_1115 = arith.constant 0 : i32
          %dma_wait3A_1116 = tpu.memref_slice %arg4[%select_n3A_269, %dma_wait3A_1115] : memref<64x768xf32, #tpu.memory_space<hbm>> -> memref<1x768xf32, #tpu.memory_space<hbm>>
          %dma_wait3A_1117 = tpu.memref_squeeze %dma_wait3A_1116 : memref<1x768xf32, #tpu.memory_space<hbm>> -> memref<768xf32, #tpu.memory_space<hbm>>
          tpu.wait_dma2 semaphore(%arg34 : memref<!tpu.dma_semaphore, #tpu.memory_space<semaphore_mem>>) src(%dma_wait3A_1117 : memref<768xf32, #tpu.memory_space<hbm>>) dst(%dma_wait3A_1114 : memref<768xf32, #tpu.memory_space<vmem>>)
          %add3A_1118 = arith.constant 1 : i32
          %add3A_1119 = arith.addi %select_n3A_269, %add3A_1118 : i32
          %lt3A_1120 = arith.constant 64 : i32
          %lt3A_1121 = arith.cmpi slt, %add3A_1119, %lt3A_1120 : i32
          %convert_element_type3A_1122 = arith.extui %lt3A_1121 : i1 to i32
          %cond3A_1123 = arith.constant 0 : i32
          %cond3A_1124 = arith.cmpi ne, %convert_element_type3A_1122, %cond3A_1123 : i32
          scf.if %cond3A_1124 {
            %add3A_1125 = arith.constant 1 : i32
            %add3A_1126 = arith.addi %select_n3A_269, %add3A_1125 : i32
            %dma_start3A_1127 = arith.constant 0 : i32
            %dma_start3A_1128 = arith.constant 0 : i32
            %dma_start3A_1129 = tpu.memref_slice %arg16[%dma_start3A_1127, %dma_start3A_1128] : memref<2x768xf32, #tpu.memory_space<vmem>> -> memref<1x768xf32, #tpu.memory_space<vmem>>
            %dma_start3A_1130 = tpu.memref_squeeze %dma_start3A_1129 : memref<1x768xf32, #tpu.memory_space<vmem>> -> memref<768xf32, #tpu.memory_space<vmem>>
            %dma_start3A_1131 = arith.constant 0 : i32
            %dma_start3A_1132 = tpu.memref_slice %arg4[%add3A_1126, %dma_start3A_1131] : memref<64x768xf32, #tpu.memory_space<hbm>> -> memref<1x768xf32, #tpu.memory_space<hbm>>
            %dma_start3A_1133 = tpu.memref_squeeze %dma_start3A_1132 : memref<1x768xf32, #tpu.memory_space<hbm>> -> memref<768xf32, #tpu.memory_space<hbm>>
            %dma_start3A_1134 = arith.constant 0 : i32
            %dma_start3A_1135 = tpu.memref_slice %arg16[%dma_start3A_1127, %dma_start3A_1134] : memref<2x768xf32, #tpu.memory_space<vmem>> -> memref<1x768xf32, #tpu.memory_space<vmem>>
            %dma_start3A_1136 = tpu.memref_squeeze %dma_start3A_1135 : memref<1x768xf32, #tpu.memory_space<vmem>> -> memref<768xf32, #tpu.memory_space<vmem>>
            %dma_start3A_1137 = arith.constant 0 : i32
            %dma_start3A_1138 = tpu.memref_slice %arg4[%add3A_1126, %dma_start3A_1137] : memref<64x768xf32, #tpu.memory_space<hbm>> -> memref<1x768xf32, #tpu.memory_space<hbm>>
            %dma_start3A_1139 = tpu.memref_squeeze %dma_start3A_1138 : memref<1x768xf32, #tpu.memory_space<hbm>> -> memref<768xf32, #tpu.memory_space<hbm>>
            tpu.enqueue_dma source(%dma_start3A_1139 : memref<768xf32, #tpu.memory_space<hbm>>) target(%dma_start3A_1136 : memref<768xf32, #tpu.memory_space<vmem>>) target_semaphore(%arg33 : memref<!tpu.dma_semaphore, #tpu.memory_space<semaphore_mem>>)
          } else {
          }
        } else {
        }
      } else {
      }
      %jit3A_307 = arith.constant 8 : i32
      %div3A_308 = arith.divsi %add3A_245, %jit3A_307 : i32
      %sign3A_309 = arith.constant 0 : i32
      %sign3A_310 = arith.cmpi sgt, %add3A_245, %sign3A_309 : i32
      %sign3A_311 = arith.extui %sign3A_310 : i1 to i32
      %sign3A_312 = arith.constant 0 : i32
      %sign3A_313 = arith.cmpi slt, %add3A_245, %sign3A_312 : i32
      %sign3A_314 = arith.extui %sign3A_313 : i1 to i32
      %sign3A_315 = arith.subi %sign3A_311, %sign3A_314 : i32
      %sign3A_316 = arith.constant 0 : i32
      %sign3A_317 = arith.cmpi sgt, %jit3A_307, %sign3A_316 : i32
      %sign3A_318 = arith.extui %sign3A_317 : i1 to i32
      %sign3A_319 = arith.constant 0 : i32
      %sign3A_320 = arith.cmpi slt, %jit3A_307, %sign3A_319 : i32
      %sign3A_321 = arith.extui %sign3A_320 : i1 to i32
      %sign3A_322 = arith.subi %sign3A_318, %sign3A_321 : i32
      %ne3A_323 = arith.cmpi ne, %sign3A_315, %sign3A_322 : i32
      %rem3A_324 = arith.remsi %add3A_245, %jit3A_307 : i32
      %ne3A_325 = arith.constant 0 : i32
      %ne3A_326 = arith.cmpi ne, %rem3A_324, %ne3A_325 : i32
      %and3A_327 = arith.andi %ne3A_323, %ne3A_326 : i1
      %sub3A_328 = arith.constant 1 : i32
      %sub3A_329 = arith.subi %div3A_308, %sub3A_328 : i32
      %select_n3A_330 = arith.select %and3A_327, %sub3A_329, %div3A_308 : i32
      %jit3A_331 = arith.constant 8 : i32
      %eq3A_332 = arith.constant 0 : i32
      %eq3A_333 = arith.cmpi eq, %jit3A_331, %eq3A_332 : i32
      %jit3A_334 = arith.constant 1 : i32
      %select_n3A_335 = arith.select %eq3A_333, %jit3A_334, %jit3A_331 : i32
      %rem3A_336 = arith.remsi %add3A_245, %select_n3A_335 : i32
      %ne3A_337 = arith.constant 0 : i32
      %ne3A_338 = arith.cmpi ne, %rem3A_336, %ne3A_337 : i32
      %lt3A_339 = arith.constant 0 : i32
      %lt3A_340 = arith.cmpi slt, %rem3A_336, %lt3A_339 : i32
      %lt3A_341 = arith.constant 0 : i32
      %lt3A_342 = arith.cmpi slt, %select_n3A_335, %lt3A_341 : i32
      %ne3A_343 = arith.xori %lt3A_340, %lt3A_342 : i1
      %and3A_344 = arith.andi %ne3A_343, %ne3A_338 : i1
      %add3A_345 = arith.addi %rem3A_336, %select_n3A_335 : i32
      %select_n3A_346 = arith.select %and3A_344, %add3A_345, %rem3A_336 : i32
      %mul3A_347 = arith.constant 16 : i32
      %mul3A_348 = arith.muli %select_n3A_346, %mul3A_347 : i32
      %dma_wait3A_349 = tpu.memref_slice %arg6[%select_n3A_330, %mul3A_348] : memref<64x128xi32, #tpu.memory_space<vmem>> -> memref<1x16xi32, #tpu.memory_space<vmem>>
      %dma_wait3A_350 = tpu.memref_squeeze %dma_wait3A_349 : memref<1x16xi32, #tpu.memory_space<vmem>> -> memref<16xi32, #tpu.memory_space<vmem>>
      %dma_wait3A_351 = arith.constant 0 : i32
      %dma_wait3A_352 = arith.constant 0 : i32
      %dma_wait3A_353 = tpu.memref_slice %arg3[%dma_wait3A_351, %dma_wait3A_352] : memref<32000x768xf32, #tpu.memory_space<hbm>> -> memref<32000x768xf32, #tpu.memory_space<hbm>>
      tpu.wait_indirect_dma semaphore(%arg18 : memref<!tpu.dma_semaphore, #tpu.memory_space<semaphore_mem>>) src(%dma_wait3A_353 : memref<32000x768xf32, #tpu.memory_space<hbm>>) dst(%arg9 : memref<16x768xf32, #tpu.memory_space<vmem>>)
      %dma_start3A_354 = arith.constant 1 : i32
      %dma_start3A_355 = arith.constant 0 : i32
      %dma_start3A_356 = tpu.memref_slice %arg7[%dma_start3A_354, %dma_start3A_355] : memref<8x16xi32, #tpu.memory_space<vmem>> -> memref<1x16xi32, #tpu.memory_space<vmem>>
      %dma_start3A_357 = tpu.memref_squeeze %dma_start3A_356 : memref<1x16xi32, #tpu.memory_space<vmem>> -> memref<16xi32, #tpu.memory_space<vmem>>
      %dma_start3A_358 = arith.constant 0 : i32
      %dma_start3A_359 = arith.constant 0 : i32
      %dma_start3A_360 = tpu.memref_slice %arg5[%dma_start3A_358, %dma_start3A_359] : memref<262144x768xf32, #tpu.memory_space<hbm>> -> memref<262144x768xf32, #tpu.memory_space<hbm>>
      tpu.enqueue_indirect_dma source(%arg9 : memref<16x768xf32, #tpu.memory_space<vmem>>) target(%dma_start3A_360 : memref<262144x768xf32, #tpu.memory_space<hbm>>) offsets(%dma_start3A_357 : memref<16xi32, #tpu.memory_space<vmem>>) semaphore(%arg26 : memref<!tpu.dma_semaphore, #tpu.memory_space<semaphore_mem>>)
      %add3A_361 = arith.constant 2 : i32
      %add3A_362 = arith.addi %add3A_139, %add3A_361 : i32
      %jit3A_363 = arith.constant 8 : i32
      %div3A_364 = arith.divsi %add3A_362, %jit3A_363 : i32
      %sign3A_365 = arith.constant 0 : i32
      %sign3A_366 = arith.cmpi sgt, %add3A_362, %sign3A_365 : i32
      %sign3A_367 = arith.extui %sign3A_366 : i1 to i32
      %sign3A_368 = arith.constant 0 : i32
      %sign3A_369 = arith.cmpi slt, %add3A_362, %sign3A_368 : i32
      %sign3A_370 = arith.extui %sign3A_369 : i1 to i32
      %sign3A_371 = arith.subi %sign3A_367, %sign3A_370 : i32
      %sign3A_372 = arith.constant 0 : i32
      %sign3A_373 = arith.cmpi sgt, %jit3A_363, %sign3A_372 : i32
      %sign3A_374 = arith.extui %sign3A_373 : i1 to i32
      %sign3A_375 = arith.constant 0 : i32
      %sign3A_376 = arith.cmpi slt, %jit3A_363, %sign3A_375 : i32
      %sign3A_377 = arith.extui %sign3A_376 : i1 to i32
      %sign3A_378 = arith.subi %sign3A_374, %sign3A_377 : i32
      %ne3A_379 = arith.cmpi ne, %sign3A_371, %sign3A_378 : i32
      %rem3A_380 = arith.remsi %add3A_362, %jit3A_363 : i32
      %ne3A_381 = arith.constant 0 : i32
      %ne3A_382 = arith.cmpi ne, %rem3A_380, %ne3A_381 : i32
      %and3A_383 = arith.andi %ne3A_379, %ne3A_382 : i1
      %sub3A_384 = arith.constant 1 : i32
      %sub3A_385 = arith.subi %div3A_364, %sub3A_384 : i32
      %select_n3A_386 = arith.select %and3A_383, %sub3A_385, %div3A_364 : i32
      %jit3A_387 = arith.constant 8 : i32
      %eq3A_388 = arith.constant 0 : i32
      %eq3A_389 = arith.cmpi eq, %jit3A_387, %eq3A_388 : i32
      %jit3A_390 = arith.constant 1 : i32
      %select_n3A_391 = arith.select %eq3A_389, %jit3A_390, %jit3A_387 : i32
      %rem3A_392 = arith.remsi %add3A_362, %select_n3A_391 : i32
      %ne3A_393 = arith.constant 0 : i32
      %ne3A_394 = arith.cmpi ne, %rem3A_392, %ne3A_393 : i32
      %lt3A_395 = arith.constant 0 : i32
      %lt3A_396 = arith.cmpi slt, %rem3A_392, %lt3A_395 : i32
      %lt3A_397 = arith.constant 0 : i32
      %lt3A_398 = arith.cmpi slt, %select_n3A_391, %lt3A_397 : i32
      %ne3A_399 = arith.xori %lt3A_396, %lt3A_398 : i1
      %and3A_400 = arith.andi %ne3A_399, %ne3A_394 : i1
      %add3A_401 = arith.addi %rem3A_392, %select_n3A_391 : i32
      %select_n3A_402 = arith.select %and3A_400, %add3A_401, %rem3A_392 : i32
      %add3A_403 = arith.constant 4 : i32
      %add3A_404 = arith.addi %add3A_362, %add3A_403 : i32
      %sub3A_405 = arith.constant 8 : i32
      %sub3A_406 = arith.subi %add3A_404, %sub3A_405 : i32
      %ge3A_407 = arith.constant 0 : i32
      %ge3A_408 = arith.cmpi sge, %sub3A_406, %ge3A_407 : i32
      %convert_element_type3A_409 = arith.extui %ge3A_408 : i1 to i32
      %cond3A_410 = arith.constant 0 : i32
      %cond3A_411 = arith.cmpi ne, %convert_element_type3A_409, %cond3A_410 : i32
      scf.if %cond3A_411 {
        %dma_wait3A_1063 = arith.constant 6 : i32
        %dma_wait3A_1064 = arith.constant 0 : i32
        %dma_wait3A_1065 = tpu.memref_slice %arg7[%dma_wait3A_1063, %dma_wait3A_1064] : memref<8x16xi32, #tpu.memory_space<vmem>> -> memref<1x16xi32, #tpu.memory_space<vmem>>
        %dma_wait3A_1066 = tpu.memref_squeeze %dma_wait3A_1065 : memref<1x16xi32, #tpu.memory_space<vmem>> -> memref<16xi32, #tpu.memory_space<vmem>>
        %dma_wait3A_1067 = arith.constant 0 : i32
        %dma_wait3A_1068 = arith.constant 0 : i32
        %dma_wait3A_1069 = tpu.memref_slice %arg5[%dma_wait3A_1067, %dma_wait3A_1068] : memref<262144x768xf32, #tpu.memory_space<hbm>> -> memref<262144x768xf32, #tpu.memory_space<hbm>>
        tpu.wait_indirect_dma semaphore(%arg31 : memref<!tpu.dma_semaphore, #tpu.memory_space<semaphore_mem>>) src(%arg14 : memref<16x768xf32, #tpu.memory_space<vmem>>) dst(%dma_wait3A_1069 : memref<262144x768xf32, #tpu.memory_space<hbm>>)
      } else {
      }
      %add3A_412 = arith.constant 4 : i32
      %add3A_413 = arith.addi %add3A_362, %add3A_412 : i32
      %lt3A_414 = arith.constant 512 : i32
      %lt3A_415 = arith.cmpi slt, %add3A_413, %lt3A_414 : i32
      %convert_element_type3A_416 = arith.extui %lt3A_415 : i1 to i32
      %cond3A_417 = arith.constant 0 : i32
      %cond3A_418 = arith.cmpi ne, %convert_element_type3A_416, %cond3A_417 : i32
      scf.if %cond3A_418 {
        %add3A_1063 = arith.constant 4 : i32
        %add3A_1064 = arith.addi %add3A_362, %add3A_1063 : i32
        %jit3A_1065 = arith.constant 8 : i32
        %div3A_1066 = arith.divsi %add3A_1064, %jit3A_1065 : i32
        %sign3A_1067 = arith.constant 0 : i32
        %sign3A_1068 = arith.cmpi sgt, %add3A_1064, %sign3A_1067 : i32
        %sign3A_1069 = arith.extui %sign3A_1068 : i1 to i32
        %sign3A_1070 = arith.constant 0 : i32
        %sign3A_1071 = arith.cmpi slt, %add3A_1064, %sign3A_1070 : i32
        %sign3A_1072 = arith.extui %sign3A_1071 : i1 to i32
        %sign3A_1073 = arith.subi %sign3A_1069, %sign3A_1072 : i32
        %sign3A_1074 = arith.constant 0 : i32
        %sign3A_1075 = arith.cmpi sgt, %jit3A_1065, %sign3A_1074 : i32
        %sign3A_1076 = arith.extui %sign3A_1075 : i1 to i32
        %sign3A_1077 = arith.constant 0 : i32
        %sign3A_1078 = arith.cmpi slt, %jit3A_1065, %sign3A_1077 : i32
        %sign3A_1079 = arith.extui %sign3A_1078 : i1 to i32
        %sign3A_1080 = arith.subi %sign3A_1076, %sign3A_1079 : i32
        %ne3A_1081 = arith.cmpi ne, %sign3A_1073, %sign3A_1080 : i32
        %rem3A_1082 = arith.remsi %add3A_1064, %jit3A_1065 : i32
        %ne3A_1083 = arith.constant 0 : i32
        %ne3A_1084 = arith.cmpi ne, %rem3A_1082, %ne3A_1083 : i32
        %and3A_1085 = arith.andi %ne3A_1081, %ne3A_1084 : i1
        %sub3A_1086 = arith.constant 1 : i32
        %sub3A_1087 = arith.subi %div3A_1066, %sub3A_1086 : i32
        %select_n3A_1088 = arith.select %and3A_1085, %sub3A_1087, %div3A_1066 : i32
        %jit3A_1089 = arith.constant 8 : i32
        %eq3A_1090 = arith.constant 0 : i32
        %eq3A_1091 = arith.cmpi eq, %jit3A_1089, %eq3A_1090 : i32
        %jit3A_1092 = arith.constant 1 : i32
        %select_n3A_1093 = arith.select %eq3A_1091, %jit3A_1092, %jit3A_1089 : i32
        %rem3A_1094 = arith.remsi %add3A_1064, %select_n3A_1093 : i32
        %ne3A_1095 = arith.constant 0 : i32
        %ne3A_1096 = arith.cmpi ne, %rem3A_1094, %ne3A_1095 : i32
        %lt3A_1097 = arith.constant 0 : i32
        %lt3A_1098 = arith.cmpi slt, %rem3A_1094, %lt3A_1097 : i32
        %lt3A_1099 = arith.constant 0 : i32
        %lt3A_1100 = arith.cmpi slt, %select_n3A_1093, %lt3A_1099 : i32
        %ne3A_1101 = arith.xori %lt3A_1098, %lt3A_1100 : i1
        %and3A_1102 = arith.andi %ne3A_1101, %ne3A_1096 : i1
        %add3A_1103 = arith.addi %rem3A_1094, %select_n3A_1093 : i32
        %select_n3A_1104 = arith.select %and3A_1102, %add3A_1103, %rem3A_1094 : i32
        %mul3A_1105 = arith.constant 1024 : i32
        %mul3A_1106 = arith.muli %select_n3A_1104, %mul3A_1105 : i32
        %add3A_1107 = arith.addi %mul3A_2, %mul3A_1106 : i32
        %add3A_1108 = arith.addi %add3A_1107, %select_n3A_1088 : i32
        %add3A_1109 = arith.constant 0 : i32
        %add3A_1110 = arith.addi %add3A_1108, %add3A_1109 : i32
        %add3A_1111 = vector.broadcast %add3A_1110 : i32 to vector<16xi32>
        %add3A_1112 = arith.addi %mul3A_7, %add3A_1111 : vector<16xi32>
        %swap3A_1113 = arith.constant 6 : i32
        %swap3A_1114 = arith.index_cast %swap3A_1113 : i32 to index
        %swap3A_1115 = arith.constant 0 : index
        %swap3A_1116 = tpu.vector_load %arg7[%swap3A_1114, %swap3A_1115] {strides = array<i32>} : memref<8x16xi32, #tpu.memory_space<vmem>>, vector<1x16xi32>,
        %swap3A_1117 = vector.shape_cast %swap3A_1116 : vector<1x16xi32> to vector<16xi32>
        %swap3A_1118 = vector.shape_cast %add3A_1112 : vector<16xi32> to vector<1x16xi32>
        tpu.vector_store %arg7[%swap3A_1114, %swap3A_1115], %swap3A_1118 {strides = array<i32>} : memref<8x16xi32, #tpu.memory_space<vmem>>, vector<1x16xi32>,
        %jit3A_1119 = arith.constant 8 : i32
        %div3A_1120 = arith.divsi %add3A_1064, %jit3A_1119 : i32
        %sign3A_1121 = arith.constant 0 : i32
        %sign3A_1122 = arith.cmpi sgt, %add3A_1064, %sign3A_1121 : i32
        %sign3A_1123 = arith.extui %sign3A_1122 : i1 to i32
        %sign3A_1124 = arith.constant 0 : i32
        %sign3A_1125 = arith.cmpi slt, %add3A_1064, %sign3A_1124 : i32
        %sign3A_1126 = arith.extui %sign3A_1125 : i1 to i32
        %sign3A_1127 = arith.subi %sign3A_1123, %sign3A_1126 : i32
        %sign3A_1128 = arith.constant 0 : i32
        %sign3A_1129 = arith.cmpi sgt, %jit3A_1119, %sign3A_1128 : i32
        %sign3A_1130 = arith.extui %sign3A_1129 : i1 to i32
        %sign3A_1131 = arith.constant 0 : i32
        %sign3A_1132 = arith.cmpi slt, %jit3A_1119, %sign3A_1131 : i32
        %sign3A_1133 = arith.extui %sign3A_1132 : i1 to i32
        %sign3A_1134 = arith.subi %sign3A_1130, %sign3A_1133 : i32
        %ne3A_1135 = arith.cmpi ne, %sign3A_1127, %sign3A_1134 : i32
        %rem3A_1136 = arith.remsi %add3A_1064, %jit3A_1119 : i32
        %ne3A_1137 = arith.constant 0 : i32
        %ne3A_1138 = arith.cmpi ne, %rem3A_1136, %ne3A_1137 : i32
        %and3A_1139 = arith.andi %ne3A_1135, %ne3A_1138 : i1
        %sub3A_1140 = arith.constant 1 : i32
        %sub3A_1141 = arith.subi %div3A_1120, %sub3A_1140 : i32
        %select_n3A_1142 = arith.select %and3A_1139, %sub3A_1141, %div3A_1120 : i32
        %jit3A_1143 = arith.constant 8 : i32
        %eq3A_1144 = arith.constant 0 : i32
        %eq3A_1145 = arith.cmpi eq, %jit3A_1143, %eq3A_1144 : i32
        %jit3A_1146 = arith.constant 1 : i32
        %select_n3A_1147 = arith.select %eq3A_1145, %jit3A_1146, %jit3A_1143 : i32
        %rem3A_1148 = arith.remsi %add3A_1064, %select_n3A_1147 : i32
        %ne3A_1149 = arith.constant 0 : i32
        %ne3A_1150 = arith.cmpi ne, %rem3A_1148, %ne3A_1149 : i32
        %lt3A_1151 = arith.constant 0 : i32
        %lt3A_1152 = arith.cmpi slt, %rem3A_1148, %lt3A_1151 : i32
        %lt3A_1153 = arith.constant 0 : i32
        %lt3A_1154 = arith.cmpi slt, %select_n3A_1147, %lt3A_1153 : i32
        %ne3A_1155 = arith.xori %lt3A_1152, %lt3A_1154 : i1
        %and3A_1156 = arith.andi %ne3A_1155, %ne3A_1150 : i1
        %add3A_1157 = arith.addi %rem3A_1148, %select_n3A_1147 : i32
        %select_n3A_1158 = arith.select %and3A_1156, %add3A_1157, %rem3A_1148 : i32
        %mul3A_1159 = arith.constant 16 : i32
        %mul3A_1160 = arith.muli %select_n3A_1158, %mul3A_1159 : i32
        %dma_start3A_1161 = tpu.memref_slice %arg6[%select_n3A_1142, %mul3A_1160] : memref<64x128xi32, #tpu.memory_space<vmem>> -> memref<1x16xi32, #tpu.memory_space<vmem>>
        %dma_start3A_1162 = tpu.memref_squeeze %dma_start3A_1161 : memref<1x16xi32, #tpu.memory_space<vmem>> -> memref<16xi32, #tpu.memory_space<vmem>>
        %dma_start3A_1163 = arith.constant 0 : i32
        %dma_start3A_1164 = arith.constant 0 : i32
        %dma_start3A_1165 = tpu.memref_slice %arg3[%dma_start3A_1163, %dma_start3A_1164] : memref<32000x768xf32, #tpu.memory_space<hbm>> -> memref<32000x768xf32, #tpu.memory_space<hbm>>
        tpu.enqueue_indirect_dma source(%dma_start3A_1165 : memref<32000x768xf32, #tpu.memory_space<hbm>>) target(%arg14 : memref<16x768xf32, #tpu.memory_space<vmem>>) offsets(%dma_start3A_1162 : memref<16xi32, #tpu.memory_space<vmem>>) semaphore(%arg23 : memref<!tpu.dma_semaphore, #tpu.memory_space<semaphore_mem>>)
      } else {
      }
      %eq3A_419 = arith.constant 0 : i32
      %eq3A_420 = arith.cmpi eq, %select_n3A_402, %eq3A_419 : i32
      %convert_element_type3A_421 = arith.extui %eq3A_420 : i1 to i32
      %cond3A_422 = arith.constant 0 : i32
      %cond3A_423 = arith.cmpi ne, %convert_element_type3A_421, %cond3A_422 : i32
      scf.if %cond3A_423 {
        %jit3A_1063 = arith.constant 2 : i32
        %eq3A_1064 = arith.constant 0 : i32
        %eq3A_1065 = arith.cmpi eq, %jit3A_1063, %eq3A_1064 : i32
        %jit3A_1066 = arith.constant 1 : i32
        %select_n3A_1067 = arith.select %eq3A_1065, %jit3A_1066, %jit3A_1063 : i32
        %rem3A_1068 = arith.remsi %select_n3A_386, %select_n3A_1067 : i32
        %ne3A_1069 = arith.constant 0 : i32
        %ne3A_1070 = arith.cmpi ne, %rem3A_1068, %ne3A_1069 : i32
        %lt3A_1071 = arith.constant 0 : i32
        %lt3A_1072 = arith.cmpi slt, %rem3A_1068, %lt3A_1071 : i32
        %lt3A_1073 = arith.constant 0 : i32
        %lt3A_1074 = arith.cmpi slt, %select_n3A_1067, %lt3A_1073 : i32
        %ne3A_1075 = arith.xori %lt3A_1072, %lt3A_1074 : i1
        %and3A_1076 = arith.andi %ne3A_1075, %ne3A_1070 : i1
        %add3A_1077 = arith.addi %rem3A_1068, %select_n3A_1067 : i32
        %select_n3A_1078 = arith.select %and3A_1076, %add3A_1077, %rem3A_1068 : i32
        %eq3A_1079 = arith.constant 0 : i32
        %eq3A_1080 = arith.cmpi eq, %select_n3A_1078, %eq3A_1079 : i32
        %convert_element_type3A_1081 = arith.extui %eq3A_1080 : i1 to i32
        %cond3A_1082 = arith.constant 0 : i32
        %cond3A_1083 = arith.cmpi ne, %convert_element_type3A_1081, %cond3A_1082 : i32
        scf.if %cond3A_1083 {
          %dma_wait3A_1105 = arith.constant 0 : i32
          %dma_wait3A_1106 = arith.constant 0 : i32
          %dma_wait3A_1107 = tpu.memref_slice %arg16[%dma_wait3A_1105, %dma_wait3A_1106] : memref<2x768xf32, #tpu.memory_space<vmem>> -> memref<1x768xf32, #tpu.memory_space<vmem>>
          %dma_wait3A_1108 = tpu.memref_squeeze %dma_wait3A_1107 : memref<1x768xf32, #tpu.memory_space<vmem>> -> memref<768xf32, #tpu.memory_space<vmem>>
          %dma_wait3A_1109 = arith.constant 0 : i32
          %dma_wait3A_1110 = tpu.memref_slice %arg4[%select_n3A_386, %dma_wait3A_1109] : memref<64x768xf32, #tpu.memory_space<hbm>> -> memref<1x768xf32, #tpu.memory_space<hbm>>
          %dma_wait3A_1111 = tpu.memref_squeeze %dma_wait3A_1110 : memref<1x768xf32, #tpu.memory_space<hbm>> -> memref<768xf32, #tpu.memory_space<hbm>>
          %dma_wait3A_1112 = arith.constant 0 : i32
          %dma_wait3A_1113 = tpu.memref_slice %arg16[%dma_wait3A_1105, %dma_wait3A_1112] : memref<2x768xf32, #tpu.memory_space<vmem>> -> memref<1x768xf32, #tpu.memory_space<vmem>>
          %dma_wait3A_1114 = tpu.memref_squeeze %dma_wait3A_1113 : memref<1x768xf32, #tpu.memory_space<vmem>> -> memref<768xf32, #tpu.memory_space<vmem>>
          %dma_wait3A_1115 = arith.constant 0 : i32
          %dma_wait3A_1116 = tpu.memref_slice %arg4[%select_n3A_386, %dma_wait3A_1115] : memref<64x768xf32, #tpu.memory_space<hbm>> -> memref<1x768xf32, #tpu.memory_space<hbm>>
          %dma_wait3A_1117 = tpu.memref_squeeze %dma_wait3A_1116 : memref<1x768xf32, #tpu.memory_space<hbm>> -> memref<768xf32, #tpu.memory_space<hbm>>
          tpu.wait_dma2 semaphore(%arg33 : memref<!tpu.dma_semaphore, #tpu.memory_space<semaphore_mem>>) src(%dma_wait3A_1117 : memref<768xf32, #tpu.memory_space<hbm>>) dst(%dma_wait3A_1114 : memref<768xf32, #tpu.memory_space<vmem>>)
          %add3A_1118 = arith.constant 1 : i32
          %add3A_1119 = arith.addi %select_n3A_386, %add3A_1118 : i32
          %lt3A_1120 = arith.constant 64 : i32
          %lt3A_1121 = arith.cmpi slt, %add3A_1119, %lt3A_1120 : i32
          %convert_element_type3A_1122 = arith.extui %lt3A_1121 : i1 to i32
          %cond3A_1123 = arith.constant 0 : i32
          %cond3A_1124 = arith.cmpi ne, %convert_element_type3A_1122, %cond3A_1123 : i32
          scf.if %cond3A_1124 {
            %add3A_1125 = arith.constant 1 : i32
            %add3A_1126 = arith.addi %select_n3A_386, %add3A_1125 : i32
            %dma_start3A_1127 = arith.constant 1 : i32
            %dma_start3A_1128 = arith.constant 0 : i32
            %dma_start3A_1129 = tpu.memref_slice %arg16[%dma_start3A_1127, %dma_start3A_1128] : memref<2x768xf32, #tpu.memory_space<vmem>> -> memref<1x768xf32, #tpu.memory_space<vmem>>
            %dma_start3A_1130 = tpu.memref_squeeze %dma_start3A_1129 : memref<1x768xf32, #tpu.memory_space<vmem>> -> memref<768xf32, #tpu.memory_space<vmem>>
            %dma_start3A_1131 = arith.constant 0 : i32
            %dma_start3A_1132 = tpu.memref_slice %arg4[%add3A_1126, %dma_start3A_1131] : memref<64x768xf32, #tpu.memory_space<hbm>> -> memref<1x768xf32, #tpu.memory_space<hbm>>
            %dma_start3A_1133 = tpu.memref_squeeze %dma_start3A_1132 : memref<1x768xf32, #tpu.memory_space<hbm>> -> memref<768xf32, #tpu.memory_space<hbm>>
            %dma_start3A_1134 = arith.constant 0 : i32
            %dma_start3A_1135 = tpu.memref_slice %arg16[%dma_start3A_1127, %dma_start3A_1134] : memref<2x768xf32, #tpu.memory_space<vmem>> -> memref<1x768xf32, #tpu.memory_space<vmem>>
            %dma_start3A_1136 = tpu.memref_squeeze %dma_start3A_1135 : memref<1x768xf32, #tpu.memory_space<vmem>> -> memref<768xf32, #tpu.memory_space<vmem>>
            %dma_start3A_1137 = arith.constant 0 : i32
            %dma_start3A_1138 = tpu.memref_slice %arg4[%add3A_1126, %dma_start3A_1137] : memref<64x768xf32, #tpu.memory_space<hbm>> -> memref<1x768xf32, #tpu.memory_space<hbm>>
            %dma_start3A_1139 = tpu.memref_squeeze %dma_start3A_1138 : memref<1x768xf32, #tpu.memory_space<hbm>> -> memref<768xf32, #tpu.memory_space<hbm>>
            tpu.enqueue_dma source(%dma_start3A_1139 : memref<768xf32, #tpu.memory_space<hbm>>) target(%dma_start3A_1136 : memref<768xf32, #tpu.memory_space<vmem>>) target_semaphore(%arg34 : memref<!tpu.dma_semaphore, #tpu.memory_space<semaphore_mem>>)
          } else {
          }
        } else {
        }
        %jit3A_1084 = arith.constant 2 : i32
        %eq3A_1085 = arith.constant 0 : i32
        %eq3A_1086 = arith.cmpi eq, %jit3A_1084, %eq3A_1085 : i32
        %jit3A_1087 = arith.constant 1 : i32
        %select_n3A_1088 = arith.select %eq3A_1086, %jit3A_1087, %jit3A_1084 : i32
        %rem3A_1089 = arith.remsi %select_n3A_386, %select_n3A_1088 : i32
        %ne3A_1090 = arith.constant 0 : i32
        %ne3A_1091 = arith.cmpi ne, %rem3A_1089, %ne3A_1090 : i32
        %lt3A_1092 = arith.constant 0 : i32
        %lt3A_1093 = arith.cmpi slt, %rem3A_1089, %lt3A_1092 : i32
        %lt3A_1094 = arith.constant 0 : i32
        %lt3A_1095 = arith.cmpi slt, %select_n3A_1088, %lt3A_1094 : i32
        %ne3A_1096 = arith.xori %lt3A_1093, %lt3A_1095 : i1
        %and3A_1097 = arith.andi %ne3A_1096, %ne3A_1091 : i1
        %add3A_1098 = arith.addi %rem3A_1089, %select_n3A_1088 : i32
        %select_n3A_1099 = arith.select %and3A_1097, %add3A_1098, %rem3A_1089 : i32
        %eq3A_1100 = arith.constant 1 : i32
        %eq3A_1101 = arith.cmpi eq, %select_n3A_1099, %eq3A_1100 : i32
        %convert_element_type3A_1102 = arith.extui %eq3A_1101 : i1 to i32
        %cond3A_1103 = arith.constant 0 : i32
        %cond3A_1104 = arith.cmpi ne, %convert_element_type3A_1102, %cond3A_1103 : i32
        scf.if %cond3A_1104 {
          %dma_wait3A_1105 = arith.constant 1 : i32
          %dma_wait3A_1106 = arith.constant 0 : i32
          %dma_wait3A_1107 = tpu.memref_slice %arg16[%dma_wait3A_1105, %dma_wait3A_1106] : memref<2x768xf32, #tpu.memory_space<vmem>> -> memref<1x768xf32, #tpu.memory_space<vmem>>
          %dma_wait3A_1108 = tpu.memref_squeeze %dma_wait3A_1107 : memref<1x768xf32, #tpu.memory_space<vmem>> -> memref<768xf32, #tpu.memory_space<vmem>>
          %dma_wait3A_1109 = arith.constant 0 : i32
          %dma_wait3A_1110 = tpu.memref_slice %arg4[%select_n3A_386, %dma_wait3A_1109] : memref<64x768xf32, #tpu.memory_space<hbm>> -> memref<1x768xf32, #tpu.memory_space<hbm>>
          %dma_wait3A_1111 = tpu.memref_squeeze %dma_wait3A_1110 : memref<1x768xf32, #tpu.memory_space<hbm>> -> memref<768xf32, #tpu.memory_space<hbm>>
          %dma_wait3A_1112 = arith.constant 0 : i32
          %dma_wait3A_1113 = tpu.memref_slice %arg16[%dma_wait3A_1105, %dma_wait3A_1112] : memref<2x768xf32, #tpu.memory_space<vmem>> -> memref<1x768xf32, #tpu.memory_space<vmem>>
          %dma_wait3A_1114 = tpu.memref_squeeze %dma_wait3A_1113 : memref<1x768xf32, #tpu.memory_space<vmem>> -> memref<768xf32, #tpu.memory_space<vmem>>
          %dma_wait3A_1115 = arith.constant 0 : i32
          %dma_wait3A_1116 = tpu.memref_slice %arg4[%select_n3A_386, %dma_wait3A_1115] : memref<64x768xf32, #tpu.memory_space<hbm>> -> memref<1x768xf32, #tpu.memory_space<hbm>>
          %dma_wait3A_1117 = tpu.memref_squeeze %dma_wait3A_1116 : memref<1x768xf32, #tpu.memory_space<hbm>> -> memref<768xf32, #tpu.memory_space<hbm>>
          tpu.wait_dma2 semaphore(%arg34 : memref<!tpu.dma_semaphore, #tpu.memory_space<semaphore_mem>>) src(%dma_wait3A_1117 : memref<768xf32, #tpu.memory_space<hbm>>) dst(%dma_wait3A_1114 : memref<768xf32, #tpu.memory_space<vmem>>)
          %add3A_1118 = arith.constant 1 : i32
          %add3A_1119 = arith.addi %select_n3A_386, %add3A_1118 : i32
          %lt3A_1120 = arith.constant 64 : i32
          %lt3A_1121 = arith.cmpi slt, %add3A_1119, %lt3A_1120 : i32
          %convert_element_type3A_1122 = arith.extui %lt3A_1121 : i1 to i32
          %cond3A_1123 = arith.constant 0 : i32
          %cond3A_1124 = arith.cmpi ne, %convert_element_type3A_1122, %cond3A_1123 : i32
          scf.if %cond3A_1124 {
            %add3A_1125 = arith.constant 1 : i32
            %add3A_1126 = arith.addi %select_n3A_386, %add3A_1125 : i32
            %dma_start3A_1127 = arith.constant 0 : i32
            %dma_start3A_1128 = arith.constant 0 : i32
            %dma_start3A_1129 = tpu.memref_slice %arg16[%dma_start3A_1127, %dma_start3A_1128] : memref<2x768xf32, #tpu.memory_space<vmem>> -> memref<1x768xf32, #tpu.memory_space<vmem>>
            %dma_start3A_1130 = tpu.memref_squeeze %dma_start3A_1129 : memref<1x768xf32, #tpu.memory_space<vmem>> -> memref<768xf32, #tpu.memory_space<vmem>>
            %dma_start3A_1131 = arith.constant 0 : i32
            %dma_start3A_1132 = tpu.memref_slice %arg4[%add3A_1126, %dma_start3A_1131] : memref<64x768xf32, #tpu.memory_space<hbm>> -> memref<1x768xf32, #tpu.memory_space<hbm>>
            %dma_start3A_1133 = tpu.memref_squeeze %dma_start3A_1132 : memref<1x768xf32, #tpu.memory_space<hbm>> -> memref<768xf32, #tpu.memory_space<hbm>>
            %dma_start3A_1134 = arith.constant 0 : i32
            %dma_start3A_1135 = tpu.memref_slice %arg16[%dma_start3A_1127, %dma_start3A_1134] : memref<2x768xf32, #tpu.memory_space<vmem>> -> memref<1x768xf32, #tpu.memory_space<vmem>>
            %dma_start3A_1136 = tpu.memref_squeeze %dma_start3A_1135 : memref<1x768xf32, #tpu.memory_space<vmem>> -> memref<768xf32, #tpu.memory_space<vmem>>
            %dma_start3A_1137 = arith.constant 0 : i32
            %dma_start3A_1138 = tpu.memref_slice %arg4[%add3A_1126, %dma_start3A_1137] : memref<64x768xf32, #tpu.memory_space<hbm>> -> memref<1x768xf32, #tpu.memory_space<hbm>>
            %dma_start3A_1139 = tpu.memref_squeeze %dma_start3A_1138 : memref<1x768xf32, #tpu.memory_space<hbm>> -> memref<768xf32, #tpu.memory_space<hbm>>
            tpu.enqueue_dma source(%dma_start3A_1139 : memref<768xf32, #tpu.memory_space<hbm>>) target(%dma_start3A_1136 : memref<768xf32, #tpu.memory_space<vmem>>) target_semaphore(%arg33 : memref<!tpu.dma_semaphore, #tpu.memory_space<semaphore_mem>>)
          } else {
          }
        } else {
        }
      } else {
      }
      %jit3A_424 = arith.constant 8 : i32
      %div3A_425 = arith.divsi %add3A_362, %jit3A_424 : i32
      %sign3A_426 = arith.constant 0 : i32
      %sign3A_427 = arith.cmpi sgt, %add3A_362, %sign3A_426 : i32
      %sign3A_428 = arith.extui %sign3A_427 : i1 to i32
      %sign3A_429 = arith.constant 0 : i32
      %sign3A_430 = arith.cmpi slt, %add3A_362, %sign3A_429 : i32
      %sign3A_431 = arith.extui %sign3A_430 : i1 to i32
      %sign3A_432 = arith.subi %sign3A_428, %sign3A_431 : i32
      %sign3A_433 = arith.constant 0 : i32
      %sign3A_434 = arith.cmpi sgt, %jit3A_424, %sign3A_433 : i32
      %sign3A_435 = arith.extui %sign3A_434 : i1 to i32
      %sign3A_436 = arith.constant 0 : i32
      %sign3A_437 = arith.cmpi slt, %jit3A_424, %sign3A_436 : i32
      %sign3A_438 = arith.extui %sign3A_437 : i1 to i32
      %sign3A_439 = arith.subi %sign3A_435, %sign3A_438 : i32
      %ne3A_440 = arith.cmpi ne, %sign3A_432, %sign3A_439 : i32
      %rem3A_441 = arith.remsi %add3A_362, %jit3A_424 : i32
      %ne3A_442 = arith.constant 0 : i32
      %ne3A_443 = arith.cmpi ne, %rem3A_441, %ne3A_442 : i32
      %and3A_444 = arith.andi %ne3A_440, %ne3A_443 : i1
      %sub3A_445 = arith.constant 1 : i32
      %sub3A_446 = arith.subi %div3A_425, %sub3A_445 : i32
      %select_n3A_447 = arith.select %and3A_444, %sub3A_446, %div3A_425 : i32
      %jit3A_448 = arith.constant 8 : i32
      %eq3A_449 = arith.constant 0 : i32
      %eq3A_450 = arith.cmpi eq, %jit3A_448, %eq3A_449 : i32
      %jit3A_451 = arith.constant 1 : i32
      %select_n3A_452 = arith.select %eq3A_450, %jit3A_451, %jit3A_448 : i32
      %rem3A_453 = arith.remsi %add3A_362, %select_n3A_452 : i32
      %ne3A_454 = arith.constant 0 : i32
      %ne3A_455 = arith.cmpi ne, %rem3A_453, %ne3A_454 : i32
      %lt3A_456 = arith.constant 0 : i32
      %lt3A_457 = arith.cmpi slt, %rem3A_453, %lt3A_456 : i32
      %lt3A_458 = arith.constant 0 : i32
      %lt3A_459 = arith.cmpi slt, %select_n3A_452, %lt3A_458 : i32
      %ne3A_460 = arith.xori %lt3A_457, %lt3A_459 : i1
      %and3A_461 = arith.andi %ne3A_460, %ne3A_455 : i1
      %add3A_462 = arith.addi %rem3A_453, %select_n3A_452 : i32
      %select_n3A_463 = arith.select %and3A_461, %add3A_462, %rem3A_453 : i32
      %mul3A_464 = arith.constant 16 : i32
      %mul3A_465 = arith.muli %select_n3A_463, %mul3A_464 : i32
      %dma_wait3A_466 = tpu.memref_slice %arg6[%select_n3A_447, %mul3A_465] : memref<64x128xi32, #tpu.memory_space<vmem>> -> memref<1x16xi32, #tpu.memory_space<vmem>>
      %dma_wait3A_467 = tpu.memref_squeeze %dma_wait3A_466 : memref<1x16xi32, #tpu.memory_space<vmem>> -> memref<16xi32, #tpu.memory_space<vmem>>
      %dma_wait3A_468 = arith.constant 0 : i32
      %dma_wait3A_469 = arith.constant 0 : i32
      %dma_wait3A_470 = tpu.memref_slice %arg3[%dma_wait3A_468, %dma_wait3A_469] : memref<32000x768xf32, #tpu.memory_space<hbm>> -> memref<32000x768xf32, #tpu.memory_space<hbm>>
      tpu.wait_indirect_dma semaphore(%arg19 : memref<!tpu.dma_semaphore, #tpu.memory_space<semaphore_mem>>) src(%dma_wait3A_470 : memref<32000x768xf32, #tpu.memory_space<hbm>>) dst(%arg10 : memref<16x768xf32, #tpu.memory_space<vmem>>)
      %dma_start3A_471 = arith.constant 2 : i32
      %dma_start3A_472 = arith.constant 0 : i32
      %dma_start3A_473 = tpu.memref_slice %arg7[%dma_start3A_471, %dma_start3A_472] : memref<8x16xi32, #tpu.memory_space<vmem>> -> memref<1x16xi32, #tpu.memory_space<vmem>>
      %dma_start3A_474 = tpu.memref_squeeze %dma_start3A_473 : memref<1x16xi32, #tpu.memory_space<vmem>> -> memref<16xi32, #tpu.memory_space<vmem>>
      %dma_start3A_475 = arith.constant 0 : i32
      %dma_start3A_476 = arith.constant 0 : i32
      %dma_start3A_477 = tpu.memref_slice %arg5[%dma_start3A_475, %dma_start3A_476] : memref<262144x768xf32, #tpu.memory_space<hbm>> -> memref<262144x768xf32, #tpu.memory_space<hbm>>
      tpu.enqueue_indirect_dma source(%arg10 : memref<16x768xf32, #tpu.memory_space<vmem>>) target(%dma_start3A_477 : memref<262144x768xf32, #tpu.memory_space<hbm>>) offsets(%dma_start3A_474 : memref<16xi32, #tpu.memory_space<vmem>>) semaphore(%arg27 : memref<!tpu.dma_semaphore, #tpu.memory_space<semaphore_mem>>)
      %add3A_478 = arith.constant 3 : i32
      %add3A_479 = arith.addi %add3A_139, %add3A_478 : i32
      %jit3A_480 = arith.constant 8 : i32
      %div3A_481 = arith.divsi %add3A_479, %jit3A_480 : i32
      %sign3A_482 = arith.constant 0 : i32
      %sign3A_483 = arith.cmpi sgt, %add3A_479, %sign3A_482 : i32
      %sign3A_484 = arith.extui %sign3A_483 : i1 to i32
      %sign3A_485 = arith.constant 0 : i32
      %sign3A_486 = arith.cmpi slt, %add3A_479, %sign3A_485 : i32
      %sign3A_487 = arith.extui %sign3A_486 : i1 to i32
      %sign3A_488 = arith.subi %sign3A_484, %sign3A_487 : i32
      %sign3A_489 = arith.constant 0 : i32
      %sign3A_490 = arith.cmpi sgt, %jit3A_480, %sign3A_489 : i32
      %sign3A_491 = arith.extui %sign3A_490 : i1 to i32
      %sign3A_492 = arith.constant 0 : i32
      %sign3A_493 = arith.cmpi slt, %jit3A_480, %sign3A_492 : i32
      %sign3A_494 = arith.extui %sign3A_493 : i1 to i32
      %sign3A_495 = arith.subi %sign3A_491, %sign3A_494 : i32
      %ne3A_496 = arith.cmpi ne, %sign3A_488, %sign3A_495 : i32
      %rem3A_497 = arith.remsi %add3A_479, %jit3A_480 : i32
      %ne3A_498 = arith.constant 0 : i32
      %ne3A_499 = arith.cmpi ne, %rem3A_497, %ne3A_498 : i32
      %and3A_500 = arith.andi %ne3A_496, %ne3A_499 : i1
      %sub3A_501 = arith.constant 1 : i32
      %sub3A_502 = arith.subi %div3A_481, %sub3A_501 : i32
      %select_n3A_503 = arith.select %and3A_500, %sub3A_502, %div3A_481 : i32
      %jit3A_504 = arith.constant 8 : i32
      %eq3A_505 = arith.constant 0 : i32
      %eq3A_506 = arith.cmpi eq, %jit3A_504, %eq3A_505 : i32
      %jit3A_507 = arith.constant 1 : i32
      %select_n3A_508 = arith.select %eq3A_506, %jit3A_507, %jit3A_504 : i32
      %rem3A_509 = arith.remsi %add3A_479, %select_n3A_508 : i32
      %ne3A_510 = arith.constant 0 : i32
      %ne3A_511 = arith.cmpi ne, %rem3A_509, %ne3A_510 : i32
      %lt3A_512 = arith.constant 0 : i32
      %lt3A_513 = arith.cmpi slt, %rem3A_509, %lt3A_512 : i32
      %lt3A_514 = arith.constant 0 : i32
      %lt3A_515 = arith.cmpi slt, %select_n3A_508, %lt3A_514 : i32
      %ne3A_516 = arith.xori %lt3A_513, %lt3A_515 : i1
      %and3A_517 = arith.andi %ne3A_516, %ne3A_511 : i1
      %add3A_518 = arith.addi %rem3A_509, %select_n3A_508 : i32
      %select_n3A_519 = arith.select %and3A_517, %add3A_518, %rem3A_509 : i32
      %add3A_520 = arith.constant 4 : i32
      %add3A_521 = arith.addi %add3A_479, %add3A_520 : i32
      %sub3A_522 = arith.constant 8 : i32
      %sub3A_523 = arith.subi %add3A_521, %sub3A_522 : i32
      %ge3A_524 = arith.constant 0 : i32
      %ge3A_525 = arith.cmpi sge, %sub3A_523, %ge3A_524 : i32
      %convert_element_type3A_526 = arith.extui %ge3A_525 : i1 to i32
      %cond3A_527 = arith.constant 0 : i32
      %cond3A_528 = arith.cmpi ne, %convert_element_type3A_526, %cond3A_527 : i32
      scf.if %cond3A_528 {
        %dma_wait3A_1063 = arith.constant 7 : i32
        %dma_wait3A_1064 = arith.constant 0 : i32
        %dma_wait3A_1065 = tpu.memref_slice %arg7[%dma_wait3A_1063, %dma_wait3A_1064] : memref<8x16xi32, #tpu.memory_space<vmem>> -> memref<1x16xi32, #tpu.memory_space<vmem>>
        %dma_wait3A_1066 = tpu.memref_squeeze %dma_wait3A_1065 : memref<1x16xi32, #tpu.memory_space<vmem>> -> memref<16xi32, #tpu.memory_space<vmem>>
        %dma_wait3A_1067 = arith.constant 0 : i32
        %dma_wait3A_1068 = arith.constant 0 : i32
        %dma_wait3A_1069 = tpu.memref_slice %arg5[%dma_wait3A_1067, %dma_wait3A_1068] : memref<262144x768xf32, #tpu.memory_space<hbm>> -> memref<262144x768xf32, #tpu.memory_space<hbm>>
        tpu.wait_indirect_dma semaphore(%arg32 : memref<!tpu.dma_semaphore, #tpu.memory_space<semaphore_mem>>) src(%arg15 : memref<16x768xf32, #tpu.memory_space<vmem>>) dst(%dma_wait3A_1069 : memref<262144x768xf32, #tpu.memory_space<hbm>>)
      } else {
      }
      %add3A_529 = arith.constant 4 : i32
      %add3A_530 = arith.addi %add3A_479, %add3A_529 : i32
      %lt3A_531 = arith.constant 512 : i32
      %lt3A_532 = arith.cmpi slt, %add3A_530, %lt3A_531 : i32
      %convert_element_type3A_533 = arith.extui %lt3A_532 : i1 to i32
      %cond3A_534 = arith.constant 0 : i32
      %cond3A_535 = arith.cmpi ne, %convert_element_type3A_533, %cond3A_534 : i32
      scf.if %cond3A_535 {
        %add3A_1063 = arith.constant 4 : i32
        %add3A_1064 = arith.addi %add3A_479, %add3A_1063 : i32
        %jit3A_1065 = arith.constant 8 : i32
        %div3A_1066 = arith.divsi %add3A_1064, %jit3A_1065 : i32
        %sign3A_1067 = arith.constant 0 : i32
        %sign3A_1068 = arith.cmpi sgt, %add3A_1064, %sign3A_1067 : i32
        %sign3A_1069 = arith.extui %sign3A_1068 : i1 to i32
        %sign3A_1070 = arith.constant 0 : i32
        %sign3A_1071 = arith.cmpi slt, %add3A_1064, %sign3A_1070 : i32
        %sign3A_1072 = arith.extui %sign3A_1071 : i1 to i32
        %sign3A_1073 = arith.subi %sign3A_1069, %sign3A_1072 : i32
        %sign3A_1074 = arith.constant 0 : i32
        %sign3A_1075 = arith.cmpi sgt, %jit3A_1065, %sign3A_1074 : i32
        %sign3A_1076 = arith.extui %sign3A_1075 : i1 to i32
        %sign3A_1077 = arith.constant 0 : i32
        %sign3A_1078 = arith.cmpi slt, %jit3A_1065, %sign3A_1077 : i32
        %sign3A_1079 = arith.extui %sign3A_1078 : i1 to i32
        %sign3A_1080 = arith.subi %sign3A_1076, %sign3A_1079 : i32
        %ne3A_1081 = arith.cmpi ne, %sign3A_1073, %sign3A_1080 : i32
        %rem3A_1082 = arith.remsi %add3A_1064, %jit3A_1065 : i32
        %ne3A_1083 = arith.constant 0 : i32
        %ne3A_1084 = arith.cmpi ne, %rem3A_1082, %ne3A_1083 : i32
        %and3A_1085 = arith.andi %ne3A_1081, %ne3A_1084 : i1
        %sub3A_1086 = arith.constant 1 : i32
        %sub3A_1087 = arith.subi %div3A_1066, %sub3A_1086 : i32
        %select_n3A_1088 = arith.select %and3A_1085, %sub3A_1087, %div3A_1066 : i32
        %jit3A_1089 = arith.constant 8 : i32
        %eq3A_1090 = arith.constant 0 : i32
        %eq3A_1091 = arith.cmpi eq, %jit3A_1089, %eq3A_1090 : i32
        %jit3A_1092 = arith.constant 1 : i32
        %select_n3A_1093 = arith.select %eq3A_1091, %jit3A_1092, %jit3A_1089 : i32
        %rem3A_1094 = arith.remsi %add3A_1064, %select_n3A_1093 : i32
        %ne3A_1095 = arith.constant 0 : i32
        %ne3A_1096 = arith.cmpi ne, %rem3A_1094, %ne3A_1095 : i32
        %lt3A_1097 = arith.constant 0 : i32
        %lt3A_1098 = arith.cmpi slt, %rem3A_1094, %lt3A_1097 : i32
        %lt3A_1099 = arith.constant 0 : i32
        %lt3A_1100 = arith.cmpi slt, %select_n3A_1093, %lt3A_1099 : i32
        %ne3A_1101 = arith.xori %lt3A_1098, %lt3A_1100 : i1
        %and3A_1102 = arith.andi %ne3A_1101, %ne3A_1096 : i1
        %add3A_1103 = arith.addi %rem3A_1094, %select_n3A_1093 : i32
        %select_n3A_1104 = arith.select %and3A_1102, %add3A_1103, %rem3A_1094 : i32
        %mul3A_1105 = arith.constant 1024 : i32
        %mul3A_1106 = arith.muli %select_n3A_1104, %mul3A_1105 : i32
        %add3A_1107 = arith.addi %mul3A_2, %mul3A_1106 : i32
        %add3A_1108 = arith.addi %add3A_1107, %select_n3A_1088 : i32
        %add3A_1109 = arith.constant 0 : i32
        %add3A_1110 = arith.addi %add3A_1108, %add3A_1109 : i32
        %add3A_1111 = vector.broadcast %add3A_1110 : i32 to vector<16xi32>
        %add3A_1112 = arith.addi %mul3A_7, %add3A_1111 : vector<16xi32>
        %swap3A_1113 = arith.constant 7 : i32
        %swap3A_1114 = arith.index_cast %swap3A_1113 : i32 to index
        %swap3A_1115 = arith.constant 0 : index
        %swap3A_1116 = tpu.vector_load %arg7[%swap3A_1114, %swap3A_1115] {strides = array<i32>} : memref<8x16xi32, #tpu.memory_space<vmem>>, vector<1x16xi32>,
        %swap3A_1117 = vector.shape_cast %swap3A_1116 : vector<1x16xi32> to vector<16xi32>
        %swap3A_1118 = vector.shape_cast %add3A_1112 : vector<16xi32> to vector<1x16xi32>
        tpu.vector_store %arg7[%swap3A_1114, %swap3A_1115], %swap3A_1118 {strides = array<i32>} : memref<8x16xi32, #tpu.memory_space<vmem>>, vector<1x16xi32>,
        %jit3A_1119 = arith.constant 8 : i32
        %div3A_1120 = arith.divsi %add3A_1064, %jit3A_1119 : i32
        %sign3A_1121 = arith.constant 0 : i32
        %sign3A_1122 = arith.cmpi sgt, %add3A_1064, %sign3A_1121 : i32
        %sign3A_1123 = arith.extui %sign3A_1122 : i1 to i32
        %sign3A_1124 = arith.constant 0 : i32
        %sign3A_1125 = arith.cmpi slt, %add3A_1064, %sign3A_1124 : i32
        %sign3A_1126 = arith.extui %sign3A_1125 : i1 to i32
        %sign3A_1127 = arith.subi %sign3A_1123, %sign3A_1126 : i32
        %sign3A_1128 = arith.constant 0 : i32
        %sign3A_1129 = arith.cmpi sgt, %jit3A_1119, %sign3A_1128 : i32
        %sign3A_1130 = arith.extui %sign3A_1129 : i1 to i32
        %sign3A_1131 = arith.constant 0 : i32
        %sign3A_1132 = arith.cmpi slt, %jit3A_1119, %sign3A_1131 : i32
        %sign3A_1133 = arith.extui %sign3A_1132 : i1 to i32
        %sign3A_1134 = arith.subi %sign3A_1130, %sign3A_1133 : i32
        %ne3A_1135 = arith.cmpi ne, %sign3A_1127, %sign3A_1134 : i32
        %rem3A_1136 = arith.remsi %add3A_1064, %jit3A_1119 : i32
        %ne3A_1137 = arith.constant 0 : i32
        %ne3A_1138 = arith.cmpi ne, %rem3A_1136, %ne3A_1137 : i32
        %and3A_1139 = arith.andi %ne3A_1135, %ne3A_1138 : i1
        %sub3A_1140 = arith.constant 1 : i32
        %sub3A_1141 = arith.subi %div3A_1120, %sub3A_1140 : i32
        %select_n3A_1142 = arith.select %and3A_1139, %sub3A_1141, %div3A_1120 : i32
        %jit3A_1143 = arith.constant 8 : i32
        %eq3A_1144 = arith.constant 0 : i32
        %eq3A_1145 = arith.cmpi eq, %jit3A_1143, %eq3A_1144 : i32
        %jit3A_1146 = arith.constant 1 : i32
        %select_n3A_1147 = arith.select %eq3A_1145, %jit3A_1146, %jit3A_1143 : i32
        %rem3A_1148 = arith.remsi %add3A_1064, %select_n3A_1147 : i32
        %ne3A_1149 = arith.constant 0 : i32
        %ne3A_1150 = arith.cmpi ne, %rem3A_1148, %ne3A_1149 : i32
        %lt3A_1151 = arith.constant 0 : i32
        %lt3A_1152 = arith.cmpi slt, %rem3A_1148, %lt3A_1151 : i32
        %lt3A_1153 = arith.constant 0 : i32
        %lt3A_1154 = arith.cmpi slt, %select_n3A_1147, %lt3A_1153 : i32
        %ne3A_1155 = arith.xori %lt3A_1152, %lt3A_1154 : i1
        %and3A_1156 = arith.andi %ne3A_1155, %ne3A_1150 : i1
        %add3A_1157 = arith.addi %rem3A_1148, %select_n3A_1147 : i32
        %select_n3A_1158 = arith.select %and3A_1156, %add3A_1157, %rem3A_1148 : i32
        %mul3A_1159 = arith.constant 16 : i32
        %mul3A_1160 = arith.muli %select_n3A_1158, %mul3A_1159 : i32
        %dma_start3A_1161 = tpu.memref_slice %arg6[%select_n3A_1142, %mul3A_1160] : memref<64x128xi32, #tpu.memory_space<vmem>> -> memref<1x16xi32, #tpu.memory_space<vmem>>
        %dma_start3A_1162 = tpu.memref_squeeze %dma_start3A_1161 : memref<1x16xi32, #tpu.memory_space<vmem>> -> memref<16xi32, #tpu.memory_space<vmem>>
        %dma_start3A_1163 = arith.constant 0 : i32
        %dma_start3A_1164 = arith.constant 0 : i32
        %dma_start3A_1165 = tpu.memref_slice %arg3[%dma_start3A_1163, %dma_start3A_1164] : memref<32000x768xf32, #tpu.memory_space<hbm>> -> memref<32000x768xf32, #tpu.memory_space<hbm>>
        tpu.enqueue_indirect_dma source(%dma_start3A_1165 : memref<32000x768xf32, #tpu.memory_space<hbm>>) target(%arg15 : memref<16x768xf32, #tpu.memory_space<vmem>>) offsets(%dma_start3A_1162 : memref<16xi32, #tpu.memory_space<vmem>>) semaphore(%arg24 : memref<!tpu.dma_semaphore, #tpu.memory_space<semaphore_mem>>)
      } else {
      }
      %eq3A_536 = arith.constant 0 : i32
      %eq3A_537 = arith.cmpi eq, %select_n3A_519, %eq3A_536 : i32
      %convert_element_type3A_538 = arith.extui %eq3A_537 : i1 to i32
      %cond3A_539 = arith.constant 0 : i32
      %cond3A_540 = arith.cmpi ne, %convert_element_type3A_538, %cond3A_539 : i32
      scf.if %cond3A_540 {
        %jit3A_1063 = arith.constant 2 : i32
        %eq3A_1064 = arith.constant 0 : i32
        %eq3A_1065 = arith.cmpi eq, %jit3A_1063, %eq3A_1064 : i32
        %jit3A_1066 = arith.constant 1 : i32
        %select_n3A_1067 = arith.select %eq3A_1065, %jit3A_1066, %jit3A_1063 : i32
        %rem3A_1068 = arith.remsi %select_n3A_503, %select_n3A_1067 : i32
        %ne3A_1069 = arith.constant 0 : i32
        %ne3A_1070 = arith.cmpi ne, %rem3A_1068, %ne3A_1069 : i32
        %lt3A_1071 = arith.constant 0 : i32
        %lt3A_1072 = arith.cmpi slt, %rem3A_1068, %lt3A_1071 : i32
        %lt3A_1073 = arith.constant 0 : i32
        %lt3A_1074 = arith.cmpi slt, %select_n3A_1067, %lt3A_1073 : i32
        %ne3A_1075 = arith.xori %lt3A_1072, %lt3A_1074 : i1
        %and3A_1076 = arith.andi %ne3A_1075, %ne3A_1070 : i1
        %add3A_1077 = arith.addi %rem3A_1068, %select_n3A_1067 : i32
        %select_n3A_1078 = arith.select %and3A_1076, %add3A_1077, %rem3A_1068 : i32
        %eq3A_1079 = arith.constant 0 : i32
        %eq3A_1080 = arith.cmpi eq, %select_n3A_1078, %eq3A_1079 : i32
        %convert_element_type3A_1081 = arith.extui %eq3A_1080 : i1 to i32
        %cond3A_1082 = arith.constant 0 : i32
        %cond3A_1083 = arith.cmpi ne, %convert_element_type3A_1081, %cond3A_1082 : i32
        scf.if %cond3A_1083 {
          %dma_wait3A_1105 = arith.constant 0 : i32
          %dma_wait3A_1106 = arith.constant 0 : i32
          %dma_wait3A_1107 = tpu.memref_slice %arg16[%dma_wait3A_1105, %dma_wait3A_1106] : memref<2x768xf32, #tpu.memory_space<vmem>> -> memref<1x768xf32, #tpu.memory_space<vmem>>
          %dma_wait3A_1108 = tpu.memref_squeeze %dma_wait3A_1107 : memref<1x768xf32, #tpu.memory_space<vmem>> -> memref<768xf32, #tpu.memory_space<vmem>>
          %dma_wait3A_1109 = arith.constant 0 : i32
          %dma_wait3A_1110 = tpu.memref_slice %arg4[%select_n3A_503, %dma_wait3A_1109] : memref<64x768xf32, #tpu.memory_space<hbm>> -> memref<1x768xf32, #tpu.memory_space<hbm>>
          %dma_wait3A_1111 = tpu.memref_squeeze %dma_wait3A_1110 : memref<1x768xf32, #tpu.memory_space<hbm>> -> memref<768xf32, #tpu.memory_space<hbm>>
          %dma_wait3A_1112 = arith.constant 0 : i32
          %dma_wait3A_1113 = tpu.memref_slice %arg16[%dma_wait3A_1105, %dma_wait3A_1112] : memref<2x768xf32, #tpu.memory_space<vmem>> -> memref<1x768xf32, #tpu.memory_space<vmem>>
          %dma_wait3A_1114 = tpu.memref_squeeze %dma_wait3A_1113 : memref<1x768xf32, #tpu.memory_space<vmem>> -> memref<768xf32, #tpu.memory_space<vmem>>
          %dma_wait3A_1115 = arith.constant 0 : i32
          %dma_wait3A_1116 = tpu.memref_slice %arg4[%select_n3A_503, %dma_wait3A_1115] : memref<64x768xf32, #tpu.memory_space<hbm>> -> memref<1x768xf32, #tpu.memory_space<hbm>>
          %dma_wait3A_1117 = tpu.memref_squeeze %dma_wait3A_1116 : memref<1x768xf32, #tpu.memory_space<hbm>> -> memref<768xf32, #tpu.memory_space<hbm>>
          tpu.wait_dma2 semaphore(%arg33 : memref<!tpu.dma_semaphore, #tpu.memory_space<semaphore_mem>>) src(%dma_wait3A_1117 : memref<768xf32, #tpu.memory_space<hbm>>) dst(%dma_wait3A_1114 : memref<768xf32, #tpu.memory_space<vmem>>)
          %add3A_1118 = arith.constant 1 : i32
          %add3A_1119 = arith.addi %select_n3A_503, %add3A_1118 : i32
          %lt3A_1120 = arith.constant 64 : i32
          %lt3A_1121 = arith.cmpi slt, %add3A_1119, %lt3A_1120 : i32
          %convert_element_type3A_1122 = arith.extui %lt3A_1121 : i1 to i32
          %cond3A_1123 = arith.constant 0 : i32
          %cond3A_1124 = arith.cmpi ne, %convert_element_type3A_1122, %cond3A_1123 : i32
          scf.if %cond3A_1124 {
            %add3A_1125 = arith.constant 1 : i32
            %add3A_1126 = arith.addi %select_n3A_503, %add3A_1125 : i32
            %dma_start3A_1127 = arith.constant 1 : i32
            %dma_start3A_1128 = arith.constant 0 : i32
            %dma_start3A_1129 = tpu.memref_slice %arg16[%dma_start3A_1127, %dma_start3A_1128] : memref<2x768xf32, #tpu.memory_space<vmem>> -> memref<1x768xf32, #tpu.memory_space<vmem>>
            %dma_start3A_1130 = tpu.memref_squeeze %dma_start3A_1129 : memref<1x768xf32, #tpu.memory_space<vmem>> -> memref<768xf32, #tpu.memory_space<vmem>>
            %dma_start3A_1131 = arith.constant 0 : i32
            %dma_start3A_1132 = tpu.memref_slice %arg4[%add3A_1126, %dma_start3A_1131] : memref<64x768xf32, #tpu.memory_space<hbm>> -> memref<1x768xf32, #tpu.memory_space<hbm>>
            %dma_start3A_1133 = tpu.memref_squeeze %dma_start3A_1132 : memref<1x768xf32, #tpu.memory_space<hbm>> -> memref<768xf32, #tpu.memory_space<hbm>>
            %dma_start3A_1134 = arith.constant 0 : i32
            %dma_start3A_1135 = tpu.memref_slice %arg16[%dma_start3A_1127, %dma_start3A_1134] : memref<2x768xf32, #tpu.memory_space<vmem>> -> memref<1x768xf32, #tpu.memory_space<vmem>>
            %dma_start3A_1136 = tpu.memref_squeeze %dma_start3A_1135 : memref<1x768xf32, #tpu.memory_space<vmem>> -> memref<768xf32, #tpu.memory_space<vmem>>
            %dma_start3A_1137 = arith.constant 0 : i32
            %dma_start3A_1138 = tpu.memref_slice %arg4[%add3A_1126, %dma_start3A_1137] : memref<64x768xf32, #tpu.memory_space<hbm>> -> memref<1x768xf32, #tpu.memory_space<hbm>>
            %dma_start3A_1139 = tpu.memref_squeeze %dma_start3A_1138 : memref<1x768xf32, #tpu.memory_space<hbm>> -> memref<768xf32, #tpu.memory_space<hbm>>
            tpu.enqueue_dma source(%dma_start3A_1139 : memref<768xf32, #tpu.memory_space<hbm>>) target(%dma_start3A_1136 : memref<768xf32, #tpu.memory_space<vmem>>) target_semaphore(%arg34 : memref<!tpu.dma_semaphore, #tpu.memory_space<semaphore_mem>>)
          } else {
          }
        } else {
        }
        %jit3A_1084 = arith.constant 2 : i32
        %eq3A_1085 = arith.constant 0 : i32
        %eq3A_1086 = arith.cmpi eq, %jit3A_1084, %eq3A_1085 : i32
        %jit3A_1087 = arith.constant 1 : i32
        %select_n3A_1088 = arith.select %eq3A_1086, %jit3A_1087, %jit3A_1084 : i32
        %rem3A_1089 = arith.remsi %select_n3A_503, %select_n3A_1088 : i32
        %ne3A_1090 = arith.constant 0 : i32
        %ne3A_1091 = arith.cmpi ne, %rem3A_1089, %ne3A_1090 : i32
        %lt3A_1092 = arith.constant 0 : i32
        %lt3A_1093 = arith.cmpi slt, %rem3A_1089, %lt3A_1092 : i32
        %lt3A_1094 = arith.constant 0 : i32
        %lt3A_1095 = arith.cmpi slt, %select_n3A_1088, %lt3A_1094 : i32
        %ne3A_1096 = arith.xori %lt3A_1093, %lt3A_1095 : i1
        %and3A_1097 = arith.andi %ne3A_1096, %ne3A_1091 : i1
        %add3A_1098 = arith.addi %rem3A_1089, %select_n3A_1088 : i32
        %select_n3A_1099 = arith.select %and3A_1097, %add3A_1098, %rem3A_1089 : i32
        %eq3A_1100 = arith.constant 1 : i32
        %eq3A_1101 = arith.cmpi eq, %select_n3A_1099, %eq3A_1100 : i32
        %convert_element_type3A_1102 = arith.extui %eq3A_1101 : i1 to i32
        %cond3A_1103 = arith.constant 0 : i32
        %cond3A_1104 = arith.cmpi ne, %convert_element_type3A_1102, %cond3A_1103 : i32
        scf.if %cond3A_1104 {
          %dma_wait3A_1105 = arith.constant 1 : i32
          %dma_wait3A_1106 = arith.constant 0 : i32
          %dma_wait3A_1107 = tpu.memref_slice %arg16[%dma_wait3A_1105, %dma_wait3A_1106] : memref<2x768xf32, #tpu.memory_space<vmem>> -> memref<1x768xf32, #tpu.memory_space<vmem>>
          %dma_wait3A_1108 = tpu.memref_squeeze %dma_wait3A_1107 : memref<1x768xf32, #tpu.memory_space<vmem>> -> memref<768xf32, #tpu.memory_space<vmem>>
          %dma_wait3A_1109 = arith.constant 0 : i32
          %dma_wait3A_1110 = tpu.memref_slice %arg4[%select_n3A_503, %dma_wait3A_1109] : memref<64x768xf32, #tpu.memory_space<hbm>> -> memref<1x768xf32, #tpu.memory_space<hbm>>
          %dma_wait3A_1111 = tpu.memref_squeeze %dma_wait3A_1110 : memref<1x768xf32, #tpu.memory_space<hbm>> -> memref<768xf32, #tpu.memory_space<hbm>>
          %dma_wait3A_1112 = arith.constant 0 : i32
          %dma_wait3A_1113 = tpu.memref_slice %arg16[%dma_wait3A_1105, %dma_wait3A_1112] : memref<2x768xf32, #tpu.memory_space<vmem>> -> memref<1x768xf32, #tpu.memory_space<vmem>>
          %dma_wait3A_1114 = tpu.memref_squeeze %dma_wait3A_1113 : memref<1x768xf32, #tpu.memory_space<vmem>> -> memref<768xf32, #tpu.memory_space<vmem>>
          %dma_wait3A_1115 = arith.constant 0 : i32
          %dma_wait3A_1116 = tpu.memref_slice %arg4[%select_n3A_503, %dma_wait3A_1115] : memref<64x768xf32, #tpu.memory_space<hbm>> -> memref<1x768xf32, #tpu.memory_space<hbm>>
          %dma_wait3A_1117 = tpu.memref_squeeze %dma_wait3A_1116 : memref<1x768xf32, #tpu.memory_space<hbm>> -> memref<768xf32, #tpu.memory_space<hbm>>
          tpu.wait_dma2 semaphore(%arg34 : memref<!tpu.dma_semaphore, #tpu.memory_space<semaphore_mem>>) src(%dma_wait3A_1117 : memref<768xf32, #tpu.memory_space<hbm>>) dst(%dma_wait3A_1114 : memref<768xf32, #tpu.memory_space<vmem>>)
          %add3A_1118 = arith.constant 1 : i32
          %add3A_1119 = arith.addi %select_n3A_503, %add3A_1118 : i32
          %lt3A_1120 = arith.constant 64 : i32
          %lt3A_1121 = arith.cmpi slt, %add3A_1119, %lt3A_1120 : i32
          %convert_element_type3A_1122 = arith.extui %lt3A_1121 : i1 to i32
          %cond3A_1123 = arith.constant 0 : i32
          %cond3A_1124 = arith.cmpi ne, %convert_element_type3A_1122, %cond3A_1123 : i32
          scf.if %cond3A_1124 {
            %add3A_1125 = arith.constant 1 : i32
            %add3A_1126 = arith.addi %select_n3A_503, %add3A_1125 : i32
            %dma_start3A_1127 = arith.constant 0 : i32
            %dma_start3A_1128 = arith.constant 0 : i32
            %dma_start3A_1129 = tpu.memref_slice %arg16[%dma_start3A_1127, %dma_start3A_1128] : memref<2x768xf32, #tpu.memory_space<vmem>> -> memref<1x768xf32, #tpu.memory_space<vmem>>
            %dma_start3A_1130 = tpu.memref_squeeze %dma_start3A_1129 : memref<1x768xf32, #tpu.memory_space<vmem>> -> memref<768xf32, #tpu.memory_space<vmem>>
            %dma_start3A_1131 = arith.constant 0 : i32
            %dma_start3A_1132 = tpu.memref_slice %arg4[%add3A_1126, %dma_start3A_1131] : memref<64x768xf32, #tpu.memory_space<hbm>> -> memref<1x768xf32, #tpu.memory_space<hbm>>
            %dma_start3A_1133 = tpu.memref_squeeze %dma_start3A_1132 : memref<1x768xf32, #tpu.memory_space<hbm>> -> memref<768xf32, #tpu.memory_space<hbm>>
            %dma_start3A_1134 = arith.constant 0 : i32
            %dma_start3A_1135 = tpu.memref_slice %arg16[%dma_start3A_1127, %dma_start3A_1134] : memref<2x768xf32, #tpu.memory_space<vmem>> -> memref<1x768xf32, #tpu.memory_space<vmem>>
            %dma_start3A_1136 = tpu.memref_squeeze %dma_start3A_1135 : memref<1x768xf32, #tpu.memory_space<vmem>> -> memref<768xf32, #tpu.memory_space<vmem>>
            %dma_start3A_1137 = arith.constant 0 : i32
            %dma_start3A_1138 = tpu.memref_slice %arg4[%add3A_1126, %dma_start3A_1137] : memref<64x768xf32, #tpu.memory_space<hbm>> -> memref<1x768xf32, #tpu.memory_space<hbm>>
            %dma_start3A_1139 = tpu.memref_squeeze %dma_start3A_1138 : memref<1x768xf32, #tpu.memory_space<hbm>> -> memref<768xf32, #tpu.memory_space<hbm>>
            tpu.enqueue_dma source(%dma_start3A_1139 : memref<768xf32, #tpu.memory_space<hbm>>) target(%dma_start3A_1136 : memref<768xf32, #tpu.memory_space<vmem>>) target_semaphore(%arg33 : memref<!tpu.dma_semaphore, #tpu.memory_space<semaphore_mem>>)
          } else {
          }
        } else {
        }
      } else {
      }
      %jit3A_541 = arith.constant 8 : i32
      %div3A_542 = arith.divsi %add3A_479, %jit3A_541 : i32
      %sign3A_543 = arith.constant 0 : i32
      %sign3A_544 = arith.cmpi sgt, %add3A_479, %sign3A_543 : i32
      %sign3A_545 = arith.extui %sign3A_544 : i1 to i32
      %sign3A_546 = arith.constant 0 : i32
      %sign3A_547 = arith.cmpi slt, %add3A_479, %sign3A_546 : i32
      %sign3A_548 = arith.extui %sign3A_547 : i1 to i32
      %sign3A_549 = arith.subi %sign3A_545, %sign3A_548 : i32
      %sign3A_550 = arith.constant 0 : i32
      %sign3A_551 = arith.cmpi sgt, %jit3A_541, %sign3A_550 : i32
      %sign3A_552 = arith.extui %sign3A_551 : i1 to i32
      %sign3A_553 = arith.constant 0 : i32
      %sign3A_554 = arith.cmpi slt, %jit3A_541, %sign3A_553 : i32
      %sign3A_555 = arith.extui %sign3A_554 : i1 to i32
      %sign3A_556 = arith.subi %sign3A_552, %sign3A_555 : i32
      %ne3A_557 = arith.cmpi ne, %sign3A_549, %sign3A_556 : i32
      %rem3A_558 = arith.remsi %add3A_479, %jit3A_541 : i32
      %ne3A_559 = arith.constant 0 : i32
      %ne3A_560 = arith.cmpi ne, %rem3A_558, %ne3A_559 : i32
      %and3A_561 = arith.andi %ne3A_557, %ne3A_560 : i1
      %sub3A_562 = arith.constant 1 : i32
      %sub3A_563 = arith.subi %div3A_542, %sub3A_562 : i32
      %select_n3A_564 = arith.select %and3A_561, %sub3A_563, %div3A_542 : i32
      %jit3A_565 = arith.constant 8 : i32
      %eq3A_566 = arith.constant 0 : i32
      %eq3A_567 = arith.cmpi eq, %jit3A_565, %eq3A_566 : i32
      %jit3A_568 = arith.constant 1 : i32
      %select_n3A_569 = arith.select %eq3A_567, %jit3A_568, %jit3A_565 : i32
      %rem3A_570 = arith.remsi %add3A_479, %select_n3A_569 : i32
      %ne3A_571 = arith.constant 0 : i32
      %ne3A_572 = arith.cmpi ne, %rem3A_570, %ne3A_571 : i32
      %lt3A_573 = arith.constant 0 : i32
      %lt3A_574 = arith.cmpi slt, %rem3A_570, %lt3A_573 : i32
      %lt3A_575 = arith.constant 0 : i32
      %lt3A_576 = arith.cmpi slt, %select_n3A_569, %lt3A_575 : i32
      %ne3A_577 = arith.xori %lt3A_574, %lt3A_576 : i1
      %and3A_578 = arith.andi %ne3A_577, %ne3A_572 : i1
      %add3A_579 = arith.addi %rem3A_570, %select_n3A_569 : i32
      %select_n3A_580 = arith.select %and3A_578, %add3A_579, %rem3A_570 : i32
      %mul3A_581 = arith.constant 16 : i32
      %mul3A_582 = arith.muli %select_n3A_580, %mul3A_581 : i32
      %dma_wait3A_583 = tpu.memref_slice %arg6[%select_n3A_564, %mul3A_582] : memref<64x128xi32, #tpu.memory_space<vmem>> -> memref<1x16xi32, #tpu.memory_space<vmem>>
      %dma_wait3A_584 = tpu.memref_squeeze %dma_wait3A_583 : memref<1x16xi32, #tpu.memory_space<vmem>> -> memref<16xi32, #tpu.memory_space<vmem>>
      %dma_wait3A_585 = arith.constant 0 : i32
      %dma_wait3A_586 = arith.constant 0 : i32
      %dma_wait3A_587 = tpu.memref_slice %arg3[%dma_wait3A_585, %dma_wait3A_586] : memref<32000x768xf32, #tpu.memory_space<hbm>> -> memref<32000x768xf32, #tpu.memory_space<hbm>>
      tpu.wait_indirect_dma semaphore(%arg20 : memref<!tpu.dma_semaphore, #tpu.memory_space<semaphore_mem>>) src(%dma_wait3A_587 : memref<32000x768xf32, #tpu.memory_space<hbm>>) dst(%arg11 : memref<16x768xf32, #tpu.memory_space<vmem>>)
      %dma_start3A_588 = arith.constant 3 : i32
      %dma_start3A_589 = arith.constant 0 : i32
      %dma_start3A_590 = tpu.memref_slice %arg7[%dma_start3A_588, %dma_start3A_589] : memref<8x16xi32, #tpu.memory_space<vmem>> -> memref<1x16xi32, #tpu.memory_space<vmem>>
      %dma_start3A_591 = tpu.memref_squeeze %dma_start3A_590 : memref<1x16xi32, #tpu.memory_space<vmem>> -> memref<16xi32, #tpu.memory_space<vmem>>
      %dma_start3A_592 = arith.constant 0 : i32
      %dma_start3A_593 = arith.constant 0 : i32
      %dma_start3A_594 = tpu.memref_slice %arg5[%dma_start3A_592, %dma_start3A_593] : memref<262144x768xf32, #tpu.memory_space<hbm>> -> memref<262144x768xf32, #tpu.memory_space<hbm>>
      tpu.enqueue_indirect_dma source(%arg11 : memref<16x768xf32, #tpu.memory_space<vmem>>) target(%dma_start3A_594 : memref<262144x768xf32, #tpu.memory_space<hbm>>) offsets(%dma_start3A_591 : memref<16xi32, #tpu.memory_space<vmem>>) semaphore(%arg28 : memref<!tpu.dma_semaphore, #tpu.memory_space<semaphore_mem>>)
      %add3A_595 = arith.constant 4 : i32
      %add3A_596 = arith.addi %add3A_139, %add3A_595 : i32
      %jit3A_597 = arith.constant 8 : i32
      %div3A_598 = arith.divsi %add3A_596, %jit3A_597 : i32
      %sign3A_599 = arith.constant 0 : i32
      %sign3A_600 = arith.cmpi sgt, %add3A_596, %sign3A_599 : i32
      %sign3A_601 = arith.extui %sign3A_600 : i1 to i32
      %sign3A_602 = arith.constant 0 : i32
      %sign3A_603 = arith.cmpi slt, %add3A_596, %sign3A_602 : i32
      %sign3A_604 = arith.extui %sign3A_603 : i1 to i32
      %sign3A_605 = arith.subi %sign3A_601, %sign3A_604 : i32
      %sign3A_606 = arith.constant 0 : i32
      %sign3A_607 = arith.cmpi sgt, %jit3A_597, %sign3A_606 : i32
      %sign3A_608 = arith.extui %sign3A_607 : i1 to i32
      %sign3A_609 = arith.constant 0 : i32
      %sign3A_610 = arith.cmpi slt, %jit3A_597, %sign3A_609 : i32
      %sign3A_611 = arith.extui %sign3A_610 : i1 to i32
      %sign3A_612 = arith.subi %sign3A_608, %sign3A_611 : i32
      %ne3A_613 = arith.cmpi ne, %sign3A_605, %sign3A_612 : i32
      %rem3A_614 = arith.remsi %add3A_596, %jit3A_597 : i32
      %ne3A_615 = arith.constant 0 : i32
      %ne3A_616 = arith.cmpi ne, %rem3A_614, %ne3A_615 : i32
      %and3A_617 = arith.andi %ne3A_613, %ne3A_616 : i1
      %sub3A_618 = arith.constant 1 : i32
      %sub3A_619 = arith.subi %div3A_598, %sub3A_618 : i32
      %select_n3A_620 = arith.select %and3A_617, %sub3A_619, %div3A_598 : i32
      %jit3A_621 = arith.constant 8 : i32
      %eq3A_622 = arith.constant 0 : i32
      %eq3A_623 = arith.cmpi eq, %jit3A_621, %eq3A_622 : i32
      %jit3A_624 = arith.constant 1 : i32
      %select_n3A_625 = arith.select %eq3A_623, %jit3A_624, %jit3A_621 : i32
      %rem3A_626 = arith.remsi %add3A_596, %select_n3A_625 : i32
      %ne3A_627 = arith.constant 0 : i32
      %ne3A_628 = arith.cmpi ne, %rem3A_626, %ne3A_627 : i32
      %lt3A_629 = arith.constant 0 : i32
      %lt3A_630 = arith.cmpi slt, %rem3A_626, %lt3A_629 : i32
      %lt3A_631 = arith.constant 0 : i32
      %lt3A_632 = arith.cmpi slt, %select_n3A_625, %lt3A_631 : i32
      %ne3A_633 = arith.xori %lt3A_630, %lt3A_632 : i1
      %and3A_634 = arith.andi %ne3A_633, %ne3A_628 : i1
      %add3A_635 = arith.addi %rem3A_626, %select_n3A_625 : i32
      %select_n3A_636 = arith.select %and3A_634, %add3A_635, %rem3A_626 : i32
      %add3A_637 = arith.constant 4 : i32
      %add3A_638 = arith.addi %add3A_596, %add3A_637 : i32
      %sub3A_639 = arith.constant 8 : i32
      %sub3A_640 = arith.subi %add3A_638, %sub3A_639 : i32
      %ge3A_641 = arith.constant 0 : i32
      %ge3A_642 = arith.cmpi sge, %sub3A_640, %ge3A_641 : i32
      %convert_element_type3A_643 = arith.extui %ge3A_642 : i1 to i32
      %cond3A_644 = arith.constant 0 : i32
      %cond3A_645 = arith.cmpi ne, %convert_element_type3A_643, %cond3A_644 : i32
      scf.if %cond3A_645 {
        %dma_wait3A_1063 = arith.constant 0 : i32
        %dma_wait3A_1064 = arith.constant 0 : i32
        %dma_wait3A_1065 = tpu.memref_slice %arg7[%dma_wait3A_1063, %dma_wait3A_1064] : memref<8x16xi32, #tpu.memory_space<vmem>> -> memref<1x16xi32, #tpu.memory_space<vmem>>
        %dma_wait3A_1066 = tpu.memref_squeeze %dma_wait3A_1065 : memref<1x16xi32, #tpu.memory_space<vmem>> -> memref<16xi32, #tpu.memory_space<vmem>>
        %dma_wait3A_1067 = arith.constant 0 : i32
        %dma_wait3A_1068 = arith.constant 0 : i32
        %dma_wait3A_1069 = tpu.memref_slice %arg5[%dma_wait3A_1067, %dma_wait3A_1068] : memref<262144x768xf32, #tpu.memory_space<hbm>> -> memref<262144x768xf32, #tpu.memory_space<hbm>>
        tpu.wait_indirect_dma semaphore(%arg25 : memref<!tpu.dma_semaphore, #tpu.memory_space<semaphore_mem>>) src(%arg8 : memref<16x768xf32, #tpu.memory_space<vmem>>) dst(%dma_wait3A_1069 : memref<262144x768xf32, #tpu.memory_space<hbm>>)
      } else {
      }
      %add3A_646 = arith.constant 4 : i32
      %add3A_647 = arith.addi %add3A_596, %add3A_646 : i32
      %lt3A_648 = arith.constant 512 : i32
      %lt3A_649 = arith.cmpi slt, %add3A_647, %lt3A_648 : i32
      %convert_element_type3A_650 = arith.extui %lt3A_649 : i1 to i32
      %cond3A_651 = arith.constant 0 : i32
      %cond3A_652 = arith.cmpi ne, %convert_element_type3A_650, %cond3A_651 : i32
      scf.if %cond3A_652 {
        %add3A_1063 = arith.constant 4 : i32
        %add3A_1064 = arith.addi %add3A_596, %add3A_1063 : i32
        %jit3A_1065 = arith.constant 8 : i32
        %div3A_1066 = arith.divsi %add3A_1064, %jit3A_1065 : i32
        %sign3A_1067 = arith.constant 0 : i32
        %sign3A_1068 = arith.cmpi sgt, %add3A_1064, %sign3A_1067 : i32
        %sign3A_1069 = arith.extui %sign3A_1068 : i1 to i32
        %sign3A_1070 = arith.constant 0 : i32
        %sign3A_1071 = arith.cmpi slt, %add3A_1064, %sign3A_1070 : i32
        %sign3A_1072 = arith.extui %sign3A_1071 : i1 to i32
        %sign3A_1073 = arith.subi %sign3A_1069, %sign3A_1072 : i32
        %sign3A_1074 = arith.constant 0 : i32
        %sign3A_1075 = arith.cmpi sgt, %jit3A_1065, %sign3A_1074 : i32
        %sign3A_1076 = arith.extui %sign3A_1075 : i1 to i32
        %sign3A_1077 = arith.constant 0 : i32
        %sign3A_1078 = arith.cmpi slt, %jit3A_1065, %sign3A_1077 : i32
        %sign3A_1079 = arith.extui %sign3A_1078 : i1 to i32
        %sign3A_1080 = arith.subi %sign3A_1076, %sign3A_1079 : i32
        %ne3A_1081 = arith.cmpi ne, %sign3A_1073, %sign3A_1080 : i32
        %rem3A_1082 = arith.remsi %add3A_1064, %jit3A_1065 : i32
        %ne3A_1083 = arith.constant 0 : i32
        %ne3A_1084 = arith.cmpi ne, %rem3A_1082, %ne3A_1083 : i32
        %and3A_1085 = arith.andi %ne3A_1081, %ne3A_1084 : i1
        %sub3A_1086 = arith.constant 1 : i32
        %sub3A_1087 = arith.subi %div3A_1066, %sub3A_1086 : i32
        %select_n3A_1088 = arith.select %and3A_1085, %sub3A_1087, %div3A_1066 : i32
        %jit3A_1089 = arith.constant 8 : i32
        %eq3A_1090 = arith.constant 0 : i32
        %eq3A_1091 = arith.cmpi eq, %jit3A_1089, %eq3A_1090 : i32
        %jit3A_1092 = arith.constant 1 : i32
        %select_n3A_1093 = arith.select %eq3A_1091, %jit3A_1092, %jit3A_1089 : i32
        %rem3A_1094 = arith.remsi %add3A_1064, %select_n3A_1093 : i32
        %ne3A_1095 = arith.constant 0 : i32
        %ne3A_1096 = arith.cmpi ne, %rem3A_1094, %ne3A_1095 : i32
        %lt3A_1097 = arith.constant 0 : i32
        %lt3A_1098 = arith.cmpi slt, %rem3A_1094, %lt3A_1097 : i32
        %lt3A_1099 = arith.constant 0 : i32
        %lt3A_1100 = arith.cmpi slt, %select_n3A_1093, %lt3A_1099 : i32
        %ne3A_1101 = arith.xori %lt3A_1098, %lt3A_1100 : i1
        %and3A_1102 = arith.andi %ne3A_1101, %ne3A_1096 : i1
        %add3A_1103 = arith.addi %rem3A_1094, %select_n3A_1093 : i32
        %select_n3A_1104 = arith.select %and3A_1102, %add3A_1103, %rem3A_1094 : i32
        %mul3A_1105 = arith.constant 1024 : i32
        %mul3A_1106 = arith.muli %select_n3A_1104, %mul3A_1105 : i32
        %add3A_1107 = arith.addi %mul3A_2, %mul3A_1106 : i32
        %add3A_1108 = arith.addi %add3A_1107, %select_n3A_1088 : i32
        %add3A_1109 = arith.constant 0 : i32
        %add3A_1110 = arith.addi %add3A_1108, %add3A_1109 : i32
        %add3A_1111 = vector.broadcast %add3A_1110 : i32 to vector<16xi32>
        %add3A_1112 = arith.addi %mul3A_7, %add3A_1111 : vector<16xi32>
        %swap3A_1113 = arith.constant 0 : i32
        %swap3A_1114 = arith.index_cast %swap3A_1113 : i32 to index
        %swap3A_1115 = arith.constant 0 : index
        %swap3A_1116 = tpu.vector_load %arg7[%swap3A_1114, %swap3A_1115] {strides = array<i32>} : memref<8x16xi32, #tpu.memory_space<vmem>>, vector<1x16xi32>,
        %swap3A_1117 = vector.shape_cast %swap3A_1116 : vector<1x16xi32> to vector<16xi32>
        %swap3A_1118 = vector.shape_cast %add3A_1112 : vector<16xi32> to vector<1x16xi32>
        tpu.vector_store %arg7[%swap3A_1114, %swap3A_1115], %swap3A_1118 {strides = array<i32>} : memref<8x16xi32, #tpu.memory_space<vmem>>, vector<1x16xi32>,
        %jit3A_1119 = arith.constant 8 : i32
        %div3A_1120 = arith.divsi %add3A_1064, %jit3A_1119 : i32
        %sign3A_1121 = arith.constant 0 : i32
        %sign3A_1122 = arith.cmpi sgt, %add3A_1064, %sign3A_1121 : i32
        %sign3A_1123 = arith.extui %sign3A_1122 : i1 to i32
        %sign3A_1124 = arith.constant 0 : i32
        %sign3A_1125 = arith.cmpi slt, %add3A_1064, %sign3A_1124 : i32
        %sign3A_1126 = arith.extui %sign3A_1125 : i1 to i32
        %sign3A_1127 = arith.subi %sign3A_1123, %sign3A_1126 : i32
        %sign3A_1128 = arith.constant 0 : i32
        %sign3A_1129 = arith.cmpi sgt, %jit3A_1119, %sign3A_1128 : i32
        %sign3A_1130 = arith.extui %sign3A_1129 : i1 to i32
        %sign3A_1131 = arith.constant 0 : i32
        %sign3A_1132 = arith.cmpi slt, %jit3A_1119, %sign3A_1131 : i32
        %sign3A_1133 = arith.extui %sign3A_1132 : i1 to i32
        %sign3A_1134 = arith.subi %sign3A_1130, %sign3A_1133 : i32
        %ne3A_1135 = arith.cmpi ne, %sign3A_1127, %sign3A_1134 : i32
        %rem3A_1136 = arith.remsi %add3A_1064, %jit3A_1119 : i32
        %ne3A_1137 = arith.constant 0 : i32
        %ne3A_1138 = arith.cmpi ne, %rem3A_1136, %ne3A_1137 : i32
        %and3A_1139 = arith.andi %ne3A_1135, %ne3A_1138 : i1
        %sub3A_1140 = arith.constant 1 : i32
        %sub3A_1141 = arith.subi %div3A_1120, %sub3A_1140 : i32
        %select_n3A_1142 = arith.select %and3A_1139, %sub3A_1141, %div3A_1120 : i32
        %jit3A_1143 = arith.constant 8 : i32
        %eq3A_1144 = arith.constant 0 : i32
        %eq3A_1145 = arith.cmpi eq, %jit3A_1143, %eq3A_1144 : i32
        %jit3A_1146 = arith.constant 1 : i32
        %select_n3A_1147 = arith.select %eq3A_1145, %jit3A_1146, %jit3A_1143 : i32
        %rem3A_1148 = arith.remsi %add3A_1064, %select_n3A_1147 : i32
        %ne3A_1149 = arith.constant 0 : i32
        %ne3A_1150 = arith.cmpi ne, %rem3A_1148, %ne3A_1149 : i32
        %lt3A_1151 = arith.constant 0 : i32
        %lt3A_1152 = arith.cmpi slt, %rem3A_1148, %lt3A_1151 : i32
        %lt3A_1153 = arith.constant 0 : i32
        %lt3A_1154 = arith.cmpi slt, %select_n3A_1147, %lt3A_1153 : i32
        %ne3A_1155 = arith.xori %lt3A_1152, %lt3A_1154 : i1
        %and3A_1156 = arith.andi %ne3A_1155, %ne3A_1150 : i1
        %add3A_1157 = arith.addi %rem3A_1148, %select_n3A_1147 : i32
        %select_n3A_1158 = arith.select %and3A_1156, %add3A_1157, %rem3A_1148 : i32
        %mul3A_1159 = arith.constant 16 : i32
        %mul3A_1160 = arith.muli %select_n3A_1158, %mul3A_1159 : i32
        %dma_start3A_1161 = tpu.memref_slice %arg6[%select_n3A_1142, %mul3A_1160] : memref<64x128xi32, #tpu.memory_space<vmem>> -> memref<1x16xi32, #tpu.memory_space<vmem>>
        %dma_start3A_1162 = tpu.memref_squeeze %dma_start3A_1161 : memref<1x16xi32, #tpu.memory_space<vmem>> -> memref<16xi32, #tpu.memory_space<vmem>>
        %dma_start3A_1163 = arith.constant 0 : i32
        %dma_start3A_1164 = arith.constant 0 : i32
        %dma_start3A_1165 = tpu.memref_slice %arg3[%dma_start3A_1163, %dma_start3A_1164] : memref<32000x768xf32, #tpu.memory_space<hbm>> -> memref<32000x768xf32, #tpu.memory_space<hbm>>
        tpu.enqueue_indirect_dma source(%dma_start3A_1165 : memref<32000x768xf32, #tpu.memory_space<hbm>>) target(%arg8 : memref<16x768xf32, #tpu.memory_space<vmem>>) offsets(%dma_start3A_1162 : memref<16xi32, #tpu.memory_space<vmem>>) semaphore(%arg17 : memref<!tpu.dma_semaphore, #tpu.memory_space<semaphore_mem>>)
      } else {
      }
      %eq3A_653 = arith.constant 0 : i32
      %eq3A_654 = arith.cmpi eq, %select_n3A_636, %eq3A_653 : i32
      %convert_element_type3A_655 = arith.extui %eq3A_654 : i1 to i32
      %cond3A_656 = arith.constant 0 : i32
      %cond3A_657 = arith.cmpi ne, %convert_element_type3A_655, %cond3A_656 : i32
      scf.if %cond3A_657 {
        %jit3A_1063 = arith.constant 2 : i32
        %eq3A_1064 = arith.constant 0 : i32
        %eq3A_1065 = arith.cmpi eq, %jit3A_1063, %eq3A_1064 : i32
        %jit3A_1066 = arith.constant 1 : i32
        %select_n3A_1067 = arith.select %eq3A_1065, %jit3A_1066, %jit3A_1063 : i32
        %rem3A_1068 = arith.remsi %select_n3A_620, %select_n3A_1067 : i32
        %ne3A_1069 = arith.constant 0 : i32
        %ne3A_1070 = arith.cmpi ne, %rem3A_1068, %ne3A_1069 : i32
        %lt3A_1071 = arith.constant 0 : i32
        %lt3A_1072 = arith.cmpi slt, %rem3A_1068, %lt3A_1071 : i32
        %lt3A_1073 = arith.constant 0 : i32
        %lt3A_1074 = arith.cmpi slt, %select_n3A_1067, %lt3A_1073 : i32
        %ne3A_1075 = arith.xori %lt3A_1072, %lt3A_1074 : i1
        %and3A_1076 = arith.andi %ne3A_1075, %ne3A_1070 : i1
        %add3A_1077 = arith.addi %rem3A_1068, %select_n3A_1067 : i32
        %select_n3A_1078 = arith.select %and3A_1076, %add3A_1077, %rem3A_1068 : i32
        %eq3A_1079 = arith.constant 0 : i32
        %eq3A_1080 = arith.cmpi eq, %select_n3A_1078, %eq3A_1079 : i32
        %convert_element_type3A_1081 = arith.extui %eq3A_1080 : i1 to i32
        %cond3A_1082 = arith.constant 0 : i32
        %cond3A_1083 = arith.cmpi ne, %convert_element_type3A_1081, %cond3A_1082 : i32
        scf.if %cond3A_1083 {
          %dma_wait3A_1105 = arith.constant 0 : i32
          %dma_wait3A_1106 = arith.constant 0 : i32
          %dma_wait3A_1107 = tpu.memref_slice %arg16[%dma_wait3A_1105, %dma_wait3A_1106] : memref<2x768xf32, #tpu.memory_space<vmem>> -> memref<1x768xf32, #tpu.memory_space<vmem>>
          %dma_wait3A_1108 = tpu.memref_squeeze %dma_wait3A_1107 : memref<1x768xf32, #tpu.memory_space<vmem>> -> memref<768xf32, #tpu.memory_space<vmem>>
          %dma_wait3A_1109 = arith.constant 0 : i32
          %dma_wait3A_1110 = tpu.memref_slice %arg4[%select_n3A_620, %dma_wait3A_1109] : memref<64x768xf32, #tpu.memory_space<hbm>> -> memref<1x768xf32, #tpu.memory_space<hbm>>
          %dma_wait3A_1111 = tpu.memref_squeeze %dma_wait3A_1110 : memref<1x768xf32, #tpu.memory_space<hbm>> -> memref<768xf32, #tpu.memory_space<hbm>>
          %dma_wait3A_1112 = arith.constant 0 : i32
          %dma_wait3A_1113 = tpu.memref_slice %arg16[%dma_wait3A_1105, %dma_wait3A_1112] : memref<2x768xf32, #tpu.memory_space<vmem>> -> memref<1x768xf32, #tpu.memory_space<vmem>>
          %dma_wait3A_1114 = tpu.memref_squeeze %dma_wait3A_1113 : memref<1x768xf32, #tpu.memory_space<vmem>> -> memref<768xf32, #tpu.memory_space<vmem>>
          %dma_wait3A_1115 = arith.constant 0 : i32
          %dma_wait3A_1116 = tpu.memref_slice %arg4[%select_n3A_620, %dma_wait3A_1115] : memref<64x768xf32, #tpu.memory_space<hbm>> -> memref<1x768xf32, #tpu.memory_space<hbm>>
          %dma_wait3A_1117 = tpu.memref_squeeze %dma_wait3A_1116 : memref<1x768xf32, #tpu.memory_space<hbm>> -> memref<768xf32, #tpu.memory_space<hbm>>
          tpu.wait_dma2 semaphore(%arg33 : memref<!tpu.dma_semaphore, #tpu.memory_space<semaphore_mem>>) src(%dma_wait3A_1117 : memref<768xf32, #tpu.memory_space<hbm>>) dst(%dma_wait3A_1114 : memref<768xf32, #tpu.memory_space<vmem>>)
          %add3A_1118 = arith.constant 1 : i32
          %add3A_1119 = arith.addi %select_n3A_620, %add3A_1118 : i32
          %lt3A_1120 = arith.constant 64 : i32
          %lt3A_1121 = arith.cmpi slt, %add3A_1119, %lt3A_1120 : i32
          %convert_element_type3A_1122 = arith.extui %lt3A_1121 : i1 to i32
          %cond3A_1123 = arith.constant 0 : i32
          %cond3A_1124 = arith.cmpi ne, %convert_element_type3A_1122, %cond3A_1123 : i32
          scf.if %cond3A_1124 {
            %add3A_1125 = arith.constant 1 : i32
            %add3A_1126 = arith.addi %select_n3A_620, %add3A_1125 : i32
            %dma_start3A_1127 = arith.constant 1 : i32
            %dma_start3A_1128 = arith.constant 0 : i32
            %dma_start3A_1129 = tpu.memref_slice %arg16[%dma_start3A_1127, %dma_start3A_1128] : memref<2x768xf32, #tpu.memory_space<vmem>> -> memref<1x768xf32, #tpu.memory_space<vmem>>
            %dma_start3A_1130 = tpu.memref_squeeze %dma_start3A_1129 : memref<1x768xf32, #tpu.memory_space<vmem>> -> memref<768xf32, #tpu.memory_space<vmem>>
            %dma_start3A_1131 = arith.constant 0 : i32
            %dma_start3A_1132 = tpu.memref_slice %arg4[%add3A_1126, %dma_start3A_1131] : memref<64x768xf32, #tpu.memory_space<hbm>> -> memref<1x768xf32, #tpu.memory_space<hbm>>
            %dma_start3A_1133 = tpu.memref_squeeze %dma_start3A_1132 : memref<1x768xf32, #tpu.memory_space<hbm>> -> memref<768xf32, #tpu.memory_space<hbm>>
            %dma_start3A_1134 = arith.constant 0 : i32
            %dma_start3A_1135 = tpu.memref_slice %arg16[%dma_start3A_1127, %dma_start3A_1134] : memref<2x768xf32, #tpu.memory_space<vmem>> -> memref<1x768xf32, #tpu.memory_space<vmem>>
            %dma_start3A_1136 = tpu.memref_squeeze %dma_start3A_1135 : memref<1x768xf32, #tpu.memory_space<vmem>> -> memref<768xf32, #tpu.memory_space<vmem>>
            %dma_start3A_1137 = arith.constant 0 : i32
            %dma_start3A_1138 = tpu.memref_slice %arg4[%add3A_1126, %dma_start3A_1137] : memref<64x768xf32, #tpu.memory_space<hbm>> -> memref<1x768xf32, #tpu.memory_space<hbm>>
            %dma_start3A_1139 = tpu.memref_squeeze %dma_start3A_1138 : memref<1x768xf32, #tpu.memory_space<hbm>> -> memref<768xf32, #tpu.memory_space<hbm>>
            tpu.enqueue_dma source(%dma_start3A_1139 : memref<768xf32, #tpu.memory_space<hbm>>) target(%dma_start3A_1136 : memref<768xf32, #tpu.memory_space<vmem>>) target_semaphore(%arg34 : memref<!tpu.dma_semaphore, #tpu.memory_space<semaphore_mem>>)
          } else {
          }
        } else {
        }
        %jit3A_1084 = arith.constant 2 : i32
        %eq3A_1085 = arith.constant 0 : i32
        %eq3A_1086 = arith.cmpi eq, %jit3A_1084, %eq3A_1085 : i32
        %jit3A_1087 = arith.constant 1 : i32
        %select_n3A_1088 = arith.select %eq3A_1086, %jit3A_1087, %jit3A_1084 : i32
        %rem3A_1089 = arith.remsi %select_n3A_620, %select_n3A_1088 : i32
        %ne3A_1090 = arith.constant 0 : i32
        %ne3A_1091 = arith.cmpi ne, %rem3A_1089, %ne3A_1090 : i32
        %lt3A_1092 = arith.constant 0 : i32
        %lt3A_1093 = arith.cmpi slt, %rem3A_1089, %lt3A_1092 : i32
        %lt3A_1094 = arith.constant 0 : i32
        %lt3A_1095 = arith.cmpi slt, %select_n3A_1088, %lt3A_1094 : i32
        %ne3A_1096 = arith.xori %lt3A_1093, %lt3A_1095 : i1
        %and3A_1097 = arith.andi %ne3A_1096, %ne3A_1091 : i1
        %add3A_1098 = arith.addi %rem3A_1089, %select_n3A_1088 : i32
        %select_n3A_1099 = arith.select %and3A_1097, %add3A_1098, %rem3A_1089 : i32
        %eq3A_1100 = arith.constant 1 : i32
        %eq3A_1101 = arith.cmpi eq, %select_n3A_1099, %eq3A_1100 : i32
        %convert_element_type3A_1102 = arith.extui %eq3A_1101 : i1 to i32
        %cond3A_1103 = arith.constant 0 : i32
        %cond3A_1104 = arith.cmpi ne, %convert_element_type3A_1102, %cond3A_1103 : i32
        scf.if %cond3A_1104 {
          %dma_wait3A_1105 = arith.constant 1 : i32
          %dma_wait3A_1106 = arith.constant 0 : i32
          %dma_wait3A_1107 = tpu.memref_slice %arg16[%dma_wait3A_1105, %dma_wait3A_1106] : memref<2x768xf32, #tpu.memory_space<vmem>> -> memref<1x768xf32, #tpu.memory_space<vmem>>
          %dma_wait3A_1108 = tpu.memref_squeeze %dma_wait3A_1107 : memref<1x768xf32, #tpu.memory_space<vmem>> -> memref<768xf32, #tpu.memory_space<vmem>>
          %dma_wait3A_1109 = arith.constant 0 : i32
          %dma_wait3A_1110 = tpu.memref_slice %arg4[%select_n3A_620, %dma_wait3A_1109] : memref<64x768xf32, #tpu.memory_space<hbm>> -> memref<1x768xf32, #tpu.memory_space<hbm>>
          %dma_wait3A_1111 = tpu.memref_squeeze %dma_wait3A_1110 : memref<1x768xf32, #tpu.memory_space<hbm>> -> memref<768xf32, #tpu.memory_space<hbm>>
          %dma_wait3A_1112 = arith.constant 0 : i32
          %dma_wait3A_1113 = tpu.memref_slice %arg16[%dma_wait3A_1105, %dma_wait3A_1112] : memref<2x768xf32, #tpu.memory_space<vmem>> -> memref<1x768xf32, #tpu.memory_space<vmem>>
          %dma_wait3A_1114 = tpu.memref_squeeze %dma_wait3A_1113 : memref<1x768xf32, #tpu.memory_space<vmem>> -> memref<768xf32, #tpu.memory_space<vmem>>
          %dma_wait3A_1115 = arith.constant 0 : i32
          %dma_wait3A_1116 = tpu.memref_slice %arg4[%select_n3A_620, %dma_wait3A_1115] : memref<64x768xf32, #tpu.memory_space<hbm>> -> memref<1x768xf32, #tpu.memory_space<hbm>>
          %dma_wait3A_1117 = tpu.memref_squeeze %dma_wait3A_1116 : memref<1x768xf32, #tpu.memory_space<hbm>> -> memref<768xf32, #tpu.memory_space<hbm>>
          tpu.wait_dma2 semaphore(%arg34 : memref<!tpu.dma_semaphore, #tpu.memory_space<semaphore_mem>>) src(%dma_wait3A_1117 : memref<768xf32, #tpu.memory_space<hbm>>) dst(%dma_wait3A_1114 : memref<768xf32, #tpu.memory_space<vmem>>)
          %add3A_1118 = arith.constant 1 : i32
          %add3A_1119 = arith.addi %select_n3A_620, %add3A_1118 : i32
          %lt3A_1120 = arith.constant 64 : i32
          %lt3A_1121 = arith.cmpi slt, %add3A_1119, %lt3A_1120 : i32
          %convert_element_type3A_1122 = arith.extui %lt3A_1121 : i1 to i32
          %cond3A_1123 = arith.constant 0 : i32
          %cond3A_1124 = arith.cmpi ne, %convert_element_type3A_1122, %cond3A_1123 : i32
          scf.if %cond3A_1124 {
            %add3A_1125 = arith.constant 1 : i32
            %add3A_1126 = arith.addi %select_n3A_620, %add3A_1125 : i32
            %dma_start3A_1127 = arith.constant 0 : i32
            %dma_start3A_1128 = arith.constant 0 : i32
            %dma_start3A_1129 = tpu.memref_slice %arg16[%dma_start3A_1127, %dma_start3A_1128] : memref<2x768xf32, #tpu.memory_space<vmem>> -> memref<1x768xf32, #tpu.memory_space<vmem>>
            %dma_start3A_1130 = tpu.memref_squeeze %dma_start3A_1129 : memref<1x768xf32, #tpu.memory_space<vmem>> -> memref<768xf32, #tpu.memory_space<vmem>>
            %dma_start3A_1131 = arith.constant 0 : i32
            %dma_start3A_1132 = tpu.memref_slice %arg4[%add3A_1126, %dma_start3A_1131] : memref<64x768xf32, #tpu.memory_space<hbm>> -> memref<1x768xf32, #tpu.memory_space<hbm>>
            %dma_start3A_1133 = tpu.memref_squeeze %dma_start3A_1132 : memref<1x768xf32, #tpu.memory_space<hbm>> -> memref<768xf32, #tpu.memory_space<hbm>>
            %dma_start3A_1134 = arith.constant 0 : i32
            %dma_start3A_1135 = tpu.memref_slice %arg16[%dma_start3A_1127, %dma_start3A_1134] : memref<2x768xf32, #tpu.memory_space<vmem>> -> memref<1x768xf32, #tpu.memory_space<vmem>>
            %dma_start3A_1136 = tpu.memref_squeeze %dma_start3A_1135 : memref<1x768xf32, #tpu.memory_space<vmem>> -> memref<768xf32, #tpu.memory_space<vmem>>
            %dma_start3A_1137 = arith.constant 0 : i32
            %dma_start3A_1138 = tpu.memref_slice %arg4[%add3A_1126, %dma_start3A_1137] : memref<64x768xf32, #tpu.memory_space<hbm>> -> memref<1x768xf32, #tpu.memory_space<hbm>>
            %dma_start3A_1139 = tpu.memref_squeeze %dma_start3A_1138 : memref<1x768xf32, #tpu.memory_space<hbm>> -> memref<768xf32, #tpu.memory_space<hbm>>
            tpu.enqueue_dma source(%dma_start3A_1139 : memref<768xf32, #tpu.memory_space<hbm>>) target(%dma_start3A_1136 : memref<768xf32, #tpu.memory_space<vmem>>) target_semaphore(%arg33 : memref<!tpu.dma_semaphore, #tpu.memory_space<semaphore_mem>>)
          } else {
          }
        } else {
        }
      } else {
      }
      %jit3A_658 = arith.constant 8 : i32
      %div3A_659 = arith.divsi %add3A_596, %jit3A_658 : i32
      %sign3A_660 = arith.constant 0 : i32
      %sign3A_661 = arith.cmpi sgt, %add3A_596, %sign3A_660 : i32
      %sign3A_662 = arith.extui %sign3A_661 : i1 to i32
      %sign3A_663 = arith.constant 0 : i32
      %sign3A_664 = arith.cmpi slt, %add3A_596, %sign3A_663 : i32
      %sign3A_665 = arith.extui %sign3A_664 : i1 to i32
      %sign3A_666 = arith.subi %sign3A_662, %sign3A_665 : i32
      %sign3A_667 = arith.constant 0 : i32
      %sign3A_668 = arith.cmpi sgt, %jit3A_658, %sign3A_667 : i32
      %sign3A_669 = arith.extui %sign3A_668 : i1 to i32
      %sign3A_670 = arith.constant 0 : i32
      %sign3A_671 = arith.cmpi slt, %jit3A_658, %sign3A_670 : i32
      %sign3A_672 = arith.extui %sign3A_671 : i1 to i32
      %sign3A_673 = arith.subi %sign3A_669, %sign3A_672 : i32
      %ne3A_674 = arith.cmpi ne, %sign3A_666, %sign3A_673 : i32
      %rem3A_675 = arith.remsi %add3A_596, %jit3A_658 : i32
      %ne3A_676 = arith.constant 0 : i32
      %ne3A_677 = arith.cmpi ne, %rem3A_675, %ne3A_676 : i32
      %and3A_678 = arith.andi %ne3A_674, %ne3A_677 : i1
      %sub3A_679 = arith.constant 1 : i32
      %sub3A_680 = arith.subi %div3A_659, %sub3A_679 : i32
      %select_n3A_681 = arith.select %and3A_678, %sub3A_680, %div3A_659 : i32
      %jit3A_682 = arith.constant 8 : i32
      %eq3A_683 = arith.constant 0 : i32
      %eq3A_684 = arith.cmpi eq, %jit3A_682, %eq3A_683 : i32
      %jit3A_685 = arith.constant 1 : i32
      %select_n3A_686 = arith.select %eq3A_684, %jit3A_685, %jit3A_682 : i32
      %rem3A_687 = arith.remsi %add3A_596, %select_n3A_686 : i32
      %ne3A_688 = arith.constant 0 : i32
      %ne3A_689 = arith.cmpi ne, %rem3A_687, %ne3A_688 : i32
      %lt3A_690 = arith.constant 0 : i32
      %lt3A_691 = arith.cmpi slt, %rem3A_687, %lt3A_690 : i32
      %lt3A_692 = arith.constant 0 : i32
      %lt3A_693 = arith.cmpi slt, %select_n3A_686, %lt3A_692 : i32
      %ne3A_694 = arith.xori %lt3A_691, %lt3A_693 : i1
      %and3A_695 = arith.andi %ne3A_694, %ne3A_689 : i1
      %add3A_696 = arith.addi %rem3A_687, %select_n3A_686 : i32
      %select_n3A_697 = arith.select %and3A_695, %add3A_696, %rem3A_687 : i32
      %mul3A_698 = arith.constant 16 : i32
      %mul3A_699 = arith.muli %select_n3A_697, %mul3A_698 : i32
      %dma_wait3A_700 = tpu.memref_slice %arg6[%select_n3A_681, %mul3A_699] : memref<64x128xi32, #tpu.memory_space<vmem>> -> memref<1x16xi32, #tpu.memory_space<vmem>>
      %dma_wait3A_701 = tpu.memref_squeeze %dma_wait3A_700 : memref<1x16xi32, #tpu.memory_space<vmem>> -> memref<16xi32, #tpu.memory_space<vmem>>
      %dma_wait3A_702 = arith.constant 0 : i32
      %dma_wait3A_703 = arith.constant 0 : i32
      %dma_wait3A_704 = tpu.memref_slice %arg3[%dma_wait3A_702, %dma_wait3A_703] : memref<32000x768xf32, #tpu.memory_space<hbm>> -> memref<32000x768xf32, #tpu.memory_space<hbm>>
      tpu.wait_indirect_dma semaphore(%arg21 : memref<!tpu.dma_semaphore, #tpu.memory_space<semaphore_mem>>) src(%dma_wait3A_704 : memref<32000x768xf32, #tpu.memory_space<hbm>>) dst(%arg12 : memref<16x768xf32, #tpu.memory_space<vmem>>)
      %dma_start3A_705 = arith.constant 4 : i32
      %dma_start3A_706 = arith.constant 0 : i32
      %dma_start3A_707 = tpu.memref_slice %arg7[%dma_start3A_705, %dma_start3A_706] : memref<8x16xi32, #tpu.memory_space<vmem>> -> memref<1x16xi32, #tpu.memory_space<vmem>>
      %dma_start3A_708 = tpu.memref_squeeze %dma_start3A_707 : memref<1x16xi32, #tpu.memory_space<vmem>> -> memref<16xi32, #tpu.memory_space<vmem>>
      %dma_start3A_709 = arith.constant 0 : i32
      %dma_start3A_710 = arith.constant 0 : i32
      %dma_start3A_711 = tpu.memref_slice %arg5[%dma_start3A_709, %dma_start3A_710] : memref<262144x768xf32, #tpu.memory_space<hbm>> -> memref<262144x768xf32, #tpu.memory_space<hbm>>
      tpu.enqueue_indirect_dma source(%arg12 : memref<16x768xf32, #tpu.memory_space<vmem>>) target(%dma_start3A_711 : memref<262144x768xf32, #tpu.memory_space<hbm>>) offsets(%dma_start3A_708 : memref<16xi32, #tpu.memory_space<vmem>>) semaphore(%arg29 : memref<!tpu.dma_semaphore, #tpu.memory_space<semaphore_mem>>)
      %add3A_712 = arith.constant 5 : i32
      %add3A_713 = arith.addi %add3A_139, %add3A_712 : i32
      %jit3A_714 = arith.constant 8 : i32
      %div3A_715 = arith.divsi %add3A_713, %jit3A_714 : i32
      %sign3A_716 = arith.constant 0 : i32
      %sign3A_717 = arith.cmpi sgt, %add3A_713, %sign3A_716 : i32
      %sign3A_718 = arith.extui %sign3A_717 : i1 to i32
      %sign3A_719 = arith.constant 0 : i32
      %sign3A_720 = arith.cmpi slt, %add3A_713, %sign3A_719 : i32
      %sign3A_721 = arith.extui %sign3A_720 : i1 to i32
      %sign3A_722 = arith.subi %sign3A_718, %sign3A_721 : i32
      %sign3A_723 = arith.constant 0 : i32
      %sign3A_724 = arith.cmpi sgt, %jit3A_714, %sign3A_723 : i32
      %sign3A_725 = arith.extui %sign3A_724 : i1 to i32
      %sign3A_726 = arith.constant 0 : i32
      %sign3A_727 = arith.cmpi slt, %jit3A_714, %sign3A_726 : i32
      %sign3A_728 = arith.extui %sign3A_727 : i1 to i32
      %sign3A_729 = arith.subi %sign3A_725, %sign3A_728 : i32
      %ne3A_730 = arith.cmpi ne, %sign3A_722, %sign3A_729 : i32
      %rem3A_731 = arith.remsi %add3A_713, %jit3A_714 : i32
      %ne3A_732 = arith.constant 0 : i32
      %ne3A_733 = arith.cmpi ne, %rem3A_731, %ne3A_732 : i32
      %and3A_734 = arith.andi %ne3A_730, %ne3A_733 : i1
      %sub3A_735 = arith.constant 1 : i32
      %sub3A_736 = arith.subi %div3A_715, %sub3A_735 : i32
      %select_n3A_737 = arith.select %and3A_734, %sub3A_736, %div3A_715 : i32
      %jit3A_738 = arith.constant 8 : i32
      %eq3A_739 = arith.constant 0 : i32
      %eq3A_740 = arith.cmpi eq, %jit3A_738, %eq3A_739 : i32
      %jit3A_741 = arith.constant 1 : i32
      %select_n3A_742 = arith.select %eq3A_740, %jit3A_741, %jit3A_738 : i32
      %rem3A_743 = arith.remsi %add3A_713, %select_n3A_742 : i32
      %ne3A_744 = arith.constant 0 : i32
      %ne3A_745 = arith.cmpi ne, %rem3A_743, %ne3A_744 : i32
      %lt3A_746 = arith.constant 0 : i32
      %lt3A_747 = arith.cmpi slt, %rem3A_743, %lt3A_746 : i32
      %lt3A_748 = arith.constant 0 : i32
      %lt3A_749 = arith.cmpi slt, %select_n3A_742, %lt3A_748 : i32
      %ne3A_750 = arith.xori %lt3A_747, %lt3A_749 : i1
      %and3A_751 = arith.andi %ne3A_750, %ne3A_745 : i1
      %add3A_752 = arith.addi %rem3A_743, %select_n3A_742 : i32
      %select_n3A_753 = arith.select %and3A_751, %add3A_752, %rem3A_743 : i32
      %add3A_754 = arith.constant 4 : i32
      %add3A_755 = arith.addi %add3A_713, %add3A_754 : i32
      %sub3A_756 = arith.constant 8 : i32
      %sub3A_757 = arith.subi %add3A_755, %sub3A_756 : i32
      %ge3A_758 = arith.constant 0 : i32
      %ge3A_759 = arith.cmpi sge, %sub3A_757, %ge3A_758 : i32
      %convert_element_type3A_760 = arith.extui %ge3A_759 : i1 to i32
      %cond3A_761 = arith.constant 0 : i32
      %cond3A_762 = arith.cmpi ne, %convert_element_type3A_760, %cond3A_761 : i32
      scf.if %cond3A_762 {
        %dma_wait3A_1063 = arith.constant 1 : i32
        %dma_wait3A_1064 = arith.constant 0 : i32
        %dma_wait3A_1065 = tpu.memref_slice %arg7[%dma_wait3A_1063, %dma_wait3A_1064] : memref<8x16xi32, #tpu.memory_space<vmem>> -> memref<1x16xi32, #tpu.memory_space<vmem>>
        %dma_wait3A_1066 = tpu.memref_squeeze %dma_wait3A_1065 : memref<1x16xi32, #tpu.memory_space<vmem>> -> memref<16xi32, #tpu.memory_space<vmem>>
        %dma_wait3A_1067 = arith.constant 0 : i32
        %dma_wait3A_1068 = arith.constant 0 : i32
        %dma_wait3A_1069 = tpu.memref_slice %arg5[%dma_wait3A_1067, %dma_wait3A_1068] : memref<262144x768xf32, #tpu.memory_space<hbm>> -> memref<262144x768xf32, #tpu.memory_space<hbm>>
        tpu.wait_indirect_dma semaphore(%arg26 : memref<!tpu.dma_semaphore, #tpu.memory_space<semaphore_mem>>) src(%arg9 : memref<16x768xf32, #tpu.memory_space<vmem>>) dst(%dma_wait3A_1069 : memref<262144x768xf32, #tpu.memory_space<hbm>>)
      } else {
      }
      %add3A_763 = arith.constant 4 : i32
      %add3A_764 = arith.addi %add3A_713, %add3A_763 : i32
      %lt3A_765 = arith.constant 512 : i32
      %lt3A_766 = arith.cmpi slt, %add3A_764, %lt3A_765 : i32
      %convert_element_type3A_767 = arith.extui %lt3A_766 : i1 to i32
      %cond3A_768 = arith.constant 0 : i32
      %cond3A_769 = arith.cmpi ne, %convert_element_type3A_767, %cond3A_768 : i32
      scf.if %cond3A_769 {
        %add3A_1063 = arith.constant 4 : i32
        %add3A_1064 = arith.addi %add3A_713, %add3A_1063 : i32
        %jit3A_1065 = arith.constant 8 : i32
        %div3A_1066 = arith.divsi %add3A_1064, %jit3A_1065 : i32
        %sign3A_1067 = arith.constant 0 : i32
        %sign3A_1068 = arith.cmpi sgt, %add3A_1064, %sign3A_1067 : i32
        %sign3A_1069 = arith.extui %sign3A_1068 : i1 to i32
        %sign3A_1070 = arith.constant 0 : i32
        %sign3A_1071 = arith.cmpi slt, %add3A_1064, %sign3A_1070 : i32
        %sign3A_1072 = arith.extui %sign3A_1071 : i1 to i32
        %sign3A_1073 = arith.subi %sign3A_1069, %sign3A_1072 : i32
        %sign3A_1074 = arith.constant 0 : i32
        %sign3A_1075 = arith.cmpi sgt, %jit3A_1065, %sign3A_1074 : i32
        %sign3A_1076 = arith.extui %sign3A_1075 : i1 to i32
        %sign3A_1077 = arith.constant 0 : i32
        %sign3A_1078 = arith.cmpi slt, %jit3A_1065, %sign3A_1077 : i32
        %sign3A_1079 = arith.extui %sign3A_1078 : i1 to i32
        %sign3A_1080 = arith.subi %sign3A_1076, %sign3A_1079 : i32
        %ne3A_1081 = arith.cmpi ne, %sign3A_1073, %sign3A_1080 : i32
        %rem3A_1082 = arith.remsi %add3A_1064, %jit3A_1065 : i32
        %ne3A_1083 = arith.constant 0 : i32
        %ne3A_1084 = arith.cmpi ne, %rem3A_1082, %ne3A_1083 : i32
        %and3A_1085 = arith.andi %ne3A_1081, %ne3A_1084 : i1
        %sub3A_1086 = arith.constant 1 : i32
        %sub3A_1087 = arith.subi %div3A_1066, %sub3A_1086 : i32
        %select_n3A_1088 = arith.select %and3A_1085, %sub3A_1087, %div3A_1066 : i32
        %jit3A_1089 = arith.constant 8 : i32
        %eq3A_1090 = arith.constant 0 : i32
        %eq3A_1091 = arith.cmpi eq, %jit3A_1089, %eq3A_1090 : i32
        %jit3A_1092 = arith.constant 1 : i32
        %select_n3A_1093 = arith.select %eq3A_1091, %jit3A_1092, %jit3A_1089 : i32
        %rem3A_1094 = arith.remsi %add3A_1064, %select_n3A_1093 : i32
        %ne3A_1095 = arith.constant 0 : i32
        %ne3A_1096 = arith.cmpi ne, %rem3A_1094, %ne3A_1095 : i32
        %lt3A_1097 = arith.constant 0 : i32
        %lt3A_1098 = arith.cmpi slt, %rem3A_1094, %lt3A_1097 : i32
        %lt3A_1099 = arith.constant 0 : i32
        %lt3A_1100 = arith.cmpi slt, %select_n3A_1093, %lt3A_1099 : i32
        %ne3A_1101 = arith.xori %lt3A_1098, %lt3A_1100 : i1
        %and3A_1102 = arith.andi %ne3A_1101, %ne3A_1096 : i1
        %add3A_1103 = arith.addi %rem3A_1094, %select_n3A_1093 : i32
        %select_n3A_1104 = arith.select %and3A_1102, %add3A_1103, %rem3A_1094 : i32
        %mul3A_1105 = arith.constant 1024 : i32
        %mul3A_1106 = arith.muli %select_n3A_1104, %mul3A_1105 : i32
        %add3A_1107 = arith.addi %mul3A_2, %mul3A_1106 : i32
        %add3A_1108 = arith.addi %add3A_1107, %select_n3A_1088 : i32
        %add3A_1109 = arith.constant 0 : i32
        %add3A_1110 = arith.addi %add3A_1108, %add3A_1109 : i32
        %add3A_1111 = vector.broadcast %add3A_1110 : i32 to vector<16xi32>
        %add3A_1112 = arith.addi %mul3A_7, %add3A_1111 : vector<16xi32>
        %swap3A_1113 = arith.constant 1 : i32
        %swap3A_1114 = arith.index_cast %swap3A_1113 : i32 to index
        %swap3A_1115 = arith.constant 0 : index
        %swap3A_1116 = tpu.vector_load %arg7[%swap3A_1114, %swap3A_1115] {strides = array<i32>} : memref<8x16xi32, #tpu.memory_space<vmem>>, vector<1x16xi32>,
        %swap3A_1117 = vector.shape_cast %swap3A_1116 : vector<1x16xi32> to vector<16xi32>
        %swap3A_1118 = vector.shape_cast %add3A_1112 : vector<16xi32> to vector<1x16xi32>
        tpu.vector_store %arg7[%swap3A_1114, %swap3A_1115], %swap3A_1118 {strides = array<i32>} : memref<8x16xi32, #tpu.memory_space<vmem>>, vector<1x16xi32>,
        %jit3A_1119 = arith.constant 8 : i32
        %div3A_1120 = arith.divsi %add3A_1064, %jit3A_1119 : i32
        %sign3A_1121 = arith.constant 0 : i32
        %sign3A_1122 = arith.cmpi sgt, %add3A_1064, %sign3A_1121 : i32
        %sign3A_1123 = arith.extui %sign3A_1122 : i1 to i32
        %sign3A_1124 = arith.constant 0 : i32
        %sign3A_1125 = arith.cmpi slt, %add3A_1064, %sign3A_1124 : i32
        %sign3A_1126 = arith.extui %sign3A_1125 : i1 to i32
        %sign3A_1127 = arith.subi %sign3A_1123, %sign3A_1126 : i32
        %sign3A_1128 = arith.constant 0 : i32
        %sign3A_1129 = arith.cmpi sgt, %jit3A_1119, %sign3A_1128 : i32
        %sign3A_1130 = arith.extui %sign3A_1129 : i1 to i32
        %sign3A_1131 = arith.constant 0 : i32
        %sign3A_1132 = arith.cmpi slt, %jit3A_1119, %sign3A_1131 : i32
        %sign3A_1133 = arith.extui %sign3A_1132 : i1 to i32
        %sign3A_1134 = arith.subi %sign3A_1130, %sign3A_1133 : i32
        %ne3A_1135 = arith.cmpi ne, %sign3A_1127, %sign3A_1134 : i32
        %rem3A_1136 = arith.remsi %add3A_1064, %jit3A_1119 : i32
        %ne3A_1137 = arith.constant 0 : i32
        %ne3A_1138 = arith.cmpi ne, %rem3A_1136, %ne3A_1137 : i32
        %and3A_1139 = arith.andi %ne3A_1135, %ne3A_1138 : i1
        %sub3A_1140 = arith.constant 1 : i32
        %sub3A_1141 = arith.subi %div3A_1120, %sub3A_1140 : i32
        %select_n3A_1142 = arith.select %and3A_1139, %sub3A_1141, %div3A_1120 : i32
        %jit3A_1143 = arith.constant 8 : i32
        %eq3A_1144 = arith.constant 0 : i32
        %eq3A_1145 = arith.cmpi eq, %jit3A_1143, %eq3A_1144 : i32
        %jit3A_1146 = arith.constant 1 : i32
        %select_n3A_1147 = arith.select %eq3A_1145, %jit3A_1146, %jit3A_1143 : i32
        %rem3A_1148 = arith.remsi %add3A_1064, %select_n3A_1147 : i32
        %ne3A_1149 = arith.constant 0 : i32
        %ne3A_1150 = arith.cmpi ne, %rem3A_1148, %ne3A_1149 : i32
        %lt3A_1151 = arith.constant 0 : i32
        %lt3A_1152 = arith.cmpi slt, %rem3A_1148, %lt3A_1151 : i32
        %lt3A_1153 = arith.constant 0 : i32
        %lt3A_1154 = arith.cmpi slt, %select_n3A_1147, %lt3A_1153 : i32
        %ne3A_1155 = arith.xori %lt3A_1152, %lt3A_1154 : i1
        %and3A_1156 = arith.andi %ne3A_1155, %ne3A_1150 : i1
        %add3A_1157 = arith.addi %rem3A_1148, %select_n3A_1147 : i32
        %select_n3A_1158 = arith.select %and3A_1156, %add3A_1157, %rem3A_1148 : i32
        %mul3A_1159 = arith.constant 16 : i32
        %mul3A_1160 = arith.muli %select_n3A_1158, %mul3A_1159 : i32
        %dma_start3A_1161 = tpu.memref_slice %arg6[%select_n3A_1142, %mul3A_1160] : memref<64x128xi32, #tpu.memory_space<vmem>> -> memref<1x16xi32, #tpu.memory_space<vmem>>
        %dma_start3A_1162 = tpu.memref_squeeze %dma_start3A_1161 : memref<1x16xi32, #tpu.memory_space<vmem>> -> memref<16xi32, #tpu.memory_space<vmem>>
        %dma_start3A_1163 = arith.constant 0 : i32
        %dma_start3A_1164 = arith.constant 0 : i32
        %dma_start3A_1165 = tpu.memref_slice %arg3[%dma_start3A_1163, %dma_start3A_1164] : memref<32000x768xf32, #tpu.memory_space<hbm>> -> memref<32000x768xf32, #tpu.memory_space<hbm>>
        tpu.enqueue_indirect_dma source(%dma_start3A_1165 : memref<32000x768xf32, #tpu.memory_space<hbm>>) target(%arg9 : memref<16x768xf32, #tpu.memory_space<vmem>>) offsets(%dma_start3A_1162 : memref<16xi32, #tpu.memory_space<vmem>>) semaphore(%arg18 : memref<!tpu.dma_semaphore, #tpu.memory_space<semaphore_mem>>)
      } else {
      }
      %eq3A_770 = arith.constant 0 : i32
      %eq3A_771 = arith.cmpi eq, %select_n3A_753, %eq3A_770 : i32
      %convert_element_type3A_772 = arith.extui %eq3A_771 : i1 to i32
      %cond3A_773 = arith.constant 0 : i32
      %cond3A_774 = arith.cmpi ne, %convert_element_type3A_772, %cond3A_773 : i32
      scf.if %cond3A_774 {
        %jit3A_1063 = arith.constant 2 : i32
        %eq3A_1064 = arith.constant 0 : i32
        %eq3A_1065 = arith.cmpi eq, %jit3A_1063, %eq3A_1064 : i32
        %jit3A_1066 = arith.constant 1 : i32
        %select_n3A_1067 = arith.select %eq3A_1065, %jit3A_1066, %jit3A_1063 : i32
        %rem3A_1068 = arith.remsi %select_n3A_737, %select_n3A_1067 : i32
        %ne3A_1069 = arith.constant 0 : i32
        %ne3A_1070 = arith.cmpi ne, %rem3A_1068, %ne3A_1069 : i32
        %lt3A_1071 = arith.constant 0 : i32
        %lt3A_1072 = arith.cmpi slt, %rem3A_1068, %lt3A_1071 : i32
        %lt3A_1073 = arith.constant 0 : i32
        %lt3A_1074 = arith.cmpi slt, %select_n3A_1067, %lt3A_1073 : i32
        %ne3A_1075 = arith.xori %lt3A_1072, %lt3A_1074 : i1
        %and3A_1076 = arith.andi %ne3A_1075, %ne3A_1070 : i1
        %add3A_1077 = arith.addi %rem3A_1068, %select_n3A_1067 : i32
        %select_n3A_1078 = arith.select %and3A_1076, %add3A_1077, %rem3A_1068 : i32
        %eq3A_1079 = arith.constant 0 : i32
        %eq3A_1080 = arith.cmpi eq, %select_n3A_1078, %eq3A_1079 : i32
        %convert_element_type3A_1081 = arith.extui %eq3A_1080 : i1 to i32
        %cond3A_1082 = arith.constant 0 : i32
        %cond3A_1083 = arith.cmpi ne, %convert_element_type3A_1081, %cond3A_1082 : i32
        scf.if %cond3A_1083 {
          %dma_wait3A_1105 = arith.constant 0 : i32
          %dma_wait3A_1106 = arith.constant 0 : i32
          %dma_wait3A_1107 = tpu.memref_slice %arg16[%dma_wait3A_1105, %dma_wait3A_1106] : memref<2x768xf32, #tpu.memory_space<vmem>> -> memref<1x768xf32, #tpu.memory_space<vmem>>
          %dma_wait3A_1108 = tpu.memref_squeeze %dma_wait3A_1107 : memref<1x768xf32, #tpu.memory_space<vmem>> -> memref<768xf32, #tpu.memory_space<vmem>>
          %dma_wait3A_1109 = arith.constant 0 : i32
          %dma_wait3A_1110 = tpu.memref_slice %arg4[%select_n3A_737, %dma_wait3A_1109] : memref<64x768xf32, #tpu.memory_space<hbm>> -> memref<1x768xf32, #tpu.memory_space<hbm>>
          %dma_wait3A_1111 = tpu.memref_squeeze %dma_wait3A_1110 : memref<1x768xf32, #tpu.memory_space<hbm>> -> memref<768xf32, #tpu.memory_space<hbm>>
          %dma_wait3A_1112 = arith.constant 0 : i32
          %dma_wait3A_1113 = tpu.memref_slice %arg16[%dma_wait3A_1105, %dma_wait3A_1112] : memref<2x768xf32, #tpu.memory_space<vmem>> -> memref<1x768xf32, #tpu.memory_space<vmem>>
          %dma_wait3A_1114 = tpu.memref_squeeze %dma_wait3A_1113 : memref<1x768xf32, #tpu.memory_space<vmem>> -> memref<768xf32, #tpu.memory_space<vmem>>
          %dma_wait3A_1115 = arith.constant 0 : i32
          %dma_wait3A_1116 = tpu.memref_slice %arg4[%select_n3A_737, %dma_wait3A_1115] : memref<64x768xf32, #tpu.memory_space<hbm>> -> memref<1x768xf32, #tpu.memory_space<hbm>>
          %dma_wait3A_1117 = tpu.memref_squeeze %dma_wait3A_1116 : memref<1x768xf32, #tpu.memory_space<hbm>> -> memref<768xf32, #tpu.memory_space<hbm>>
          tpu.wait_dma2 semaphore(%arg33 : memref<!tpu.dma_semaphore, #tpu.memory_space<semaphore_mem>>) src(%dma_wait3A_1117 : memref<768xf32, #tpu.memory_space<hbm>>) dst(%dma_wait3A_1114 : memref<768xf32, #tpu.memory_space<vmem>>)
          %add3A_1118 = arith.constant 1 : i32
          %add3A_1119 = arith.addi %select_n3A_737, %add3A_1118 : i32
          %lt3A_1120 = arith.constant 64 : i32
          %lt3A_1121 = arith.cmpi slt, %add3A_1119, %lt3A_1120 : i32
          %convert_element_type3A_1122 = arith.extui %lt3A_1121 : i1 to i32
          %cond3A_1123 = arith.constant 0 : i32
          %cond3A_1124 = arith.cmpi ne, %convert_element_type3A_1122, %cond3A_1123 : i32
          scf.if %cond3A_1124 {
            %add3A_1125 = arith.constant 1 : i32
            %add3A_1126 = arith.addi %select_n3A_737, %add3A_1125 : i32
            %dma_start3A_1127 = arith.constant 1 : i32
            %dma_start3A_1128 = arith.constant 0 : i32
            %dma_start3A_1129 = tpu.memref_slice %arg16[%dma_start3A_1127, %dma_start3A_1128] : memref<2x768xf32, #tpu.memory_space<vmem>> -> memref<1x768xf32, #tpu.memory_space<vmem>>
            %dma_start3A_1130 = tpu.memref_squeeze %dma_start3A_1129 : memref<1x768xf32, #tpu.memory_space<vmem>> -> memref<768xf32, #tpu.memory_space<vmem>>
            %dma_start3A_1131 = arith.constant 0 : i32
            %dma_start3A_1132 = tpu.memref_slice %arg4[%add3A_1126, %dma_start3A_1131] : memref<64x768xf32, #tpu.memory_space<hbm>> -> memref<1x768xf32, #tpu.memory_space<hbm>>
            %dma_start3A_1133 = tpu.memref_squeeze %dma_start3A_1132 : memref<1x768xf32, #tpu.memory_space<hbm>> -> memref<768xf32, #tpu.memory_space<hbm>>
            %dma_start3A_1134 = arith.constant 0 : i32
            %dma_start3A_1135 = tpu.memref_slice %arg16[%dma_start3A_1127, %dma_start3A_1134] : memref<2x768xf32, #tpu.memory_space<vmem>> -> memref<1x768xf32, #tpu.memory_space<vmem>>
            %dma_start3A_1136 = tpu.memref_squeeze %dma_start3A_1135 : memref<1x768xf32, #tpu.memory_space<vmem>> -> memref<768xf32, #tpu.memory_space<vmem>>
            %dma_start3A_1137 = arith.constant 0 : i32
            %dma_start3A_1138 = tpu.memref_slice %arg4[%add3A_1126, %dma_start3A_1137] : memref<64x768xf32, #tpu.memory_space<hbm>> -> memref<1x768xf32, #tpu.memory_space<hbm>>
            %dma_start3A_1139 = tpu.memref_squeeze %dma_start3A_1138 : memref<1x768xf32, #tpu.memory_space<hbm>> -> memref<768xf32, #tpu.memory_space<hbm>>
            tpu.enqueue_dma source(%dma_start3A_1139 : memref<768xf32, #tpu.memory_space<hbm>>) target(%dma_start3A_1136 : memref<768xf32, #tpu.memory_space<vmem>>) target_semaphore(%arg34 : memref<!tpu.dma_semaphore, #tpu.memory_space<semaphore_mem>>)
          } else {
          }
        } else {
        }
        %jit3A_1084 = arith.constant 2 : i32
        %eq3A_1085 = arith.constant 0 : i32
        %eq3A_1086 = arith.cmpi eq, %jit3A_1084, %eq3A_1085 : i32
        %jit3A_1087 = arith.constant 1 : i32
        %select_n3A_1088 = arith.select %eq3A_1086, %jit3A_1087, %jit3A_1084 : i32
        %rem3A_1089 = arith.remsi %select_n3A_737, %select_n3A_1088 : i32
        %ne3A_1090 = arith.constant 0 : i32
        %ne3A_1091 = arith.cmpi ne, %rem3A_1089, %ne3A_1090 : i32
        %lt3A_1092 = arith.constant 0 : i32
        %lt3A_1093 = arith.cmpi slt, %rem3A_1089, %lt3A_1092 : i32
        %lt3A_1094 = arith.constant 0 : i32
        %lt3A_1095 = arith.cmpi slt, %select_n3A_1088, %lt3A_1094 : i32
        %ne3A_1096 = arith.xori %lt3A_1093, %lt3A_1095 : i1
        %and3A_1097 = arith.andi %ne3A_1096, %ne3A_1091 : i1
        %add3A_1098 = arith.addi %rem3A_1089, %select_n3A_1088 : i32
        %select_n3A_1099 = arith.select %and3A_1097, %add3A_1098, %rem3A_1089 : i32
        %eq3A_1100 = arith.constant 1 : i32
        %eq3A_1101 = arith.cmpi eq, %select_n3A_1099, %eq3A_1100 : i32
        %convert_element_type3A_1102 = arith.extui %eq3A_1101 : i1 to i32
        %cond3A_1103 = arith.constant 0 : i32
        %cond3A_1104 = arith.cmpi ne, %convert_element_type3A_1102, %cond3A_1103 : i32
        scf.if %cond3A_1104 {
          %dma_wait3A_1105 = arith.constant 1 : i32
          %dma_wait3A_1106 = arith.constant 0 : i32
          %dma_wait3A_1107 = tpu.memref_slice %arg16[%dma_wait3A_1105, %dma_wait3A_1106] : memref<2x768xf32, #tpu.memory_space<vmem>> -> memref<1x768xf32, #tpu.memory_space<vmem>>
          %dma_wait3A_1108 = tpu.memref_squeeze %dma_wait3A_1107 : memref<1x768xf32, #tpu.memory_space<vmem>> -> memref<768xf32, #tpu.memory_space<vmem>>
          %dma_wait3A_1109 = arith.constant 0 : i32
          %dma_wait3A_1110 = tpu.memref_slice %arg4[%select_n3A_737, %dma_wait3A_1109] : memref<64x768xf32, #tpu.memory_space<hbm>> -> memref<1x768xf32, #tpu.memory_space<hbm>>
          %dma_wait3A_1111 = tpu.memref_squeeze %dma_wait3A_1110 : memref<1x768xf32, #tpu.memory_space<hbm>> -> memref<768xf32, #tpu.memory_space<hbm>>
          %dma_wait3A_1112 = arith.constant 0 : i32
          %dma_wait3A_1113 = tpu.memref_slice %arg16[%dma_wait3A_1105, %dma_wait3A_1112] : memref<2x768xf32, #tpu.memory_space<vmem>> -> memref<1x768xf32, #tpu.memory_space<vmem>>
          %dma_wait3A_1114 = tpu.memref_squeeze %dma_wait3A_1113 : memref<1x768xf32, #tpu.memory_space<vmem>> -> memref<768xf32, #tpu.memory_space<vmem>>
          %dma_wait3A_1115 = arith.constant 0 : i32
          %dma_wait3A_1116 = tpu.memref_slice %arg4[%select_n3A_737, %dma_wait3A_1115] : memref<64x768xf32, #tpu.memory_space<hbm>> -> memref<1x768xf32, #tpu.memory_space<hbm>>
          %dma_wait3A_1117 = tpu.memref_squeeze %dma_wait3A_1116 : memref<1x768xf32, #tpu.memory_space<hbm>> -> memref<768xf32, #tpu.memory_space<hbm>>
          tpu.wait_dma2 semaphore(%arg34 : memref<!tpu.dma_semaphore, #tpu.memory_space<semaphore_mem>>) src(%dma_wait3A_1117 : memref<768xf32, #tpu.memory_space<hbm>>) dst(%dma_wait3A_1114 : memref<768xf32, #tpu.memory_space<vmem>>)
          %add3A_1118 = arith.constant 1 : i32
          %add3A_1119 = arith.addi %select_n3A_737, %add3A_1118 : i32
          %lt3A_1120 = arith.constant 64 : i32
          %lt3A_1121 = arith.cmpi slt, %add3A_1119, %lt3A_1120 : i32
          %convert_element_type3A_1122 = arith.extui %lt3A_1121 : i1 to i32
          %cond3A_1123 = arith.constant 0 : i32
          %cond3A_1124 = arith.cmpi ne, %convert_element_type3A_1122, %cond3A_1123 : i32
          scf.if %cond3A_1124 {
            %add3A_1125 = arith.constant 1 : i32
            %add3A_1126 = arith.addi %select_n3A_737, %add3A_1125 : i32
            %dma_start3A_1127 = arith.constant 0 : i32
            %dma_start3A_1128 = arith.constant 0 : i32
            %dma_start3A_1129 = tpu.memref_slice %arg16[%dma_start3A_1127, %dma_start3A_1128] : memref<2x768xf32, #tpu.memory_space<vmem>> -> memref<1x768xf32, #tpu.memory_space<vmem>>
            %dma_start3A_1130 = tpu.memref_squeeze %dma_start3A_1129 : memref<1x768xf32, #tpu.memory_space<vmem>> -> memref<768xf32, #tpu.memory_space<vmem>>
            %dma_start3A_1131 = arith.constant 0 : i32
            %dma_start3A_1132 = tpu.memref_slice %arg4[%add3A_1126, %dma_start3A_1131] : memref<64x768xf32, #tpu.memory_space<hbm>> -> memref<1x768xf32, #tpu.memory_space<hbm>>
            %dma_start3A_1133 = tpu.memref_squeeze %dma_start3A_1132 : memref<1x768xf32, #tpu.memory_space<hbm>> -> memref<768xf32, #tpu.memory_space<hbm>>
            %dma_start3A_1134 = arith.constant 0 : i32
            %dma_start3A_1135 = tpu.memref_slice %arg16[%dma_start3A_1127, %dma_start3A_1134] : memref<2x768xf32, #tpu.memory_space<vmem>> -> memref<1x768xf32, #tpu.memory_space<vmem>>
            %dma_start3A_1136 = tpu.memref_squeeze %dma_start3A_1135 : memref<1x768xf32, #tpu.memory_space<vmem>> -> memref<768xf32, #tpu.memory_space<vmem>>
            %dma_start3A_1137 = arith.constant 0 : i32
            %dma_start3A_1138 = tpu.memref_slice %arg4[%add3A_1126, %dma_start3A_1137] : memref<64x768xf32, #tpu.memory_space<hbm>> -> memref<1x768xf32, #tpu.memory_space<hbm>>
            %dma_start3A_1139 = tpu.memref_squeeze %dma_start3A_1138 : memref<1x768xf32, #tpu.memory_space<hbm>> -> memref<768xf32, #tpu.memory_space<hbm>>
            tpu.enqueue_dma source(%dma_start3A_1139 : memref<768xf32, #tpu.memory_space<hbm>>) target(%dma_start3A_1136 : memref<768xf32, #tpu.memory_space<vmem>>) target_semaphore(%arg33 : memref<!tpu.dma_semaphore, #tpu.memory_space<semaphore_mem>>)
          } else {
          }
        } else {
        }
      } else {
      }
      %jit3A_775 = arith.constant 8 : i32
      %div3A_776 = arith.divsi %add3A_713, %jit3A_775 : i32
      %sign3A_777 = arith.constant 0 : i32
      %sign3A_778 = arith.cmpi sgt, %add3A_713, %sign3A_777 : i32
      %sign3A_779 = arith.extui %sign3A_778 : i1 to i32
      %sign3A_780 = arith.constant 0 : i32
      %sign3A_781 = arith.cmpi slt, %add3A_713, %sign3A_780 : i32
      %sign3A_782 = arith.extui %sign3A_781 : i1 to i32
      %sign3A_783 = arith.subi %sign3A_779, %sign3A_782 : i32
      %sign3A_784 = arith.constant 0 : i32
      %sign3A_785 = arith.cmpi sgt, %jit3A_775, %sign3A_784 : i32
      %sign3A_786 = arith.extui %sign3A_785 : i1 to i32
      %sign3A_787 = arith.constant 0 : i32
      %sign3A_788 = arith.cmpi slt, %jit3A_775, %sign3A_787 : i32
      %sign3A_789 = arith.extui %sign3A_788 : i1 to i32
      %sign3A_790 = arith.subi %sign3A_786, %sign3A_789 : i32
      %ne3A_791 = arith.cmpi ne, %sign3A_783, %sign3A_790 : i32
      %rem3A_792 = arith.remsi %add3A_713, %jit3A_775 : i32
      %ne3A_793 = arith.constant 0 : i32
      %ne3A_794 = arith.cmpi ne, %rem3A_792, %ne3A_793 : i32
      %and3A_795 = arith.andi %ne3A_791, %ne3A_794 : i1
      %sub3A_796 = arith.constant 1 : i32
      %sub3A_797 = arith.subi %div3A_776, %sub3A_796 : i32
      %select_n3A_798 = arith.select %and3A_795, %sub3A_797, %div3A_776 : i32
      %jit3A_799 = arith.constant 8 : i32
      %eq3A_800 = arith.constant 0 : i32
      %eq3A_801 = arith.cmpi eq, %jit3A_799, %eq3A_800 : i32
      %jit3A_802 = arith.constant 1 : i32
      %select_n3A_803 = arith.select %eq3A_801, %jit3A_802, %jit3A_799 : i32
      %rem3A_804 = arith.remsi %add3A_713, %select_n3A_803 : i32
      %ne3A_805 = arith.constant 0 : i32
      %ne3A_806 = arith.cmpi ne, %rem3A_804, %ne3A_805 : i32
      %lt3A_807 = arith.constant 0 : i32
      %lt3A_808 = arith.cmpi slt, %rem3A_804, %lt3A_807 : i32
      %lt3A_809 = arith.constant 0 : i32
      %lt3A_810 = arith.cmpi slt, %select_n3A_803, %lt3A_809 : i32
      %ne3A_811 = arith.xori %lt3A_808, %lt3A_810 : i1
      %and3A_812 = arith.andi %ne3A_811, %ne3A_806 : i1
      %add3A_813 = arith.addi %rem3A_804, %select_n3A_803 : i32
      %select_n3A_814 = arith.select %and3A_812, %add3A_813, %rem3A_804 : i32
      %mul3A_815 = arith.constant 16 : i32
      %mul3A_816 = arith.muli %select_n3A_814, %mul3A_815 : i32
      %dma_wait3A_817 = tpu.memref_slice %arg6[%select_n3A_798, %mul3A_816] : memref<64x128xi32, #tpu.memory_space<vmem>> -> memref<1x16xi32, #tpu.memory_space<vmem>>
      %dma_wait3A_818 = tpu.memref_squeeze %dma_wait3A_817 : memref<1x16xi32, #tpu.memory_space<vmem>> -> memref<16xi32, #tpu.memory_space<vmem>>
      %dma_wait3A_819 = arith.constant 0 : i32
      %dma_wait3A_820 = arith.constant 0 : i32
      %dma_wait3A_821 = tpu.memref_slice %arg3[%dma_wait3A_819, %dma_wait3A_820] : memref<32000x768xf32, #tpu.memory_space<hbm>> -> memref<32000x768xf32, #tpu.memory_space<hbm>>
      tpu.wait_indirect_dma semaphore(%arg22 : memref<!tpu.dma_semaphore, #tpu.memory_space<semaphore_mem>>) src(%dma_wait3A_821 : memref<32000x768xf32, #tpu.memory_space<hbm>>) dst(%arg13 : memref<16x768xf32, #tpu.memory_space<vmem>>)
      %dma_start3A_822 = arith.constant 5 : i32
      %dma_start3A_823 = arith.constant 0 : i32
      %dma_start3A_824 = tpu.memref_slice %arg7[%dma_start3A_822, %dma_start3A_823] : memref<8x16xi32, #tpu.memory_space<vmem>> -> memref<1x16xi32, #tpu.memory_space<vmem>>
      %dma_start3A_825 = tpu.memref_squeeze %dma_start3A_824 : memref<1x16xi32, #tpu.memory_space<vmem>> -> memref<16xi32, #tpu.memory_space<vmem>>
      %dma_start3A_826 = arith.constant 0 : i32
      %dma_start3A_827 = arith.constant 0 : i32
      %dma_start3A_828 = tpu.memref_slice %arg5[%dma_start3A_826, %dma_start3A_827] : memref<262144x768xf32, #tpu.memory_space<hbm>> -> memref<262144x768xf32, #tpu.memory_space<hbm>>
      tpu.enqueue_indirect_dma source(%arg13 : memref<16x768xf32, #tpu.memory_space<vmem>>) target(%dma_start3A_828 : memref<262144x768xf32, #tpu.memory_space<hbm>>) offsets(%dma_start3A_825 : memref<16xi32, #tpu.memory_space<vmem>>) semaphore(%arg30 : memref<!tpu.dma_semaphore, #tpu.memory_space<semaphore_mem>>)
      %add3A_829 = arith.constant 6 : i32
      %add3A_830 = arith.addi %add3A_139, %add3A_829 : i32
      %jit3A_831 = arith.constant 8 : i32
      %div3A_832 = arith.divsi %add3A_830, %jit3A_831 : i32
      %sign3A_833 = arith.constant 0 : i32
      %sign3A_834 = arith.cmpi sgt, %add3A_830, %sign3A_833 : i32
      %sign3A_835 = arith.extui %sign3A_834 : i1 to i32
      %sign3A_836 = arith.constant 0 : i32
      %sign3A_837 = arith.cmpi slt, %add3A_830, %sign3A_836 : i32
      %sign3A_838 = arith.extui %sign3A_837 : i1 to i32
      %sign3A_839 = arith.subi %sign3A_835, %sign3A_838 : i32
      %sign3A_840 = arith.constant 0 : i32
      %sign3A_841 = arith.cmpi sgt, %jit3A_831, %sign3A_840 : i32
      %sign3A_842 = arith.extui %sign3A_841 : i1 to i32
      %sign3A_843 = arith.constant 0 : i32
      %sign3A_844 = arith.cmpi slt, %jit3A_831, %sign3A_843 : i32
      %sign3A_845 = arith.extui %sign3A_844 : i1 to i32
      %sign3A_846 = arith.subi %sign3A_842, %sign3A_845 : i32
      %ne3A_847 = arith.cmpi ne, %sign3A_839, %sign3A_846 : i32
      %rem3A_848 = arith.remsi %add3A_830, %jit3A_831 : i32
      %ne3A_849 = arith.constant 0 : i32
      %ne3A_850 = arith.cmpi ne, %rem3A_848, %ne3A_849 : i32
      %and3A_851 = arith.andi %ne3A_847, %ne3A_850 : i1
      %sub3A_852 = arith.constant 1 : i32
      %sub3A_853 = arith.subi %div3A_832, %sub3A_852 : i32
      %select_n3A_854 = arith.select %and3A_851, %sub3A_853, %div3A_832 : i32
      %jit3A_855 = arith.constant 8 : i32
      %eq3A_856 = arith.constant 0 : i32
      %eq3A_857 = arith.cmpi eq, %jit3A_855, %eq3A_856 : i32
      %jit3A_858 = arith.constant 1 : i32
      %select_n3A_859 = arith.select %eq3A_857, %jit3A_858, %jit3A_855 : i32
      %rem3A_860 = arith.remsi %add3A_830, %select_n3A_859 : i32
      %ne3A_861 = arith.constant 0 : i32
      %ne3A_862 = arith.cmpi ne, %rem3A_860, %ne3A_861 : i32
      %lt3A_863 = arith.constant 0 : i32
      %lt3A_864 = arith.cmpi slt, %rem3A_860, %lt3A_863 : i32
      %lt3A_865 = arith.constant 0 : i32
      %lt3A_866 = arith.cmpi slt, %select_n3A_859, %lt3A_865 : i32
      %ne3A_867 = arith.xori %lt3A_864, %lt3A_866 : i1
      %and3A_868 = arith.andi %ne3A_867, %ne3A_862 : i1
      %add3A_869 = arith.addi %rem3A_860, %select_n3A_859 : i32
      %select_n3A_870 = arith.select %and3A_868, %add3A_869, %rem3A_860 : i32
      %add3A_871 = arith.constant 4 : i32
      %add3A_872 = arith.addi %add3A_830, %add3A_871 : i32
      %sub3A_873 = arith.constant 8 : i32
      %sub3A_874 = arith.subi %add3A_872, %sub3A_873 : i32
      %ge3A_875 = arith.constant 0 : i32
      %ge3A_876 = arith.cmpi sge, %sub3A_874, %ge3A_875 : i32
      %convert_element_type3A_877 = arith.extui %ge3A_876 : i1 to i32
      %cond3A_878 = arith.constant 0 : i32
      %cond3A_879 = arith.cmpi ne, %convert_element_type3A_877, %cond3A_878 : i32
      scf.if %cond3A_879 {
        %dma_wait3A_1063 = arith.constant 2 : i32
        %dma_wait3A_1064 = arith.constant 0 : i32
        %dma_wait3A_1065 = tpu.memref_slice %arg7[%dma_wait3A_1063, %dma_wait3A_1064] : memref<8x16xi32, #tpu.memory_space<vmem>> -> memref<1x16xi32, #tpu.memory_space<vmem>>
        %dma_wait3A_1066 = tpu.memref_squeeze %dma_wait3A_1065 : memref<1x16xi32, #tpu.memory_space<vmem>> -> memref<16xi32, #tpu.memory_space<vmem>>
        %dma_wait3A_1067 = arith.constant 0 : i32
        %dma_wait3A_1068 = arith.constant 0 : i32
        %dma_wait3A_1069 = tpu.memref_slice %arg5[%dma_wait3A_1067, %dma_wait3A_1068] : memref<262144x768xf32, #tpu.memory_space<hbm>> -> memref<262144x768xf32, #tpu.memory_space<hbm>>
        tpu.wait_indirect_dma semaphore(%arg27 : memref<!tpu.dma_semaphore, #tpu.memory_space<semaphore_mem>>) src(%arg10 : memref<16x768xf32, #tpu.memory_space<vmem>>) dst(%dma_wait3A_1069 : memref<262144x768xf32, #tpu.memory_space<hbm>>)
      } else {
      }
      %add3A_880 = arith.constant 4 : i32
      %add3A_881 = arith.addi %add3A_830, %add3A_880 : i32
      %lt3A_882 = arith.constant 512 : i32
      %lt3A_883 = arith.cmpi slt, %add3A_881, %lt3A_882 : i32
      %convert_element_type3A_884 = arith.extui %lt3A_883 : i1 to i32
      %cond3A_885 = arith.constant 0 : i32
      %cond3A_886 = arith.cmpi ne, %convert_element_type3A_884, %cond3A_885 : i32
      scf.if %cond3A_886 {
        %add3A_1063 = arith.constant 4 : i32
        %add3A_1064 = arith.addi %add3A_830, %add3A_1063 : i32
        %jit3A_1065 = arith.constant 8 : i32
        %div3A_1066 = arith.divsi %add3A_1064, %jit3A_1065 : i32
        %sign3A_1067 = arith.constant 0 : i32
        %sign3A_1068 = arith.cmpi sgt, %add3A_1064, %sign3A_1067 : i32
        %sign3A_1069 = arith.extui %sign3A_1068 : i1 to i32
        %sign3A_1070 = arith.constant 0 : i32
        %sign3A_1071 = arith.cmpi slt, %add3A_1064, %sign3A_1070 : i32
        %sign3A_1072 = arith.extui %sign3A_1071 : i1 to i32
        %sign3A_1073 = arith.subi %sign3A_1069, %sign3A_1072 : i32
        %sign3A_1074 = arith.constant 0 : i32
        %sign3A_1075 = arith.cmpi sgt, %jit3A_1065, %sign3A_1074 : i32
        %sign3A_1076 = arith.extui %sign3A_1075 : i1 to i32
        %sign3A_1077 = arith.constant 0 : i32
        %sign3A_1078 = arith.cmpi slt, %jit3A_1065, %sign3A_1077 : i32
        %sign3A_1079 = arith.extui %sign3A_1078 : i1 to i32
        %sign3A_1080 = arith.subi %sign3A_1076, %sign3A_1079 : i32
        %ne3A_1081 = arith.cmpi ne, %sign3A_1073, %sign3A_1080 : i32
        %rem3A_1082 = arith.remsi %add3A_1064, %jit3A_1065 : i32
        %ne3A_1083 = arith.constant 0 : i32
        %ne3A_1084 = arith.cmpi ne, %rem3A_1082, %ne3A_1083 : i32
        %and3A_1085 = arith.andi %ne3A_1081, %ne3A_1084 : i1
        %sub3A_1086 = arith.constant 1 : i32
        %sub3A_1087 = arith.subi %div3A_1066, %sub3A_1086 : i32
        %select_n3A_1088 = arith.select %and3A_1085, %sub3A_1087, %div3A_1066 : i32
        %jit3A_1089 = arith.constant 8 : i32
        %eq3A_1090 = arith.constant 0 : i32
        %eq3A_1091 = arith.cmpi eq, %jit3A_1089, %eq3A_1090 : i32
        %jit3A_1092 = arith.constant 1 : i32
        %select_n3A_1093 = arith.select %eq3A_1091, %jit3A_1092, %jit3A_1089 : i32
        %rem3A_1094 = arith.remsi %add3A_1064, %select_n3A_1093 : i32
        %ne3A_1095 = arith.constant 0 : i32
        %ne3A_1096 = arith.cmpi ne, %rem3A_1094, %ne3A_1095 : i32
        %lt3A_1097 = arith.constant 0 : i32
        %lt3A_1098 = arith.cmpi slt, %rem3A_1094, %lt3A_1097 : i32
        %lt3A_1099 = arith.constant 0 : i32
        %lt3A_1100 = arith.cmpi slt, %select_n3A_1093, %lt3A_1099 : i32
        %ne3A_1101 = arith.xori %lt3A_1098, %lt3A_1100 : i1
        %and3A_1102 = arith.andi %ne3A_1101, %ne3A_1096 : i1
        %add3A_1103 = arith.addi %rem3A_1094, %select_n3A_1093 : i32
        %select_n3A_1104 = arith.select %and3A_1102, %add3A_1103, %rem3A_1094 : i32
        %mul3A_1105 = arith.constant 1024 : i32
        %mul3A_1106 = arith.muli %select_n3A_1104, %mul3A_1105 : i32
        %add3A_1107 = arith.addi %mul3A_2, %mul3A_1106 : i32
        %add3A_1108 = arith.addi %add3A_1107, %select_n3A_1088 : i32
        %add3A_1109 = arith.constant 0 : i32
        %add3A_1110 = arith.addi %add3A_1108, %add3A_1109 : i32
        %add3A_1111 = vector.broadcast %add3A_1110 : i32 to vector<16xi32>
        %add3A_1112 = arith.addi %mul3A_7, %add3A_1111 : vector<16xi32>
        %swap3A_1113 = arith.constant 2 : i32
        %swap3A_1114 = arith.index_cast %swap3A_1113 : i32 to index
        %swap3A_1115 = arith.constant 0 : index
        %swap3A_1116 = tpu.vector_load %arg7[%swap3A_1114, %swap3A_1115] {strides = array<i32>} : memref<8x16xi32, #tpu.memory_space<vmem>>, vector<1x16xi32>,
        %swap3A_1117 = vector.shape_cast %swap3A_1116 : vector<1x16xi32> to vector<16xi32>
        %swap3A_1118 = vector.shape_cast %add3A_1112 : vector<16xi32> to vector<1x16xi32>
        tpu.vector_store %arg7[%swap3A_1114, %swap3A_1115], %swap3A_1118 {strides = array<i32>} : memref<8x16xi32, #tpu.memory_space<vmem>>, vector<1x16xi32>,
        %jit3A_1119 = arith.constant 8 : i32
        %div3A_1120 = arith.divsi %add3A_1064, %jit3A_1119 : i32
        %sign3A_1121 = arith.constant 0 : i32
        %sign3A_1122 = arith.cmpi sgt, %add3A_1064, %sign3A_1121 : i32
        %sign3A_1123 = arith.extui %sign3A_1122 : i1 to i32
        %sign3A_1124 = arith.constant 0 : i32
        %sign3A_1125 = arith.cmpi slt, %add3A_1064, %sign3A_1124 : i32
        %sign3A_1126 = arith.extui %sign3A_1125 : i1 to i32
        %sign3A_1127 = arith.subi %sign3A_1123, %sign3A_1126 : i32
        %sign3A_1128 = arith.constant 0 : i32
        %sign3A_1129 = arith.cmpi sgt, %jit3A_1119, %sign3A_1128 : i32
        %sign3A_1130 = arith.extui %sign3A_1129 : i1 to i32
        %sign3A_1131 = arith.constant 0 : i32
        %sign3A_1132 = arith.cmpi slt, %jit3A_1119, %sign3A_1131 : i32
        %sign3A_1133 = arith.extui %sign3A_1132 : i1 to i32
        %sign3A_1134 = arith.subi %sign3A_1130, %sign3A_1133 : i32
        %ne3A_1135 = arith.cmpi ne, %sign3A_1127, %sign3A_1134 : i32
        %rem3A_1136 = arith.remsi %add3A_1064, %jit3A_1119 : i32
        %ne3A_1137 = arith.constant 0 : i32
        %ne3A_1138 = arith.cmpi ne, %rem3A_1136, %ne3A_1137 : i32
        %and3A_1139 = arith.andi %ne3A_1135, %ne3A_1138 : i1
        %sub3A_1140 = arith.constant 1 : i32
        %sub3A_1141 = arith.subi %div3A_1120, %sub3A_1140 : i32
        %select_n3A_1142 = arith.select %and3A_1139, %sub3A_1141, %div3A_1120 : i32
        %jit3A_1143 = arith.constant 8 : i32
        %eq3A_1144 = arith.constant 0 : i32
        %eq3A_1145 = arith.cmpi eq, %jit3A_1143, %eq3A_1144 : i32
        %jit3A_1146 = arith.constant 1 : i32
        %select_n3A_1147 = arith.select %eq3A_1145, %jit3A_1146, %jit3A_1143 : i32
        %rem3A_1148 = arith.remsi %add3A_1064, %select_n3A_1147 : i32
        %ne3A_1149 = arith.constant 0 : i32
        %ne3A_1150 = arith.cmpi ne, %rem3A_1148, %ne3A_1149 : i32
        %lt3A_1151 = arith.constant 0 : i32
        %lt3A_1152 = arith.cmpi slt, %rem3A_1148, %lt3A_1151 : i32
        %lt3A_1153 = arith.constant 0 : i32
        %lt3A_1154 = arith.cmpi slt, %select_n3A_1147, %lt3A_1153 : i32
        %ne3A_1155 = arith.xori %lt3A_1152, %lt3A_1154 : i1
        %and3A_1156 = arith.andi %ne3A_1155, %ne3A_1150 : i1
        %add3A_1157 = arith.addi %rem3A_1148, %select_n3A_1147 : i32
        %select_n3A_1158 = arith.select %and3A_1156, %add3A_1157, %rem3A_1148 : i32
        %mul3A_1159 = arith.constant 16 : i32
        %mul3A_1160 = arith.muli %select_n3A_1158, %mul3A_1159 : i32
        %dma_start3A_1161 = tpu.memref_slice %arg6[%select_n3A_1142, %mul3A_1160] : memref<64x128xi32, #tpu.memory_space<vmem>> -> memref<1x16xi32, #tpu.memory_space<vmem>>
        %dma_start3A_1162 = tpu.memref_squeeze %dma_start3A_1161 : memref<1x16xi32, #tpu.memory_space<vmem>> -> memref<16xi32, #tpu.memory_space<vmem>>
        %dma_start3A_1163 = arith.constant 0 : i32
        %dma_start3A_1164 = arith.constant 0 : i32
        %dma_start3A_1165 = tpu.memref_slice %arg3[%dma_start3A_1163, %dma_start3A_1164] : memref<32000x768xf32, #tpu.memory_space<hbm>> -> memref<32000x768xf32, #tpu.memory_space<hbm>>
        tpu.enqueue_indirect_dma source(%dma_start3A_1165 : memref<32000x768xf32, #tpu.memory_space<hbm>>) target(%arg10 : memref<16x768xf32, #tpu.memory_space<vmem>>) offsets(%dma_start3A_1162 : memref<16xi32, #tpu.memory_space<vmem>>) semaphore(%arg19 : memref<!tpu.dma_semaphore, #tpu.memory_space<semaphore_mem>>)
      } else {
      }
      %eq3A_887 = arith.constant 0 : i32
      %eq3A_888 = arith.cmpi eq, %select_n3A_870, %eq3A_887 : i32
      %convert_element_type3A_889 = arith.extui %eq3A_888 : i1 to i32
      %cond3A_890 = arith.constant 0 : i32
      %cond3A_891 = arith.cmpi ne, %convert_element_type3A_889, %cond3A_890 : i32
      scf.if %cond3A_891 {
        %jit3A_1063 = arith.constant 2 : i32
        %eq3A_1064 = arith.constant 0 : i32
        %eq3A_1065 = arith.cmpi eq, %jit3A_1063, %eq3A_1064 : i32
        %jit3A_1066 = arith.constant 1 : i32
        %select_n3A_1067 = arith.select %eq3A_1065, %jit3A_1066, %jit3A_1063 : i32
        %rem3A_1068 = arith.remsi %select_n3A_854, %select_n3A_1067 : i32
        %ne3A_1069 = arith.constant 0 : i32
        %ne3A_1070 = arith.cmpi ne, %rem3A_1068, %ne3A_1069 : i32
        %lt3A_1071 = arith.constant 0 : i32
        %lt3A_1072 = arith.cmpi slt, %rem3A_1068, %lt3A_1071 : i32
        %lt3A_1073 = arith.constant 0 : i32
        %lt3A_1074 = arith.cmpi slt, %select_n3A_1067, %lt3A_1073 : i32
        %ne3A_1075 = arith.xori %lt3A_1072, %lt3A_1074 : i1
        %and3A_1076 = arith.andi %ne3A_1075, %ne3A_1070 : i1
        %add3A_1077 = arith.addi %rem3A_1068, %select_n3A_1067 : i32
        %select_n3A_1078 = arith.select %and3A_1076, %add3A_1077, %rem3A_1068 : i32
        %eq3A_1079 = arith.constant 0 : i32
        %eq3A_1080 = arith.cmpi eq, %select_n3A_1078, %eq3A_1079 : i32
        %convert_element_type3A_1081 = arith.extui %eq3A_1080 : i1 to i32
        %cond3A_1082 = arith.constant 0 : i32
        %cond3A_1083 = arith.cmpi ne, %convert_element_type3A_1081, %cond3A_1082 : i32
        scf.if %cond3A_1083 {
          %dma_wait3A_1105 = arith.constant 0 : i32
          %dma_wait3A_1106 = arith.constant 0 : i32
          %dma_wait3A_1107 = tpu.memref_slice %arg16[%dma_wait3A_1105, %dma_wait3A_1106] : memref<2x768xf32, #tpu.memory_space<vmem>> -> memref<1x768xf32, #tpu.memory_space<vmem>>
          %dma_wait3A_1108 = tpu.memref_squeeze %dma_wait3A_1107 : memref<1x768xf32, #tpu.memory_space<vmem>> -> memref<768xf32, #tpu.memory_space<vmem>>
          %dma_wait3A_1109 = arith.constant 0 : i32
          %dma_wait3A_1110 = tpu.memref_slice %arg4[%select_n3A_854, %dma_wait3A_1109] : memref<64x768xf32, #tpu.memory_space<hbm>> -> memref<1x768xf32, #tpu.memory_space<hbm>>
          %dma_wait3A_1111 = tpu.memref_squeeze %dma_wait3A_1110 : memref<1x768xf32, #tpu.memory_space<hbm>> -> memref<768xf32, #tpu.memory_space<hbm>>
          %dma_wait3A_1112 = arith.constant 0 : i32
          %dma_wait3A_1113 = tpu.memref_slice %arg16[%dma_wait3A_1105, %dma_wait3A_1112] : memref<2x768xf32, #tpu.memory_space<vmem>> -> memref<1x768xf32, #tpu.memory_space<vmem>>
          %dma_wait3A_1114 = tpu.memref_squeeze %dma_wait3A_1113 : memref<1x768xf32, #tpu.memory_space<vmem>> -> memref<768xf32, #tpu.memory_space<vmem>>
          %dma_wait3A_1115 = arith.constant 0 : i32
          %dma_wait3A_1116 = tpu.memref_slice %arg4[%select_n3A_854, %dma_wait3A_1115] : memref<64x768xf32, #tpu.memory_space<hbm>> -> memref<1x768xf32, #tpu.memory_space<hbm>>
          %dma_wait3A_1117 = tpu.memref_squeeze %dma_wait3A_1116 : memref<1x768xf32, #tpu.memory_space<hbm>> -> memref<768xf32, #tpu.memory_space<hbm>>
          tpu.wait_dma2 semaphore(%arg33 : memref<!tpu.dma_semaphore, #tpu.memory_space<semaphore_mem>>) src(%dma_wait3A_1117 : memref<768xf32, #tpu.memory_space<hbm>>) dst(%dma_wait3A_1114 : memref<768xf32, #tpu.memory_space<vmem>>)
          %add3A_1118 = arith.constant 1 : i32
          %add3A_1119 = arith.addi %select_n3A_854, %add3A_1118 : i32
          %lt3A_1120 = arith.constant 64 : i32
          %lt3A_1121 = arith.cmpi slt, %add3A_1119, %lt3A_1120 : i32
          %convert_element_type3A_1122 = arith.extui %lt3A_1121 : i1 to i32
          %cond3A_1123 = arith.constant 0 : i32
          %cond3A_1124 = arith.cmpi ne, %convert_element_type3A_1122, %cond3A_1123 : i32
          scf.if %cond3A_1124 {
            %add3A_1125 = arith.constant 1 : i32
            %add3A_1126 = arith.addi %select_n3A_854, %add3A_1125 : i32
            %dma_start3A_1127 = arith.constant 1 : i32
            %dma_start3A_1128 = arith.constant 0 : i32
            %dma_start3A_1129 = tpu.memref_slice %arg16[%dma_start3A_1127, %dma_start3A_1128] : memref<2x768xf32, #tpu.memory_space<vmem>> -> memref<1x768xf32, #tpu.memory_space<vmem>>
            %dma_start3A_1130 = tpu.memref_squeeze %dma_start3A_1129 : memref<1x768xf32, #tpu.memory_space<vmem>> -> memref<768xf32, #tpu.memory_space<vmem>>
            %dma_start3A_1131 = arith.constant 0 : i32
            %dma_start3A_1132 = tpu.memref_slice %arg4[%add3A_1126, %dma_start3A_1131] : memref<64x768xf32, #tpu.memory_space<hbm>> -> memref<1x768xf32, #tpu.memory_space<hbm>>
            %dma_start3A_1133 = tpu.memref_squeeze %dma_start3A_1132 : memref<1x768xf32, #tpu.memory_space<hbm>> -> memref<768xf32, #tpu.memory_space<hbm>>
            %dma_start3A_1134 = arith.constant 0 : i32
            %dma_start3A_1135 = tpu.memref_slice %arg16[%dma_start3A_1127, %dma_start3A_1134] : memref<2x768xf32, #tpu.memory_space<vmem>> -> memref<1x768xf32, #tpu.memory_space<vmem>>
            %dma_start3A_1136 = tpu.memref_squeeze %dma_start3A_1135 : memref<1x768xf32, #tpu.memory_space<vmem>> -> memref<768xf32, #tpu.memory_space<vmem>>
            %dma_start3A_1137 = arith.constant 0 : i32
            %dma_start3A_1138 = tpu.memref_slice %arg4[%add3A_1126, %dma_start3A_1137] : memref<64x768xf32, #tpu.memory_space<hbm>> -> memref<1x768xf32, #tpu.memory_space<hbm>>
            %dma_start3A_1139 = tpu.memref_squeeze %dma_start3A_1138 : memref<1x768xf32, #tpu.memory_space<hbm>> -> memref<768xf32, #tpu.memory_space<hbm>>
            tpu.enqueue_dma source(%dma_start3A_1139 : memref<768xf32, #tpu.memory_space<hbm>>) target(%dma_start3A_1136 : memref<768xf32, #tpu.memory_space<vmem>>) target_semaphore(%arg34 : memref<!tpu.dma_semaphore, #tpu.memory_space<semaphore_mem>>)
          } else {
          }
        } else {
        }
        %jit3A_1084 = arith.constant 2 : i32
        %eq3A_1085 = arith.constant 0 : i32
        %eq3A_1086 = arith.cmpi eq, %jit3A_1084, %eq3A_1085 : i32
        %jit3A_1087 = arith.constant 1 : i32
        %select_n3A_1088 = arith.select %eq3A_1086, %jit3A_1087, %jit3A_1084 : i32
        %rem3A_1089 = arith.remsi %select_n3A_854, %select_n3A_1088 : i32
        %ne3A_1090 = arith.constant 0 : i32
        %ne3A_1091 = arith.cmpi ne, %rem3A_1089, %ne3A_1090 : i32
        %lt3A_1092 = arith.constant 0 : i32
        %lt3A_1093 = arith.cmpi slt, %rem3A_1089, %lt3A_1092 : i32
        %lt3A_1094 = arith.constant 0 : i32
        %lt3A_1095 = arith.cmpi slt, %select_n3A_1088, %lt3A_1094 : i32
        %ne3A_1096 = arith.xori %lt3A_1093, %lt3A_1095 : i1
        %and3A_1097 = arith.andi %ne3A_1096, %ne3A_1091 : i1
        %add3A_1098 = arith.addi %rem3A_1089, %select_n3A_1088 : i32
        %select_n3A_1099 = arith.select %and3A_1097, %add3A_1098, %rem3A_1089 : i32
        %eq3A_1100 = arith.constant 1 : i32
        %eq3A_1101 = arith.cmpi eq, %select_n3A_1099, %eq3A_1100 : i32
        %convert_element_type3A_1102 = arith.extui %eq3A_1101 : i1 to i32
        %cond3A_1103 = arith.constant 0 : i32
        %cond3A_1104 = arith.cmpi ne, %convert_element_type3A_1102, %cond3A_1103 : i32
        scf.if %cond3A_1104 {
          %dma_wait3A_1105 = arith.constant 1 : i32
          %dma_wait3A_1106 = arith.constant 0 : i32
          %dma_wait3A_1107 = tpu.memref_slice %arg16[%dma_wait3A_1105, %dma_wait3A_1106] : memref<2x768xf32, #tpu.memory_space<vmem>> -> memref<1x768xf32, #tpu.memory_space<vmem>>
          %dma_wait3A_1108 = tpu.memref_squeeze %dma_wait3A_1107 : memref<1x768xf32, #tpu.memory_space<vmem>> -> memref<768xf32, #tpu.memory_space<vmem>>
          %dma_wait3A_1109 = arith.constant 0 : i32
          %dma_wait3A_1110 = tpu.memref_slice %arg4[%select_n3A_854, %dma_wait3A_1109] : memref<64x768xf32, #tpu.memory_space<hbm>> -> memref<1x768xf32, #tpu.memory_space<hbm>>
          %dma_wait3A_1111 = tpu.memref_squeeze %dma_wait3A_1110 : memref<1x768xf32, #tpu.memory_space<hbm>> -> memref<768xf32, #tpu.memory_space<hbm>>
          %dma_wait3A_1112 = arith.constant 0 : i32
          %dma_wait3A_1113 = tpu.memref_slice %arg16[%dma_wait3A_1105, %dma_wait3A_1112] : memref<2x768xf32, #tpu.memory_space<vmem>> -> memref<1x768xf32, #tpu.memory_space<vmem>>
          %dma_wait3A_1114 = tpu.memref_squeeze %dma_wait3A_1113 : memref<1x768xf32, #tpu.memory_space<vmem>> -> memref<768xf32, #tpu.memory_space<vmem>>
          %dma_wait3A_1115 = arith.constant 0 : i32
          %dma_wait3A_1116 = tpu.memref_slice %arg4[%select_n3A_854, %dma_wait3A_1115] : memref<64x768xf32, #tpu.memory_space<hbm>> -> memref<1x768xf32, #tpu.memory_space<hbm>>
          %dma_wait3A_1117 = tpu.memref_squeeze %dma_wait3A_1116 : memref<1x768xf32, #tpu.memory_space<hbm>> -> memref<768xf32, #tpu.memory_space<hbm>>
          tpu.wait_dma2 semaphore(%arg34 : memref<!tpu.dma_semaphore, #tpu.memory_space<semaphore_mem>>) src(%dma_wait3A_1117 : memref<768xf32, #tpu.memory_space<hbm>>) dst(%dma_wait3A_1114 : memref<768xf32, #tpu.memory_space<vmem>>)
          %add3A_1118 = arith.constant 1 : i32
          %add3A_1119 = arith.addi %select_n3A_854, %add3A_1118 : i32
          %lt3A_1120 = arith.constant 64 : i32
          %lt3A_1121 = arith.cmpi slt, %add3A_1119, %lt3A_1120 : i32
          %convert_element_type3A_1122 = arith.extui %lt3A_1121 : i1 to i32
          %cond3A_1123 = arith.constant 0 : i32
          %cond3A_1124 = arith.cmpi ne, %convert_element_type3A_1122, %cond3A_1123 : i32
          scf.if %cond3A_1124 {
            %add3A_1125 = arith.constant 1 : i32
            %add3A_1126 = arith.addi %select_n3A_854, %add3A_1125 : i32
            %dma_start3A_1127 = arith.constant 0 : i32
            %dma_start3A_1128 = arith.constant 0 : i32
            %dma_start3A_1129 = tpu.memref_slice %arg16[%dma_start3A_1127, %dma_start3A_1128] : memref<2x768xf32, #tpu.memory_space<vmem>> -> memref<1x768xf32, #tpu.memory_space<vmem>>
            %dma_start3A_1130 = tpu.memref_squeeze %dma_start3A_1129 : memref<1x768xf32, #tpu.memory_space<vmem>> -> memref<768xf32, #tpu.memory_space<vmem>>
            %dma_start3A_1131 = arith.constant 0 : i32
            %dma_start3A_1132 = tpu.memref_slice %arg4[%add3A_1126, %dma_start3A_1131] : memref<64x768xf32, #tpu.memory_space<hbm>> -> memref<1x768xf32, #tpu.memory_space<hbm>>
            %dma_start3A_1133 = tpu.memref_squeeze %dma_start3A_1132 : memref<1x768xf32, #tpu.memory_space<hbm>> -> memref<768xf32, #tpu.memory_space<hbm>>
            %dma_start3A_1134 = arith.constant 0 : i32
            %dma_start3A_1135 = tpu.memref_slice %arg16[%dma_start3A_1127, %dma_start3A_1134] : memref<2x768xf32, #tpu.memory_space<vmem>> -> memref<1x768xf32, #tpu.memory_space<vmem>>
            %dma_start3A_1136 = tpu.memref_squeeze %dma_start3A_1135 : memref<1x768xf32, #tpu.memory_space<vmem>> -> memref<768xf32, #tpu.memory_space<vmem>>
            %dma_start3A_1137 = arith.constant 0 : i32
            %dma_start3A_1138 = tpu.memref_slice %arg4[%add3A_1126, %dma_start3A_1137] : memref<64x768xf32, #tpu.memory_space<hbm>> -> memref<1x768xf32, #tpu.memory_space<hbm>>
            %dma_start3A_1139 = tpu.memref_squeeze %dma_start3A_1138 : memref<1x768xf32, #tpu.memory_space<hbm>> -> memref<768xf32, #tpu.memory_space<hbm>>
            tpu.enqueue_dma source(%dma_start3A_1139 : memref<768xf32, #tpu.memory_space<hbm>>) target(%dma_start3A_1136 : memref<768xf32, #tpu.memory_space<vmem>>) target_semaphore(%arg33 : memref<!tpu.dma_semaphore, #tpu.memory_space<semaphore_mem>>)
          } else {
          }
        } else {
        }
      } else {
      }
      %jit3A_892 = arith.constant 8 : i32
      %div3A_893 = arith.divsi %add3A_830, %jit3A_892 : i32
      %sign3A_894 = arith.constant 0 : i32
      %sign3A_895 = arith.cmpi sgt, %add3A_830, %sign3A_894 : i32
      %sign3A_896 = arith.extui %sign3A_895 : i1 to i32
      %sign3A_897 = arith.constant 0 : i32
      %sign3A_898 = arith.cmpi slt, %add3A_830, %sign3A_897 : i32
      %sign3A_899 = arith.extui %sign3A_898 : i1 to i32
      %sign3A_900 = arith.subi %sign3A_896, %sign3A_899 : i32
      %sign3A_901 = arith.constant 0 : i32
      %sign3A_902 = arith.cmpi sgt, %jit3A_892, %sign3A_901 : i32
      %sign3A_903 = arith.extui %sign3A_902 : i1 to i32
      %sign3A_904 = arith.constant 0 : i32
      %sign3A_905 = arith.cmpi slt, %jit3A_892, %sign3A_904 : i32
      %sign3A_906 = arith.extui %sign3A_905 : i1 to i32
      %sign3A_907 = arith.subi %sign3A_903, %sign3A_906 : i32
      %ne3A_908 = arith.cmpi ne, %sign3A_900, %sign3A_907 : i32
      %rem3A_909 = arith.remsi %add3A_830, %jit3A_892 : i32
      %ne3A_910 = arith.constant 0 : i32
      %ne3A_911 = arith.cmpi ne, %rem3A_909, %ne3A_910 : i32
      %and3A_912 = arith.andi %ne3A_908, %ne3A_911 : i1
      %sub3A_913 = arith.constant 1 : i32
      %sub3A_914 = arith.subi %div3A_893, %sub3A_913 : i32
      %select_n3A_915 = arith.select %and3A_912, %sub3A_914, %div3A_893 : i32
      %jit3A_916 = arith.constant 8 : i32
      %eq3A_917 = arith.constant 0 : i32
      %eq3A_918 = arith.cmpi eq, %jit3A_916, %eq3A_917 : i32
      %jit3A_919 = arith.constant 1 : i32
      %select_n3A_920 = arith.select %eq3A_918, %jit3A_919, %jit3A_916 : i32
      %rem3A_921 = arith.remsi %add3A_830, %select_n3A_920 : i32
      %ne3A_922 = arith.constant 0 : i32
      %ne3A_923 = arith.cmpi ne, %rem3A_921, %ne3A_922 : i32
      %lt3A_924 = arith.constant 0 : i32
      %lt3A_925 = arith.cmpi slt, %rem3A_921, %lt3A_924 : i32
      %lt3A_926 = arith.constant 0 : i32
      %lt3A_927 = arith.cmpi slt, %select_n3A_920, %lt3A_926 : i32
      %ne3A_928 = arith.xori %lt3A_925, %lt3A_927 : i1
      %and3A_929 = arith.andi %ne3A_928, %ne3A_923 : i1
      %add3A_930 = arith.addi %rem3A_921, %select_n3A_920 : i32
      %select_n3A_931 = arith.select %and3A_929, %add3A_930, %rem3A_921 : i32
      %mul3A_932 = arith.constant 16 : i32
      %mul3A_933 = arith.muli %select_n3A_931, %mul3A_932 : i32
      %dma_wait3A_934 = tpu.memref_slice %arg6[%select_n3A_915, %mul3A_933] : memref<64x128xi32, #tpu.memory_space<vmem>> -> memref<1x16xi32, #tpu.memory_space<vmem>>
      %dma_wait3A_935 = tpu.memref_squeeze %dma_wait3A_934 : memref<1x16xi32, #tpu.memory_space<vmem>> -> memref<16xi32, #tpu.memory_space<vmem>>
      %dma_wait3A_936 = arith.constant 0 : i32
      %dma_wait3A_937 = arith.constant 0 : i32
      %dma_wait3A_938 = tpu.memref_slice %arg3[%dma_wait3A_936, %dma_wait3A_937] : memref<32000x768xf32, #tpu.memory_space<hbm>> -> memref<32000x768xf32, #tpu.memory_space<hbm>>
      tpu.wait_indirect_dma semaphore(%arg23 : memref<!tpu.dma_semaphore, #tpu.memory_space<semaphore_mem>>) src(%dma_wait3A_938 : memref<32000x768xf32, #tpu.memory_space<hbm>>) dst(%arg14 : memref<16x768xf32, #tpu.memory_space<vmem>>)
      %dma_start3A_939 = arith.constant 6 : i32
      %dma_start3A_940 = arith.constant 0 : i32
      %dma_start3A_941 = tpu.memref_slice %arg7[%dma_start3A_939, %dma_start3A_940] : memref<8x16xi32, #tpu.memory_space<vmem>> -> memref<1x16xi32, #tpu.memory_space<vmem>>
      %dma_start3A_942 = tpu.memref_squeeze %dma_start3A_941 : memref<1x16xi32, #tpu.memory_space<vmem>> -> memref<16xi32, #tpu.memory_space<vmem>>
      %dma_start3A_943 = arith.constant 0 : i32
      %dma_start3A_944 = arith.constant 0 : i32
      %dma_start3A_945 = tpu.memref_slice %arg5[%dma_start3A_943, %dma_start3A_944] : memref<262144x768xf32, #tpu.memory_space<hbm>> -> memref<262144x768xf32, #tpu.memory_space<hbm>>
      tpu.enqueue_indirect_dma source(%arg14 : memref<16x768xf32, #tpu.memory_space<vmem>>) target(%dma_start3A_945 : memref<262144x768xf32, #tpu.memory_space<hbm>>) offsets(%dma_start3A_942 : memref<16xi32, #tpu.memory_space<vmem>>) semaphore(%arg31 : memref<!tpu.dma_semaphore, #tpu.memory_space<semaphore_mem>>)
      %add3A_946 = arith.constant 7 : i32
      %add3A_947 = arith.addi %add3A_139, %add3A_946 : i32
      %jit3A_948 = arith.constant 8 : i32
      %div3A_949 = arith.divsi %add3A_947, %jit3A_948 : i32
      %sign3A_950 = arith.constant 0 : i32
      %sign3A_951 = arith.cmpi sgt, %add3A_947, %sign3A_950 : i32
      %sign3A_952 = arith.extui %sign3A_951 : i1 to i32
      %sign3A_953 = arith.constant 0 : i32
      %sign3A_954 = arith.cmpi slt, %add3A_947, %sign3A_953 : i32
      %sign3A_955 = arith.extui %sign3A_954 : i1 to i32
      %sign3A_956 = arith.subi %sign3A_952, %sign3A_955 : i32
      %sign3A_957 = arith.constant 0 : i32
      %sign3A_958 = arith.cmpi sgt, %jit3A_948, %sign3A_957 : i32
      %sign3A_959 = arith.extui %sign3A_958 : i1 to i32
      %sign3A_960 = arith.constant 0 : i32
      %sign3A_961 = arith.cmpi slt, %jit3A_948, %sign3A_960 : i32
      %sign3A_962 = arith.extui %sign3A_961 : i1 to i32
      %sign3A_963 = arith.subi %sign3A_959, %sign3A_962 : i32
      %ne3A_964 = arith.cmpi ne, %sign3A_956, %sign3A_963 : i32
      %rem3A_965 = arith.remsi %add3A_947, %jit3A_948 : i32
      %ne3A_966 = arith.constant 0 : i32
      %ne3A_967 = arith.cmpi ne, %rem3A_965, %ne3A_966 : i32
      %and3A_968 = arith.andi %ne3A_964, %ne3A_967 : i1
      %sub3A_969 = arith.constant 1 : i32
      %sub3A_970 = arith.subi %div3A_949, %sub3A_969 : i32
      %select_n3A_971 = arith.select %and3A_968, %sub3A_970, %div3A_949 : i32
      %jit3A_972 = arith.constant 8 : i32
      %eq3A_973 = arith.constant 0 : i32
      %eq3A_974 = arith.cmpi eq, %jit3A_972, %eq3A_973 : i32
      %jit3A_975 = arith.constant 1 : i32
      %select_n3A_976 = arith.select %eq3A_974, %jit3A_975, %jit3A_972 : i32
      %rem3A_977 = arith.remsi %add3A_947, %select_n3A_976 : i32
      %ne3A_978 = arith.constant 0 : i32
      %ne3A_979 = arith.cmpi ne, %rem3A_977, %ne3A_978 : i32
      %lt3A_980 = arith.constant 0 : i32
      %lt3A_981 = arith.cmpi slt, %rem3A_977, %lt3A_980 : i32
      %lt3A_982 = arith.constant 0 : i32
      %lt3A_983 = arith.cmpi slt, %select_n3A_976, %lt3A_982 : i32
      %ne3A_984 = arith.xori %lt3A_981, %lt3A_983 : i1
      %and3A_985 = arith.andi %ne3A_984, %ne3A_979 : i1
      %add3A_986 = arith.addi %rem3A_977, %select_n3A_976 : i32
      %select_n3A_987 = arith.select %and3A_985, %add3A_986, %rem3A_977 : i32
      %add3A_988 = arith.constant 4 : i32
      %add3A_989 = arith.addi %add3A_947, %add3A_988 : i32
      %sub3A_990 = arith.constant 8 : i32
      %sub3A_991 = arith.subi %add3A_989, %sub3A_990 : i32
      %ge3A_992 = arith.constant 0 : i32
      %ge3A_993 = arith.cmpi sge, %sub3A_991, %ge3A_992 : i32
      %convert_element_type3A_994 = arith.extui %ge3A_993 : i1 to i32
      %cond3A_995 = arith.constant 0 : i32
      %cond3A_996 = arith.cmpi ne, %convert_element_type3A_994, %cond3A_995 : i32
      scf.if %cond3A_996 {
        %dma_wait3A_1063 = arith.constant 3 : i32
        %dma_wait3A_1064 = arith.constant 0 : i32
        %dma_wait3A_1065 = tpu.memref_slice %arg7[%dma_wait3A_1063, %dma_wait3A_1064] : memref<8x16xi32, #tpu.memory_space<vmem>> -> memref<1x16xi32, #tpu.memory_space<vmem>>
        %dma_wait3A_1066 = tpu.memref_squeeze %dma_wait3A_1065 : memref<1x16xi32, #tpu.memory_space<vmem>> -> memref<16xi32, #tpu.memory_space<vmem>>
        %dma_wait3A_1067 = arith.constant 0 : i32
        %dma_wait3A_1068 = arith.constant 0 : i32
        %dma_wait3A_1069 = tpu.memref_slice %arg5[%dma_wait3A_1067, %dma_wait3A_1068] : memref<262144x768xf32, #tpu.memory_space<hbm>> -> memref<262144x768xf32, #tpu.memory_space<hbm>>
        tpu.wait_indirect_dma semaphore(%arg28 : memref<!tpu.dma_semaphore, #tpu.memory_space<semaphore_mem>>) src(%arg11 : memref<16x768xf32, #tpu.memory_space<vmem>>) dst(%dma_wait3A_1069 : memref<262144x768xf32, #tpu.memory_space<hbm>>)
      } else {
      }
      %add3A_997 = arith.constant 4 : i32
      %add3A_998 = arith.addi %add3A_947, %add3A_997 : i32
      %lt3A_999 = arith.constant 512 : i32
      %lt3A_1000 = arith.cmpi slt, %add3A_998, %lt3A_999 : i32
      %convert_element_type3A_1001 = arith.extui %lt3A_1000 : i1 to i32
      %cond3A_1002 = arith.constant 0 : i32
      %cond3A_1003 = arith.cmpi ne, %convert_element_type3A_1001, %cond3A_1002 : i32
      scf.if %cond3A_1003 {
        %add3A_1063 = arith.constant 4 : i32
        %add3A_1064 = arith.addi %add3A_947, %add3A_1063 : i32
        %jit3A_1065 = arith.constant 8 : i32
        %div3A_1066 = arith.divsi %add3A_1064, %jit3A_1065 : i32
        %sign3A_1067 = arith.constant 0 : i32
        %sign3A_1068 = arith.cmpi sgt, %add3A_1064, %sign3A_1067 : i32
        %sign3A_1069 = arith.extui %sign3A_1068 : i1 to i32
        %sign3A_1070 = arith.constant 0 : i32
        %sign3A_1071 = arith.cmpi slt, %add3A_1064, %sign3A_1070 : i32
        %sign3A_1072 = arith.extui %sign3A_1071 : i1 to i32
        %sign3A_1073 = arith.subi %sign3A_1069, %sign3A_1072 : i32
        %sign3A_1074 = arith.constant 0 : i32
        %sign3A_1075 = arith.cmpi sgt, %jit3A_1065, %sign3A_1074 : i32
        %sign3A_1076 = arith.extui %sign3A_1075 : i1 to i32
        %sign3A_1077 = arith.constant 0 : i32
        %sign3A_1078 = arith.cmpi slt, %jit3A_1065, %sign3A_1077 : i32
        %sign3A_1079 = arith.extui %sign3A_1078 : i1 to i32
        %sign3A_1080 = arith.subi %sign3A_1076, %sign3A_1079 : i32
        %ne3A_1081 = arith.cmpi ne, %sign3A_1073, %sign3A_1080 : i32
        %rem3A_1082 = arith.remsi %add3A_1064, %jit3A_1065 : i32
        %ne3A_1083 = arith.constant 0 : i32
        %ne3A_1084 = arith.cmpi ne, %rem3A_1082, %ne3A_1083 : i32
        %and3A_1085 = arith.andi %ne3A_1081, %ne3A_1084 : i1
        %sub3A_1086 = arith.constant 1 : i32
        %sub3A_1087 = arith.subi %div3A_1066, %sub3A_1086 : i32
        %select_n3A_1088 = arith.select %and3A_1085, %sub3A_1087, %div3A_1066 : i32
        %jit3A_1089 = arith.constant 8 : i32
        %eq3A_1090 = arith.constant 0 : i32
        %eq3A_1091 = arith.cmpi eq, %jit3A_1089, %eq3A_1090 : i32
        %jit3A_1092 = arith.constant 1 : i32
        %select_n3A_1093 = arith.select %eq3A_1091, %jit3A_1092, %jit3A_1089 : i32
        %rem3A_1094 = arith.remsi %add3A_1064, %select_n3A_1093 : i32
        %ne3A_1095 = arith.constant 0 : i32
        %ne3A_1096 = arith.cmpi ne, %rem3A_1094, %ne3A_1095 : i32
        %lt3A_1097 = arith.constant 0 : i32
        %lt3A_1098 = arith.cmpi slt, %rem3A_1094, %lt3A_1097 : i32
        %lt3A_1099 = arith.constant 0 : i32
        %lt3A_1100 = arith.cmpi slt, %select_n3A_1093, %lt3A_1099 : i32
        %ne3A_1101 = arith.xori %lt3A_1098, %lt3A_1100 : i1
        %and3A_1102 = arith.andi %ne3A_1101, %ne3A_1096 : i1
        %add3A_1103 = arith.addi %rem3A_1094, %select_n3A_1093 : i32
        %select_n3A_1104 = arith.select %and3A_1102, %add3A_1103, %rem3A_1094 : i32
        %mul3A_1105 = arith.constant 1024 : i32
        %mul3A_1106 = arith.muli %select_n3A_1104, %mul3A_1105 : i32
        %add3A_1107 = arith.addi %mul3A_2, %mul3A_1106 : i32
        %add3A_1108 = arith.addi %add3A_1107, %select_n3A_1088 : i32
        %add3A_1109 = arith.constant 0 : i32
        %add3A_1110 = arith.addi %add3A_1108, %add3A_1109 : i32
        %add3A_1111 = vector.broadcast %add3A_1110 : i32 to vector<16xi32>
        %add3A_1112 = arith.addi %mul3A_7, %add3A_1111 : vector<16xi32>
        %swap3A_1113 = arith.constant 3 : i32
        %swap3A_1114 = arith.index_cast %swap3A_1113 : i32 to index
        %swap3A_1115 = arith.constant 0 : index
        %swap3A_1116 = tpu.vector_load %arg7[%swap3A_1114, %swap3A_1115] {strides = array<i32>} : memref<8x16xi32, #tpu.memory_space<vmem>>, vector<1x16xi32>,
        %swap3A_1117 = vector.shape_cast %swap3A_1116 : vector<1x16xi32> to vector<16xi32>
        %swap3A_1118 = vector.shape_cast %add3A_1112 : vector<16xi32> to vector<1x16xi32>
        tpu.vector_store %arg7[%swap3A_1114, %swap3A_1115], %swap3A_1118 {strides = array<i32>} : memref<8x16xi32, #tpu.memory_space<vmem>>, vector<1x16xi32>,
        %jit3A_1119 = arith.constant 8 : i32
        %div3A_1120 = arith.divsi %add3A_1064, %jit3A_1119 : i32
        %sign3A_1121 = arith.constant 0 : i32
        %sign3A_1122 = arith.cmpi sgt, %add3A_1064, %sign3A_1121 : i32
        %sign3A_1123 = arith.extui %sign3A_1122 : i1 to i32
        %sign3A_1124 = arith.constant 0 : i32
        %sign3A_1125 = arith.cmpi slt, %add3A_1064, %sign3A_1124 : i32
        %sign3A_1126 = arith.extui %sign3A_1125 : i1 to i32
        %sign3A_1127 = arith.subi %sign3A_1123, %sign3A_1126 : i32
        %sign3A_1128 = arith.constant 0 : i32
        %sign3A_1129 = arith.cmpi sgt, %jit3A_1119, %sign3A_1128 : i32
        %sign3A_1130 = arith.extui %sign3A_1129 : i1 to i32
        %sign3A_1131 = arith.constant 0 : i32
        %sign3A_1132 = arith.cmpi slt, %jit3A_1119, %sign3A_1131 : i32
        %sign3A_1133 = arith.extui %sign3A_1132 : i1 to i32
        %sign3A_1134 = arith.subi %sign3A_1130, %sign3A_1133 : i32
        %ne3A_1135 = arith.cmpi ne, %sign3A_1127, %sign3A_1134 : i32
        %rem3A_1136 = arith.remsi %add3A_1064, %jit3A_1119 : i32
        %ne3A_1137 = arith.constant 0 : i32
        %ne3A_1138 = arith.cmpi ne, %rem3A_1136, %ne3A_1137 : i32
        %and3A_1139 = arith.andi %ne3A_1135, %ne3A_1138 : i1
        %sub3A_1140 = arith.constant 1 : i32
        %sub3A_1141 = arith.subi %div3A_1120, %sub3A_1140 : i32
        %select_n3A_1142 = arith.select %and3A_1139, %sub3A_1141, %div3A_1120 : i32
        %jit3A_1143 = arith.constant 8 : i32
        %eq3A_1144 = arith.constant 0 : i32
        %eq3A_1145 = arith.cmpi eq, %jit3A_1143, %eq3A_1144 : i32
        %jit3A_1146 = arith.constant 1 : i32
        %select_n3A_1147 = arith.select %eq3A_1145, %jit3A_1146, %jit3A_1143 : i32
        %rem3A_1148 = arith.remsi %add3A_1064, %select_n3A_1147 : i32
        %ne3A_1149 = arith.constant 0 : i32
        %ne3A_1150 = arith.cmpi ne, %rem3A_1148, %ne3A_1149 : i32
        %lt3A_1151 = arith.constant 0 : i32
        %lt3A_1152 = arith.cmpi slt, %rem3A_1148, %lt3A_1151 : i32
        %lt3A_1153 = arith.constant 0 : i32
        %lt3A_1154 = arith.cmpi slt, %select_n3A_1147, %lt3A_1153 : i32
        %ne3A_1155 = arith.xori %lt3A_1152, %lt3A_1154 : i1
        %and3A_1156 = arith.andi %ne3A_1155, %ne3A_1150 : i1
        %add3A_1157 = arith.addi %rem3A_1148, %select_n3A_1147 : i32
        %select_n3A_1158 = arith.select %and3A_1156, %add3A_1157, %rem3A_1148 : i32
        %mul3A_1159 = arith.constant 16 : i32
        %mul3A_1160 = arith.muli %select_n3A_1158, %mul3A_1159 : i32
        %dma_start3A_1161 = tpu.memref_slice %arg6[%select_n3A_1142, %mul3A_1160] : memref<64x128xi32, #tpu.memory_space<vmem>> -> memref<1x16xi32, #tpu.memory_space<vmem>>
        %dma_start3A_1162 = tpu.memref_squeeze %dma_start3A_1161 : memref<1x16xi32, #tpu.memory_space<vmem>> -> memref<16xi32, #tpu.memory_space<vmem>>
        %dma_start3A_1163 = arith.constant 0 : i32
        %dma_start3A_1164 = arith.constant 0 : i32
        %dma_start3A_1165 = tpu.memref_slice %arg3[%dma_start3A_1163, %dma_start3A_1164] : memref<32000x768xf32, #tpu.memory_space<hbm>> -> memref<32000x768xf32, #tpu.memory_space<hbm>>
        tpu.enqueue_indirect_dma source(%dma_start3A_1165 : memref<32000x768xf32, #tpu.memory_space<hbm>>) target(%arg11 : memref<16x768xf32, #tpu.memory_space<vmem>>) offsets(%dma_start3A_1162 : memref<16xi32, #tpu.memory_space<vmem>>) semaphore(%arg20 : memref<!tpu.dma_semaphore, #tpu.memory_space<semaphore_mem>>)
      } else {
      }
      %eq3A_1004 = arith.constant 0 : i32
      %eq3A_1005 = arith.cmpi eq, %select_n3A_987, %eq3A_1004 : i32
      %convert_element_type3A_1006 = arith.extui %eq3A_1005 : i1 to i32
      %cond3A_1007 = arith.constant 0 : i32
      %cond3A_1008 = arith.cmpi ne, %convert_element_type3A_1006, %cond3A_1007 : i32
      scf.if %cond3A_1008 {
        %jit3A_1063 = arith.constant 2 : i32
        %eq3A_1064 = arith.constant 0 : i32
        %eq3A_1065 = arith.cmpi eq, %jit3A_1063, %eq3A_1064 : i32
        %jit3A_1066 = arith.constant 1 : i32
        %select_n3A_1067 = arith.select %eq3A_1065, %jit3A_1066, %jit3A_1063 : i32
        %rem3A_1068 = arith.remsi %select_n3A_971, %select_n3A_1067 : i32
        %ne3A_1069 = arith.constant 0 : i32
        %ne3A_1070 = arith.cmpi ne, %rem3A_1068, %ne3A_1069 : i32
        %lt3A_1071 = arith.constant 0 : i32
        %lt3A_1072 = arith.cmpi slt, %rem3A_1068, %lt3A_1071 : i32
        %lt3A_1073 = arith.constant 0 : i32
        %lt3A_1074 = arith.cmpi slt, %select_n3A_1067, %lt3A_1073 : i32
        %ne3A_1075 = arith.xori %lt3A_1072, %lt3A_1074 : i1
        %and3A_1076 = arith.andi %ne3A_1075, %ne3A_1070 : i1
        %add3A_1077 = arith.addi %rem3A_1068, %select_n3A_1067 : i32
        %select_n3A_1078 = arith.select %and3A_1076, %add3A_1077, %rem3A_1068 : i32
        %eq3A_1079 = arith.constant 0 : i32
        %eq3A_1080 = arith.cmpi eq, %select_n3A_1078, %eq3A_1079 : i32
        %convert_element_type3A_1081 = arith.extui %eq3A_1080 : i1 to i32
        %cond3A_1082 = arith.constant 0 : i32
        %cond3A_1083 = arith.cmpi ne, %convert_element_type3A_1081, %cond3A_1082 : i32
        scf.if %cond3A_1083 {
          %dma_wait3A_1105 = arith.constant 0 : i32
          %dma_wait3A_1106 = arith.constant 0 : i32
          %dma_wait3A_1107 = tpu.memref_slice %arg16[%dma_wait3A_1105, %dma_wait3A_1106] : memref<2x768xf32, #tpu.memory_space<vmem>> -> memref<1x768xf32, #tpu.memory_space<vmem>>
          %dma_wait3A_1108 = tpu.memref_squeeze %dma_wait3A_1107 : memref<1x768xf32, #tpu.memory_space<vmem>> -> memref<768xf32, #tpu.memory_space<vmem>>
          %dma_wait3A_1109 = arith.constant 0 : i32
          %dma_wait3A_1110 = tpu.memref_slice %arg4[%select_n3A_971, %dma_wait3A_1109] : memref<64x768xf32, #tpu.memory_space<hbm>> -> memref<1x768xf32, #tpu.memory_space<hbm>>
          %dma_wait3A_1111 = tpu.memref_squeeze %dma_wait3A_1110 : memref<1x768xf32, #tpu.memory_space<hbm>> -> memref<768xf32, #tpu.memory_space<hbm>>
          %dma_wait3A_1112 = arith.constant 0 : i32
          %dma_wait3A_1113 = tpu.memref_slice %arg16[%dma_wait3A_1105, %dma_wait3A_1112] : memref<2x768xf32, #tpu.memory_space<vmem>> -> memref<1x768xf32, #tpu.memory_space<vmem>>
          %dma_wait3A_1114 = tpu.memref_squeeze %dma_wait3A_1113 : memref<1x768xf32, #tpu.memory_space<vmem>> -> memref<768xf32, #tpu.memory_space<vmem>>
          %dma_wait3A_1115 = arith.constant 0 : i32
          %dma_wait3A_1116 = tpu.memref_slice %arg4[%select_n3A_971, %dma_wait3A_1115] : memref<64x768xf32, #tpu.memory_space<hbm>> -> memref<1x768xf32, #tpu.memory_space<hbm>>
          %dma_wait3A_1117 = tpu.memref_squeeze %dma_wait3A_1116 : memref<1x768xf32, #tpu.memory_space<hbm>> -> memref<768xf32, #tpu.memory_space<hbm>>
          tpu.wait_dma2 semaphore(%arg33 : memref<!tpu.dma_semaphore, #tpu.memory_space<semaphore_mem>>) src(%dma_wait3A_1117 : memref<768xf32, #tpu.memory_space<hbm>>) dst(%dma_wait3A_1114 : memref<768xf32, #tpu.memory_space<vmem>>)
          %add3A_1118 = arith.constant 1 : i32
          %add3A_1119 = arith.addi %select_n3A_971, %add3A_1118 : i32
          %lt3A_1120 = arith.constant 64 : i32
          %lt3A_1121 = arith.cmpi slt, %add3A_1119, %lt3A_1120 : i32
          %convert_element_type3A_1122 = arith.extui %lt3A_1121 : i1 to i32
          %cond3A_1123 = arith.constant 0 : i32
          %cond3A_1124 = arith.cmpi ne, %convert_element_type3A_1122, %cond3A_1123 : i32
          scf.if %cond3A_1124 {
            %add3A_1125 = arith.constant 1 : i32
            %add3A_1126 = arith.addi %select_n3A_971, %add3A_1125 : i32
            %dma_start3A_1127 = arith.constant 1 : i32
            %dma_start3A_1128 = arith.constant 0 : i32
            %dma_start3A_1129 = tpu.memref_slice %arg16[%dma_start3A_1127, %dma_start3A_1128] : memref<2x768xf32, #tpu.memory_space<vmem>> -> memref<1x768xf32, #tpu.memory_space<vmem>>
            %dma_start3A_1130 = tpu.memref_squeeze %dma_start3A_1129 : memref<1x768xf32, #tpu.memory_space<vmem>> -> memref<768xf32, #tpu.memory_space<vmem>>
            %dma_start3A_1131 = arith.constant 0 : i32
            %dma_start3A_1132 = tpu.memref_slice %arg4[%add3A_1126, %dma_start3A_1131] : memref<64x768xf32, #tpu.memory_space<hbm>> -> memref<1x768xf32, #tpu.memory_space<hbm>>
            %dma_start3A_1133 = tpu.memref_squeeze %dma_start3A_1132 : memref<1x768xf32, #tpu.memory_space<hbm>> -> memref<768xf32, #tpu.memory_space<hbm>>
            %dma_start3A_1134 = arith.constant 0 : i32
            %dma_start3A_1135 = tpu.memref_slice %arg16[%dma_start3A_1127, %dma_start3A_1134] : memref<2x768xf32, #tpu.memory_space<vmem>> -> memref<1x768xf32, #tpu.memory_space<vmem>>
            %dma_start3A_1136 = tpu.memref_squeeze %dma_start3A_1135 : memref<1x768xf32, #tpu.memory_space<vmem>> -> memref<768xf32, #tpu.memory_space<vmem>>
            %dma_start3A_1137 = arith.constant 0 : i32
            %dma_start3A_1138 = tpu.memref_slice %arg4[%add3A_1126, %dma_start3A_1137] : memref<64x768xf32, #tpu.memory_space<hbm>> -> memref<1x768xf32, #tpu.memory_space<hbm>>
            %dma_start3A_1139 = tpu.memref_squeeze %dma_start3A_1138 : memref<1x768xf32, #tpu.memory_space<hbm>> -> memref<768xf32, #tpu.memory_space<hbm>>
            tpu.enqueue_dma source(%dma_start3A_1139 : memref<768xf32, #tpu.memory_space<hbm>>) target(%dma_start3A_1136 : memref<768xf32, #tpu.memory_space<vmem>>) target_semaphore(%arg34 : memref<!tpu.dma_semaphore, #tpu.memory_space<semaphore_mem>>)
          } else {
          }
        } else {
        }
        %jit3A_1084 = arith.constant 2 : i32
        %eq3A_1085 = arith.constant 0 : i32
        %eq3A_1086 = arith.cmpi eq, %jit3A_1084, %eq3A_1085 : i32
        %jit3A_1087 = arith.constant 1 : i32
        %select_n3A_1088 = arith.select %eq3A_1086, %jit3A_1087, %jit3A_1084 : i32
        %rem3A_1089 = arith.remsi %select_n3A_971, %select_n3A_1088 : i32
        %ne3A_1090 = arith.constant 0 : i32
        %ne3A_1091 = arith.cmpi ne, %rem3A_1089, %ne3A_1090 : i32
        %lt3A_1092 = arith.constant 0 : i32
        %lt3A_1093 = arith.cmpi slt, %rem3A_1089, %lt3A_1092 : i32
        %lt3A_1094 = arith.constant 0 : i32
        %lt3A_1095 = arith.cmpi slt, %select_n3A_1088, %lt3A_1094 : i32
        %ne3A_1096 = arith.xori %lt3A_1093, %lt3A_1095 : i1
        %and3A_1097 = arith.andi %ne3A_1096, %ne3A_1091 : i1
        %add3A_1098 = arith.addi %rem3A_1089, %select_n3A_1088 : i32
        %select_n3A_1099 = arith.select %and3A_1097, %add3A_1098, %rem3A_1089 : i32
        %eq3A_1100 = arith.constant 1 : i32
        %eq3A_1101 = arith.cmpi eq, %select_n3A_1099, %eq3A_1100 : i32
        %convert_element_type3A_1102 = arith.extui %eq3A_1101 : i1 to i32
        %cond3A_1103 = arith.constant 0 : i32
        %cond3A_1104 = arith.cmpi ne, %convert_element_type3A_1102, %cond3A_1103 : i32
        scf.if %cond3A_1104 {
          %dma_wait3A_1105 = arith.constant 1 : i32
          %dma_wait3A_1106 = arith.constant 0 : i32
          %dma_wait3A_1107 = tpu.memref_slice %arg16[%dma_wait3A_1105, %dma_wait3A_1106] : memref<2x768xf32, #tpu.memory_space<vmem>> -> memref<1x768xf32, #tpu.memory_space<vmem>>
          %dma_wait3A_1108 = tpu.memref_squeeze %dma_wait3A_1107 : memref<1x768xf32, #tpu.memory_space<vmem>> -> memref<768xf32, #tpu.memory_space<vmem>>
          %dma_wait3A_1109 = arith.constant 0 : i32
          %dma_wait3A_1110 = tpu.memref_slice %arg4[%select_n3A_971, %dma_wait3A_1109] : memref<64x768xf32, #tpu.memory_space<hbm>> -> memref<1x768xf32, #tpu.memory_space<hbm>>
          %dma_wait3A_1111 = tpu.memref_squeeze %dma_wait3A_1110 : memref<1x768xf32, #tpu.memory_space<hbm>> -> memref<768xf32, #tpu.memory_space<hbm>>
          %dma_wait3A_1112 = arith.constant 0 : i32
          %dma_wait3A_1113 = tpu.memref_slice %arg16[%dma_wait3A_1105, %dma_wait3A_1112] : memref<2x768xf32, #tpu.memory_space<vmem>> -> memref<1x768xf32, #tpu.memory_space<vmem>>
          %dma_wait3A_1114 = tpu.memref_squeeze %dma_wait3A_1113 : memref<1x768xf32, #tpu.memory_space<vmem>> -> memref<768xf32, #tpu.memory_space<vmem>>
          %dma_wait3A_1115 = arith.constant 0 : i32
          %dma_wait3A_1116 = tpu.memref_slice %arg4[%select_n3A_971, %dma_wait3A_1115] : memref<64x768xf32, #tpu.memory_space<hbm>> -> memref<1x768xf32, #tpu.memory_space<hbm>>
          %dma_wait3A_1117 = tpu.memref_squeeze %dma_wait3A_1116 : memref<1x768xf32, #tpu.memory_space<hbm>> -> memref<768xf32, #tpu.memory_space<hbm>>
          tpu.wait_dma2 semaphore(%arg34 : memref<!tpu.dma_semaphore, #tpu.memory_space<semaphore_mem>>) src(%dma_wait3A_1117 : memref<768xf32, #tpu.memory_space<hbm>>) dst(%dma_wait3A_1114 : memref<768xf32, #tpu.memory_space<vmem>>)
          %add3A_1118 = arith.constant 1 : i32
          %add3A_1119 = arith.addi %select_n3A_971, %add3A_1118 : i32
          %lt3A_1120 = arith.constant 64 : i32
          %lt3A_1121 = arith.cmpi slt, %add3A_1119, %lt3A_1120 : i32
          %convert_element_type3A_1122 = arith.extui %lt3A_1121 : i1 to i32
          %cond3A_1123 = arith.constant 0 : i32
          %cond3A_1124 = arith.cmpi ne, %convert_element_type3A_1122, %cond3A_1123 : i32
          scf.if %cond3A_1124 {
            %add3A_1125 = arith.constant 1 : i32
            %add3A_1126 = arith.addi %select_n3A_971, %add3A_1125 : i32
            %dma_start3A_1127 = arith.constant 0 : i32
            %dma_start3A_1128 = arith.constant 0 : i32
            %dma_start3A_1129 = tpu.memref_slice %arg16[%dma_start3A_1127, %dma_start3A_1128] : memref<2x768xf32, #tpu.memory_space<vmem>> -> memref<1x768xf32, #tpu.memory_space<vmem>>
            %dma_start3A_1130 = tpu.memref_squeeze %dma_start3A_1129 : memref<1x768xf32, #tpu.memory_space<vmem>> -> memref<768xf32, #tpu.memory_space<vmem>>
            %dma_start3A_1131 = arith.constant 0 : i32
            %dma_start3A_1132 = tpu.memref_slice %arg4[%add3A_1126, %dma_start3A_1131] : memref<64x768xf32, #tpu.memory_space<hbm>> -> memref<1x768xf32, #tpu.memory_space<hbm>>
            %dma_start3A_1133 = tpu.memref_squeeze %dma_start3A_1132 : memref<1x768xf32, #tpu.memory_space<hbm>> -> memref<768xf32, #tpu.memory_space<hbm>>
            %dma_start3A_1134 = arith.constant 0 : i32
            %dma_start3A_1135 = tpu.memref_slice %arg16[%dma_start3A_1127, %dma_start3A_1134] : memref<2x768xf32, #tpu.memory_space<vmem>> -> memref<1x768xf32, #tpu.memory_space<vmem>>
            %dma_start3A_1136 = tpu.memref_squeeze %dma_start3A_1135 : memref<1x768xf32, #tpu.memory_space<vmem>> -> memref<768xf32, #tpu.memory_space<vmem>>
            %dma_start3A_1137 = arith.constant 0 : i32
            %dma_start3A_1138 = tpu.memref_slice %arg4[%add3A_1126, %dma_start3A_1137] : memref<64x768xf32, #tpu.memory_space<hbm>> -> memref<1x768xf32, #tpu.memory_space<hbm>>
            %dma_start3A_1139 = tpu.memref_squeeze %dma_start3A_1138 : memref<1x768xf32, #tpu.memory_space<hbm>> -> memref<768xf32, #tpu.memory_space<hbm>>
            tpu.enqueue_dma source(%dma_start3A_1139 : memref<768xf32, #tpu.memory_space<hbm>>) target(%dma_start3A_1136 : memref<768xf32, #tpu.memory_space<vmem>>) target_semaphore(%arg33 : memref<!tpu.dma_semaphore, #tpu.memory_space<semaphore_mem>>)
          } else {
          }
        } else {
        }
      } else {
      }
      %jit3A_1009 = arith.constant 8 : i32
      %div3A_1010 = arith.divsi %add3A_947, %jit3A_1009 : i32
      %sign3A_1011 = arith.constant 0 : i32
      %sign3A_1012 = arith.cmpi sgt, %add3A_947, %sign3A_1011 : i32
      %sign3A_1013 = arith.extui %sign3A_1012 : i1 to i32
      %sign3A_1014 = arith.constant 0 : i32
      %sign3A_1015 = arith.cmpi slt, %add3A_947, %sign3A_1014 : i32
      %sign3A_1016 = arith.extui %sign3A_1015 : i1 to i32
      %sign3A_1017 = arith.subi %sign3A_1013, %sign3A_1016 : i32
      %sign3A_1018 = arith.constant 0 : i32
      %sign3A_1019 = arith.cmpi sgt, %jit3A_1009, %sign3A_1018 : i32
      %sign3A_1020 = arith.extui %sign3A_1019 : i1 to i32
      %sign3A_1021 = arith.constant 0 : i32
      %sign3A_1022 = arith.cmpi slt, %jit3A_1009, %sign3A_1021 : i32
      %sign3A_1023 = arith.extui %sign3A_1022 : i1 to i32
      %sign3A_1024 = arith.subi %sign3A_1020, %sign3A_1023 : i32
      %ne3A_1025 = arith.cmpi ne, %sign3A_1017, %sign3A_1024 : i32
      %rem3A_1026 = arith.remsi %add3A_947, %jit3A_1009 : i32
      %ne3A_1027 = arith.constant 0 : i32
      %ne3A_1028 = arith.cmpi ne, %rem3A_1026, %ne3A_1027 : i32
      %and3A_1029 = arith.andi %ne3A_1025, %ne3A_1028 : i1
      %sub3A_1030 = arith.constant 1 : i32
      %sub3A_1031 = arith.subi %div3A_1010, %sub3A_1030 : i32
      %select_n3A_1032 = arith.select %and3A_1029, %sub3A_1031, %div3A_1010 : i32
      %jit3A_1033 = arith.constant 8 : i32
      %eq3A_1034 = arith.constant 0 : i32
      %eq3A_1035 = arith.cmpi eq, %jit3A_1033, %eq3A_1034 : i32
      %jit3A_1036 = arith.constant 1 : i32
      %select_n3A_1037 = arith.select %eq3A_1035, %jit3A_1036, %jit3A_1033 : i32
      %rem3A_1038 = arith.remsi %add3A_947, %select_n3A_1037 : i32
      %ne3A_1039 = arith.constant 0 : i32
      %ne3A_1040 = arith.cmpi ne, %rem3A_1038, %ne3A_1039 : i32
      %lt3A_1041 = arith.constant 0 : i32
      %lt3A_1042 = arith.cmpi slt, %rem3A_1038, %lt3A_1041 : i32
      %lt3A_1043 = arith.constant 0 : i32
      %lt3A_1044 = arith.cmpi slt, %select_n3A_1037, %lt3A_1043 : i32
      %ne3A_1045 = arith.xori %lt3A_1042, %lt3A_1044 : i1
      %and3A_1046 = arith.andi %ne3A_1045, %ne3A_1040 : i1
      %add3A_1047 = arith.addi %rem3A_1038, %select_n3A_1037 : i32
      %select_n3A_1048 = arith.select %and3A_1046, %add3A_1047, %rem3A_1038 : i32
      %mul3A_1049 = arith.constant 16 : i32
      %mul3A_1050 = arith.muli %select_n3A_1048, %mul3A_1049 : i32
      %dma_wait3A_1051 = tpu.memref_slice %arg6[%select_n3A_1032, %mul3A_1050] : memref<64x128xi32, #tpu.memory_space<vmem>> -> memref<1x16xi32, #tpu.memory_space<vmem>>
      %dma_wait3A_1052 = tpu.memref_squeeze %dma_wait3A_1051 : memref<1x16xi32, #tpu.memory_space<vmem>> -> memref<16xi32, #tpu.memory_space<vmem>>
      %dma_wait3A_1053 = arith.constant 0 : i32
      %dma_wait3A_1054 = arith.constant 0 : i32
      %dma_wait3A_1055 = tpu.memref_slice %arg3[%dma_wait3A_1053, %dma_wait3A_1054] : memref<32000x768xf32, #tpu.memory_space<hbm>> -> memref<32000x768xf32, #tpu.memory_space<hbm>>
      tpu.wait_indirect_dma semaphore(%arg24 : memref<!tpu.dma_semaphore, #tpu.memory_space<semaphore_mem>>) src(%dma_wait3A_1055 : memref<32000x768xf32, #tpu.memory_space<hbm>>) dst(%arg15 : memref<16x768xf32, #tpu.memory_space<vmem>>)
      %dma_start3A_1056 = arith.constant 7 : i32
      %dma_start3A_1057 = arith.constant 0 : i32
      %dma_start3A_1058 = tpu.memref_slice %arg7[%dma_start3A_1056, %dma_start3A_1057] : memref<8x16xi32, #tpu.memory_space<vmem>> -> memref<1x16xi32, #tpu.memory_space<vmem>>
      %dma_start3A_1059 = tpu.memref_squeeze %dma_start3A_1058 : memref<1x16xi32, #tpu.memory_space<vmem>> -> memref<16xi32, #tpu.memory_space<vmem>>
      %dma_start3A_1060 = arith.constant 0 : i32
      %dma_start3A_1061 = arith.constant 0 : i32
      %dma_start3A_1062 = tpu.memref_slice %arg5[%dma_start3A_1060, %dma_start3A_1061] : memref<262144x768xf32, #tpu.memory_space<hbm>> -> memref<262144x768xf32, #tpu.memory_space<hbm>>
      tpu.enqueue_indirect_dma source(%arg15 : memref<16x768xf32, #tpu.memory_space<vmem>>) target(%dma_start3A_1062 : memref<262144x768xf32, #tpu.memory_space<hbm>>) offsets(%dma_start3A_1059 : memref<16xi32, #tpu.memory_space<vmem>>) semaphore(%arg32 : memref<!tpu.dma_semaphore, #tpu.memory_space<semaphore_mem>>)
    }
    %scan3A_107 = arith.constant 64 : i32
    %dma_wait3A = arith.constant 4 : i32
    %dma_wait3A_108 = arith.constant 0 : i32
    %dma_wait3A_109 = tpu.memref_slice %arg7[%dma_wait3A, %dma_wait3A_108] : memref<8x16xi32, #tpu.memory_space<vmem>> -> memref<1x16xi32, #tpu.memory_space<vmem>>
    %dma_wait3A_110 = tpu.memref_squeeze %dma_wait3A_109 : memref<1x16xi32, #tpu.memory_space<vmem>> -> memref<16xi32, #tpu.memory_space<vmem>>
    %dma_wait3A_111 = arith.constant 0 : i32
    %dma_wait3A_112 = arith.constant 0 : i32
    %dma_wait3A_113 = tpu.memref_slice %arg5[%dma_wait3A_111, %dma_wait3A_112] : memref<262144x768xf32, #tpu.memory_space<hbm>> -> memref<262144x768xf32, #tpu.memory_space<hbm>>
    tpu.wait_indirect_dma semaphore(%arg29 : memref<!tpu.dma_semaphore, #tpu.memory_space<semaphore_mem>>) src(%arg12 : memref<16x768xf32, #tpu.memory_space<vmem>>) dst(%dma_wait3A_113 : memref<262144x768xf32, #tpu.memory_space<hbm>>)
    %dma_wait3A_114 = arith.constant 5 : i32
    %dma_wait3A_115 = arith.constant 0 : i32
    %dma_wait3A_116 = tpu.memref_slice %arg7[%dma_wait3A_114, %dma_wait3A_115] : memref<8x16xi32, #tpu.memory_space<vmem>> -> memref<1x16xi32, #tpu.memory_space<vmem>>
    %dma_wait3A_117 = tpu.memref_squeeze %dma_wait3A_116 : memref<1x16xi32, #tpu.memory_space<vmem>> -> memref<16xi32, #tpu.memory_space<vmem>>
    %dma_wait3A_118 = arith.constant 0 : i32
    %dma_wait3A_119 = arith.constant 0 : i32
    %dma_wait3A_120 = tpu.memref_slice %arg5[%dma_wait3A_118, %dma_wait3A_119] : memref<262144x768xf32, #tpu.memory_space<hbm>> -> memref<262144x768xf32, #tpu.memory_space<hbm>>
    tpu.wait_indirect_dma semaphore(%arg30 : memref<!tpu.dma_semaphore, #tpu.memory_space<semaphore_mem>>) src(%arg13 : memref<16x768xf32, #tpu.memory_space<vmem>>) dst(%dma_wait3A_120 : memref<262144x768xf32, #tpu.memory_space<hbm>>)
    %dma_wait3A_121 = arith.constant 6 : i32
    %dma_wait3A_122 = arith.constant 0 : i32
    %dma_wait3A_123 = tpu.memref_slice %arg7[%dma_wait3A_121, %dma_wait3A_122] : memref<8x16xi32, #tpu.memory_space<vmem>> -> memref<1x16xi32, #tpu.memory_space<vmem>>
    %dma_wait3A_124 = tpu.memref_squeeze %dma_wait3A_123 : memref<1x16xi32, #tpu.memory_space<vmem>> -> memref<16xi32, #tpu.memory_space<vmem>>
    %dma_wait3A_125 = arith.constant 0 : i32
    %dma_wait3A_126 = arith.constant 0 : i32
    %dma_wait3A_127 = tpu.memref_slice %arg5[%dma_wait3A_125, %dma_wait3A_126] : memref<262144x768xf32, #tpu.memory_space<hbm>> -> memref<262144x768xf32, #tpu.memory_space<hbm>>
    tpu.wait_indirect_dma semaphore(%arg31 : memref<!tpu.dma_semaphore, #tpu.memory_space<semaphore_mem>>) src(%arg14 : memref<16x768xf32, #tpu.memory_space<vmem>>) dst(%dma_wait3A_127 : memref<262144x768xf32, #tpu.memory_space<hbm>>)
    %dma_wait3A_128 = arith.constant 7 : i32
    %dma_wait3A_129 = arith.constant 0 : i32
    %dma_wait3A_130 = tpu.memref_slice %arg7[%dma_wait3A_128, %dma_wait3A_129] : memref<8x16xi32, #tpu.memory_space<vmem>> -> memref<1x16xi32, #tpu.memory_space<vmem>>
    %dma_wait3A_131 = tpu.memref_squeeze %dma_wait3A_130 : memref<1x16xi32, #tpu.memory_space<vmem>> -> memref<16xi32, #tpu.memory_space<vmem>>
    %dma_wait3A_132 = arith.constant 0 : i32
    %dma_wait3A_133 = arith.constant 0 : i32
    %dma_wait3A_134 = tpu.memref_slice %arg5[%dma_wait3A_132, %dma_wait3A_133] : memref<262144x768xf32, #tpu.memory_space<hbm>> -> memref<262144x768xf32, #tpu.memory_space<hbm>>
    tpu.wait_indirect_dma semaphore(%arg32 : memref<!tpu.dma_semaphore, #tpu.memory_space<semaphore_mem>>) src(%arg15 : memref<16x768xf32, #tpu.memory_space<vmem>>) dst(%dma_wait3A_134 : memref<262144x768xf32, #tpu.memory_space<hbm>>)
    return
  }
}

</mosaic_0001>

<sc_bundles>
// kernel: kernel.3.cloned.1.call-start
scs
__scs_entry_jumppad:
0x0: {  	(pc) =	sbr.rel $0x88, $3  }
0x1: {  	(tag) =	ssettag $0x0;
	lr =	simm.s32 $0x1  }
0x2: {  	[smem:$0x3F9E] =	sst lr;
	_ =	strace $0xD0000000  }
0x3: {  	_ = 	snop  }
0x4: {  	_ = 	snop  }
0x5: {  	_ = 	snop  }
0x6: {  	_ = 	snop  }
0x7: {  	_ = 	snop  }
__scs_overlays_trampoline_lowered:
0x8: {  	[smem:$0x3FAD] =	sst s0  }
0x9: {  	[smem:$0x3FAE] =	sst s1  }
0xa: {  	[smem:$0x3FAF] =	sst s2  }
0xb: {  	[smem:$0x3FB0] =	sst s3  }
0xc: {  	[smem:$0x3FB1] =	sst s4  }
0xd: {  	[smem:$0x3FB2] =	sst s5  }
0xe: {  	[smem:$0x3FB3] =	sst s6  }
0xf: {  	[smem:$0x3FB4] =	sst s7  }
0x10: {  	[smem:$0x3FB5] =	sst s8  }
0x11: {  	[smem:$0x3FB6] =	sst s9;
	s0 =	simm.s32 @!p0 $0x0  }
0x12: {  	s1 =	sld [smem:$0x3F9C];
	s0 =	simm.s32 @p0 $0x1  }
0x13: {  	[smem:$0x3FB7] =	sst s0;
	s0 =	simm.s32 @!p1 $0x0  }
0x14: {  	s2 =	sld [smem:$0x3F9B];
	s0 =	simm.s32 @p1 $0x1  }
0x15: {  	[smem:$0x3FB8] =	sst s0;
	s0 =	simm.s32 @!p2 $0x0  }
0x16: {  	s3 =	sld [smem:$0x3FDB];
	s0 =	simm.s32 @p2 $0x1  }
0x17: {  	s4 =	simm.s32 $0x1BF5;
	[smem:$0x3FBA] =	sst s0  }
0x18: {  	s0 =	sld [smem:$0x3F9D];
	_ =	swait.ge [sflag:s4], $0x0  }
0x19: {  	s7 =	sld [smem:$0x3F9E]  }
0x1a: {  	s8 =	sadd.s32 $0xFFFFE003, lr  }
0x1b: {  	s9 =	sadd.s32 $0xFFFFFEF7, lr;
	s5 =	simm.s32 $0xFFFFFFFF;
	p2 =	slt.u32 s8, $0xFFFFF086  }
0x1c: {  	p1 =	slt.u32 s9, $0xF7A;
	s5 =	simm.s32 @!p2 $0x0  }
0x1d: {  	s5 =	simm.s32 @p1 $0x1;
	p0 =	seq.s32 s7, s2  }
0x1e: {  	s7 =	smul.u32 @!p0 $0xF7A, s2;
	p2 =	seq.s32 @!p0 s5, $0x0  }
0x1f: {  	s9 =	smul.u32 $0xF7A, s1;
	s8 =	simm.s32 @!p0 $0x1BF5;
	p2 =	por !p2, p0  }
0x20: {  	[sflag:s8] =	ssyncset.s32 @!p0 $0xFFFFF086;
	s6 =	sadd.s32 @!p0 s3, s7;
	s7 =	simm.s32 @!p0 $0x108  }
0x21: {  	s3 =	sadd.s32 s3, s9;
	s6 =	sadd.s32 @!p0 $0x88, s6;
	s7 =	simm.s32 @p2 $0x1082  }
0x22: {  	[simem:s7], [sflag:s8] =	dma.local @!p0 [hbm:s6], $0xF7A  }
0x23: {  	s9 =	sor.u32 $0xD0000000, s2;
	s6 =	simm.s32 $0x108;
	_ =	swait.ge @!p0 [sflag:s8], $0x0  }
0x24: {  	s3 =	sadd.s32 $0x88, s3;
	s6 =	simm.s32 @!p1 $0x1082;
	[sflag:s4] =	ssyncset.s32 $0xFFFFF086  }
0x25: {  	[simem:s6], [sflag:s4] =	dma.local [hbm:s3], $0xF7A  }
0x26: {  	[smem:$0x3F9E] =	sst s1;
	(tag) =	ssettag s2;
	_ =	strace s9  }
0x27: {  	s1 =	sld [smem:$0x3FAE]  }
0x28: {  	s2 =	sld [smem:$0x3FAF]  }
0x29: {  	s4 =	sld [smem:$0x3FB1]  }
0x2a: {  	p0 =	seq.s32 s5, $0x0;
	s5 =	sld [smem:$0x3FB2]  }
0x2b: {  	s6 =	sld [smem:$0x3FB3]  }
0x2c: {  	s7 =	sld [smem:$0x3FB4]  }
0x2d: {  	s3 =	simm.s32 $0x108;
	s8 =	sld [smem:$0x3FB5]  }
0x2e: {  	s3 =	simm.s32 @!p0 $0x1082;
	s9 =	sld [smem:$0x3FB6]  }
0x2f: {  	lr =	sadd.s32 s0, s3;
	s0 =	sld [smem:$0x3FAD]  }
0x30: {  	s3 =	sld [smem:$0x3FB0]  }
0x31: {  	[smem:$0x3FB9] =	sst s10  }
0x32: {  	s10 =	sld [smem:$0x3FB7];
	_ =	sdelay $0x3  }
0x33: {  	p0 =	seq.s32 s10, $0x1;
	s10 =	sld [smem:$0x3FB9];
	_ =	sdelay $0x3  }
0x34: {  	[smem:$0x3FB9] =	sst s10  }
0x35: {  	s10 =	sld [smem:$0x3FB8];
	_ =	sdelay $0x3  }
0x36: {  	p1 =	seq.s32 s10, $0x1;
	s10 =	sld [smem:$0x3FB9];
	_ =	sdelay $0x3  }
0x37: {  	[smem:$0x3FB9] =	sst s10  }
0x38: {  	s10 =	sld [smem:$0x3FBA]  }
0x39: {  	_ = 	snop;
	(pc) =	sbr.ind lr, $3  }
0x3a: {  	_ = 	snop  }
0x3b: {  	_ = 	snop  }
0x3c: {  	p2 =	seq.s32 s10, $0x1;
	s10 =	sld [smem:$0x3FB9]  }
0x3d: {  	_ =	shalt  }
0x3e: {  	_ =	shalt  }
0x3f: {  	_ =	shalt  }
0x40: {  	_ =	shalt  }
0x41: {  	_ =	shalt  }
0x42: {  	_ =	shalt  }
0x43: {  	_ =	shalt  }
0x44: {  	_ =	shalt  }
0x45: {  	_ =	shalt  }
0x46: {  	_ =	shalt  }
0x47: {  	_ =	shalt  }
0x48: {  	_ =	shalt  }
0x49: {  	_ =	shalt  }
0x4a: {  	_ =	shalt  }
0x4b: {  	_ =	shalt  }
0x4c: {  	_ =	shalt  }
0x4d: {  	_ =	shalt  }
0x4e: {  	_ =	shalt  }
0x4f: {  	_ =	shalt  }
0x50: {  	_ =	shalt  }
0x51: {  	_ =	shalt  }
0x52: {  	_ =	shalt  }
0x53: {  	_ =	shalt  }
0x54: {  	_ =	shalt  }
0x55: {  	_ =	shalt  }
0x56: {  	_ =	shalt  }
0x57: {  	_ =	shalt  }
0x58: {  	_ =	shalt  }
0x59: {  	_ =	shalt  }
0x5a: {  	_ =	shalt  }
0x5b: {  	_ =	shalt  }
0x5c: {  	_ =	shalt  }
0x5d: {  	_ =	shalt  }
0x5e: {  	_ =	shalt  }
0x5f: {  	_ =	shalt  }
0x60: {  	_ =	shalt  }
0x61: {  	_ =	shalt  }
0x62: {  	_ =	shalt  }
0x63: {  	_ =	shalt  }
0x64: {  	_ =	shalt  }
0x65: {  	_ =	shalt  }
0x66: {  	_ =	shalt  }
0x67: {  	_ =	shalt  }
0x68: {  	_ =	shalt  }
0x69: {  	_ =	shalt  }
0x6a: {  	_ =	shalt  }
0x6b: {  	_ =	shalt  }
0x6c: {  	_ =	shalt  }
0x6d: {  	_ =	shalt  }
0x6e: {  	_ =	shalt  }
0x6f: {  	_ =	shalt  }
0x70: {  	_ =	shalt  }
0x71: {  	_ =	shalt  }
0x72: {  	_ =	shalt  }
0x73: {  	_ =	shalt  }
0x74: {  	_ =	shalt  }
0x75: {  	_ =	shalt  }
0x76: {  	_ =	shalt  }
0x77: {  	_ =	shalt  }
0x78: {  	_ =	shalt  }
0x79: {  	_ =	shalt  }
0x7a: {  	_ =	shalt  }
0x7b: {  	_ =	shalt  }
0x7c: {  	_ =	shalt  }
0x7d: {  	_ =	shalt  }
0x7e: {  	_ =	shalt  }
0x7f: {  	_ =	shalt  }
0x80: {  	_ =	shalt  }
0x81: {  	_ =	shalt  }
0x82: {  	_ =	shalt  }
0x83: {  	_ =	shalt  }
0x84: {  	_ =	shalt  }
0x85: {  	_ =	shalt  }
0x86: {  	_ =	shalt  }
0x87: {  	_ =	shalt  }
.Lfunc_end0:
.L_simem_size_0:
called_computation_lowered:
.L_overlay_start_0:
0x88: {  	s2 =	sld [smem:$0x3FD9]  }
0x89: {  	s3 =	sld [smem:$0x3FFE];
	_ =	sdelay $0x1  }
0x8a: {  	s1 =	srdreg.scid  }
0x8b: {  	s0 =	sand.u32 $0x1, s1  }
0x8c: {  	s18 =	sshll.u32 s0, $0xA;
	s2 =	sadd.s32 s3, s2  }
0x8d: {  	s2 =	sadd.s32 s2, s18  }
0x8e: {  	[smem:$0x3FC5] =	sst s2  }
0x8f: {  	_ = 	snop  }
0x90: {  	s2 =	sld [smem:$0x3FC9]  }
0x91: {  	s19 =	sld [smem:$0x3FC8]  }
0x92: {  	s4 =	sld [smem:$0x3FC7]  }
0x93: {  	s5 =	sld [smem:$0x3FD0];
	(tm) =	ssettm $0x1  }
0x94: {  	s6 =	sld [smem:$0x3FFB];
	_ =	sdelay $0x3  }
0x95: {  	_ =	strace s6  }
0x96: {  	s6 =	sld [smem:$0x3FFC];
	_ =	sdelay $0x3  }
0x97: {  	_ =	strace s6  }
0x98: {  	s6 =	sld [smem:$0x3FFD];
	_ =	sdelay $0x3  }
0x99: {  	_ =	strace s6  }
0x9a: {  	_ =	strace $0x8FFFFFFF  }
0x9b: {  	s20 =	sld [smem:$0x3FDB];
	_ =	sdelay $0x1  }
0x9c: {  	s7 =	simm.s32 $_scs_section_size  }
0x9d: {  	s8 =	simm.s32 $_size__tile_overlayer_lowered;
	s9 =	simm.s32 $_tile_overlayer_lowered  }
0x9e: {  	s23 =	simm.s32 $0x1BFF;
	s22 =	sshll.u32 s9, $0x1;
	s6 =	sadd.s32 s7, s20  }
0x9f: {  	s10 =	simm.s32 $0x0;
	s21 =	sshll.u32 s8, $0x1;
	s8 =	sadd.s32 s22, s6  }
0xa0: {  	[timem:s10], [sflag:s23] =	dma.local [hbm:s8], s21  }
0xa1: {  	_ =	swait.ge [sflag:s23], s21  }
0xa2: {  	s7 =	ssub.s32 $0x0, s21;
	[sflag:s23] =	ssyncset.done $0x0  }
0xa3: {  	[sflag:s23] =	ssyncadd.s32 s7;
	_ =	sdelay $0x1  }
0xa4: {  	s24 =	simm.s32 $0x1B8B  }
0xa5: {  	_ =	swait.ge [sflag:s24], $0x1  }
0xa6: {  	[sflag:s24] =	ssyncset.done $0x0  }
0xa7: {  	s25 =	simm.s32 $0x1B8E;
	[sflag:s24] =	ssyncadd.s32 $0xFFFFFFFF  }
0xa8: {  	s26 =	simm.s32 $execute0_lowered;
	[smem:$0x3FD2] =	sst s25  }
0xa9: {  	s7 =	sshll.u32 s26, $0x1;
	_ =	strace $0x80000046;
	[dreg:$0x1] =	wrdreg $0xFFFFFFFF  }
0xaa: {  	s28 =	simm.s32 $_size_execute0_lowered;
	s6 =	sadd.s32 s6, s7;
	[dreg:$0x0] =	wrdreg $0x0  }
0xab: {  	s7 =	sshll.u32 s28, $0x1;
	[dreg:$0x2] =	wrdreg s6  }
0xac: {  	[dreg:$0x3] =	wrdreg s7  }
0xad: {  	[dreg:$0x4] =	wrdreg $0xC0  }
0xae: {  	_ =	task [dreg:s10], $0x5FFFF  }
0xaf: {  	[dreg:$0x1] =	wrdreg $0xFFFFFFFF  }
0xb0: {  	[dreg:$0x0] =	wrdreg $0x60  }
0xb1: {  	[dreg:$0x2] =	wrdreg s2  }
0xb2: {  	[dreg:$0x3] =	wrdreg s19  }
0xb3: {  	[dreg:$0x4] =	wrdreg s4  }
0xb4: {  	[dreg:$0x5] =	wrdreg s5  }
0xb5: {  	[dreg:$0x6] =	wrdreg $0x9  }
0xb6: {  	_ =	task.clear_ibuf [dreg:s10], $0x7FFFF;
	_ =	strace $0x90000046  }
0xb7: {  	s29 =	simm.s32 $0x9;
	_ =	strace $0x80000048  }
0xb8: {  	_ =	swait.ge [sflag:s29], $0x1  }
0xb9: {  	[sflag:s29] =	ssyncadd.s32 $0xFFFFFFFF  }
0xba: {  	_ =	strace $0x90000048  }
0xbb: {  	_ =	sfence  }
0xbc: {  	s30 =	sld [smem:$0x0];
	_ =	sdelay $0x2  }
0xbd: {  	s31 =	sshll.u32 s1, $0xD;
	s1 =	sshrl.u32 s1, $0x2  }
0xbe: {  	s3 =	sand.u32 $0x4000, s31;
	s1 =	sadd.s32 s1, s30  }
0xbf: {  	s0 =	sor.u32 s3, s0;
	s1 =	sshll.u32 s1, $0x11  }
0xc0: {  	s0 =	sor.u32 s1, s0  }
0xc1: {  	s0 =	sadd.s32 $0x8F2B, s0  }
0xc2: {  	[sflag:s0] =	ssyncadd.remote.s32 $0x1  }
0xc3: {  	_ =	sfence.sel $0xFFFF  }
0xc4: {  	[dreg:$0x0] =	wrdreg $0xFFFFFFFF;
	(pc) =	sbr.abs _section_cstart, $3  }
0xc5: {  	[dreg:$0x1] =	wrdreg $0xFFFFFFFF  }
0xc6: {  	_ =	task.clear_ibuf [dreg:s10], $0x2FFFF;
	_ =	strace $0x9FFFFFFF  }
0xc7: {  	(tm) =	ssettm $0x7FFFFFFF  }
tec
execute0_lowered:
.L_overlay_start_1:
0x0: {  	(tag) =	ssettag $0x1  }
0x1: {  	s0 =	rddreg [dreg:$0x0]  }
0x2: {  	s1 =	rddreg [dreg:$0x1]  }
0x3: {  	s10 =	rddreg [dreg:$0x2]  }
0x4: {  	s4 =	rddreg [dreg:$0x3]  }
0x5: {  	s2 =	srdreg.scid;
	s3 =	stileid.u32  }
0x6: {  	s5 =	simm.s32 $0x0;
	s28 =	simm.s32 $0x2C00;
	s31 =	simm.s32 $0x11400  }
0x7: {  	s29 =	simm.s32 $0x12C00;
	s30 =	simm.s32 $0x13400;
	s15 =	simm.s32 $0x13C00  }
0x8: {  	s16 =	simm.s32 $0x14400;
	s17 =	simm.s32 $0x14C00;
	s18 =	simm.s32 $0x15400  }
0x9: {  	s2 =	sand.u32 $0x1, s2;
	s3 =	sshll.u32 s3, $0x1;
	[smem:$0x7FF] =	sst s5  }
0xa: {  	s8 =	sadd.s32 $0x100, s1;
	s9 =	sadd.s32 $0x200, s1;
	s21 =	sadd.s32 $0x80, s10  }
0xb: {  	s23 =	sadd.s32 $0x100, s10;
	_ =	strace $0x80000047;
	[dreg:$0x7] =	wrdreg s21  }
0xc: {  	s13 =	sadd.s32 $0x100, s4;
	s24 =	sadd.s32 $0x180, s10;
	[dreg:$0x8] =	wrdreg s23  }
0xd: {  	s14 =	sadd.s32 $0x200, s4;
	s25 =	sadd.s32 $0x200, s10;
	[dreg:$0x9] =	wrdreg s24  }
0xe: {  	s26 =	sadd.s32 $0x280, s10;
	s6 =	ssub.s32 $0x2, s2;
	[dreg:$0xa] =	wrdreg s25  }
0xf: {  	s2 =	sor.u32 s2, s3;
	[dreg:$0xb] =	wrdreg s26;
	s26 =	simm.s32 $0x2400  }
0x10: {  	s21 =	simm.s32 $0x3400;
	s25 =	simm.s32 $0x3C00;
	s23 =	simm.s32 $0x11C00  }
0x11: {  	v7 =	vlaneseq.u32;
	s24 =	simm.s32 $0x16C00;
	s19 =	sshrl.u32 s6, $0x1;
	s7 =	sshll.u32 s2, $0x7  }
0x12: {  	v0 =	vmul.u32 $0x40, v7;
	s3 =	ssub.s32 s6, s19;
	s6 =	sshll.u32 s2, $0xD;
	s0 =	sadd.s32 s0, s7  }
0x13: {  	vm0 =	vmmov $0xffff;
	v5 =	vand.u32 $0x7, v7;
	v6 =	vshrl.u32 v7, $0x3;
	s19 =	simm.s32 $0x15C00;
	[dreg:$0x5] =	wrdreg s0;
	s11 =	sor.u32 $0x400, s6  }
0x14: {  	v7 =	vor.u32 $0x8, v7;
	v6 =	vmul.u32 $0x8, v6;
	s12 =	sor.u32 $0x800, s6;
	s22 =	sor.u32 $0xC00, s6;
	s20 =	smax.u32 s3, $0x1;
	v1 =	vor.u32 s6, v0  }
0x15: {  	s3 =	simm.s32 $0x0;
	[dreg:$0x6] =	wrdreg s20;
	v2 =	vor.u32 s11, v0;
	v3 =	vor.u32 s12, v0;
	v4 =	vor.u32 s22, v0;
	s20 =	simm.s32 $0x16400  }
.LBB2_1:
0x16: {  	s0 =	rddreg [dreg:$0x5];
	s2 =	simm.s32 $0x400;
	s7 =	simm.s32 $0x8000  }
0x17: {  	[tilespmem:s5], [sflag:$0x13] =	stream.strided.gather [hbm4b:s0+s2], $0x2000, s7, s2, $0x38;
	[tilespmem:$0x1AA00] =	vst v63  }
0x18: {  	[dreg:$0xc] =	wrdreg s3;
	s2 =	simm.s32 $0x13  }
0x19: {  	_ =	swait.ge [sflag:s2], $0x2000  }
0x1a: {  	[sflag:s2] =	ssyncset.done $0x0  }
0x1b: {  	s3 =	simm.s32 $0x1A400;
	[sflag:s2] =	ssyncadd.s32 $0xFFFFE000  }
0x1c: {  	[tilespmem:s3], [sflag:$0x11] =	stream.linear.gather [hbm4b:s10+s5], $0x80, $0x38;
	[tilespmem:$0x1AA00] =	vst v63  }
0x1d: {  	s7 =	rddreg [dreg:$0x7];
	s10 =	simm.s32 $0x1A500  }
0x1e: {  	[tilespmem:s10], [sflag:$0x11] =	stream.linear.gather [hbm4b:s7+s5], $0x80, $0x38;
	[tilespmem:$0x1AA00] =	vst v63  }
0x1f: {  	s2 =	rddreg [dreg:$0x8];
	s3 =	simm.s32 $0x1A600  }
0x20: {  	[tilespmem:s3], [sflag:$0x11] =	stream.linear.gather [hbm4b:s2+s5], $0x80, $0x38;
	[tilespmem:$0x1AA00] =	vst v63  }
0x21: {  	s7 =	rddreg [dreg:$0x9];
	s10 =	simm.s32 $0x1A700  }
0x22: {  	[tilespmem:s10], [sflag:$0x11] =	stream.linear.gather [hbm4b:s7+s5], $0x80, $0x38;
	[tilespmem:$0x1AA00] =	vst v63  }
0x23: {  	s2 =	rddreg [dreg:$0xa];
	s3 =	simm.s32 $0x1A800  }
0x24: {  	[tilespmem:s3], [sflag:$0x11] =	stream.linear.gather [hbm4b:s2+s5], $0x80, $0x38;
	[tilespmem:$0x1AA00] =	vst v63  }
0x25: {  	s7 =	rddreg [dreg:$0xb];
	s10 =	simm.s32 $0x1A900  }
0x26: {  	[tilespmem:s10], [sflag:$0x11] =	stream.linear.gather [hbm4b:s7+s5], $0x80, $0x38;
	[tilespmem:$0x1AA00] =	vst v63  }
0x27: {  	v8 =	vld [tilespmem:$0x0];
	_ =	sdelay $0x4  }
0x28: {  	v9 =	vshrl.u32 v8, $0x3  }
0x29: {  	v9 =	vmul.u32 $0x30, v9  }
0x2a: {  	v8 =	vand.u32 $0x7, v8  }
0x2b: {  	v8 =	vor.u32 v8, v9  }
0x2c: {  	v9 =	vperm.xlane v8, v5;
	_ =	sdelay $0x1  }
0x2d: {  	v9 =	vadd.s32 v6, v9;
	_ =	sdelay $0x3  }
0x2e: {  	[tilespmem:$0x2000] =	vst v1;
	v8 =	vperm.xlane v8, v7  }
0x2f: {  	[tilespmem:s26], [sflag:$0x1] =	stream.indirect_vreg.gather [hbm4b:s1+s5], $0x80, v9, vm0, $0xb8;
	[tilespmem:$0x1AA00] =	vst v63  }
0x30: {  	v8 =	vadd.s32 v6, v8  }
0x31: {  	[tilespmem:s28], [sflag:$0x1] =	stream.indirect_vreg.gather [hbm4b:s8+s5], $0x80, v9, vm0, $0xb8;
	[tilespmem:$0x1AA00] =	vst v63  }
0x32: {  	_ = 	snop  }
0x33: {  	[tilespmem:s21], [sflag:$0x1] =	stream.indirect_vreg.gather [hbm4b:s9+s5], $0x80, v9, vm0, $0xb8;
	[tilespmem:$0x1AA00] =	vst v63  }
0x34: {  	_ = 	snop  }
0x35: {  	[tilespmem:s25], [sflag:$0x1] =	stream.indirect_vreg.gather [hbm4b:s1+s5], $0x80, v8, vm0, $0xb8;
	[tilespmem:$0x1AA00] =	vst v63  }
0x36: {  	s21 =	simm.s32 $0x4400  }
0x37: {  	[tilespmem:s21], [sflag:$0x1] =	stream.indirect_vreg.gather [hbm4b:s8+s5], $0x80, v8, vm0, $0xb8;
	[tilespmem:$0x1AA00] =	vst v63  }
0x38: {  	s25 =	simm.s32 $0x4C00  }
0x39: {  	[tilespmem:s25], [sflag:$0x1] =	stream.indirect_vreg.gather [hbm4b:s9+s5], $0x80, v8, vm0, $0xb8;
	[tilespmem:$0x1AA00] =	vst v63  }
0x3a: {  	v8 =	vld [tilespmem:$0x10];
	_ =	sdelay $0x4  }
0x3b: {  	v61 =	vshrl.u32 v8, $0x3  }
0x3c: {  	v9 =	vmul.u32 $0x30, v61  }
0x3d: {  	v8 =	vand.u32 $0x7, v8  }
0x3e: {  	v8 =	vor.u32 v8, v9  }
0x3f: {  	v9 =	vperm.xlane v8, v5;
	_ =	sdelay $0x1  }
0x40: {  	v9 =	vadd.s32 v6, v9;
	_ =	sdelay $0x3  }
0x41: {  	s26 =	simm.s32 $0x5400;
	[tilespmem:$0x2080] =	vst v2;
	v8 =	vperm.xlane v8, v7  }
0x42: {  	[tilespmem:s26], [sflag:$0x2] =	stream.indirect_vreg.gather [hbm4b:s1+s5], $0x80, v9, vm0, $0xb8;
	[tilespmem:$0x1AA00] =	vst v63  }
0x43: {  	s28 =	simm.s32 $0x5C00;
	v8 =	vadd.s32 v6, v8  }
0x44: {  	[tilespmem:s28], [sflag:$0x2] =	stream.indirect_vreg.gather [hbm4b:s8+s5], $0x80, v9, vm0, $0xb8;
	[tilespmem:$0x1AA00] =	vst v63  }
0x45: {  	s2 =	simm.s32 $0x6400  }
0x46: {  	[tilespmem:s2], [sflag:$0x2] =	stream.indirect_vreg.gather [hbm4b:s9+s5], $0x80, v9, vm0, $0xb8;
	[tilespmem:$0x1AA00] =	vst v63  }
0x47: {  	s3 =	simm.s32 $0x6C00  }
0x48: {  	[tilespmem:s3], [sflag:$0x2] =	stream.indirect_vreg.gather [hbm4b:s1+s5], $0x80, v8, vm0, $0xb8;
	[tilespmem:$0x1AA00] =	vst v63  }
0x49: {  	s7 =	simm.s32 $0x7400  }
0x4a: {  	[tilespmem:s7], [sflag:$0x2] =	stream.indirect_vreg.gather [hbm4b:s8+s5], $0x80, v8, vm0, $0xb8;
	[tilespmem:$0x1AA00] =	vst v63  }
0x4b: {  	s10 =	simm.s32 $0x7C00  }
0x4c: {  	[tilespmem:s10], [sflag:$0x2] =	stream.indirect_vreg.gather [hbm4b:s9+s5], $0x80, v8, vm0, $0xb8;
	[tilespmem:$0x1AA00] =	vst v63  }
0x4d: {  	v8 =	vld [tilespmem:$0x20];
	_ =	sdelay $0x4  }
0x4e: {  	v62 =	vshrl.u32 v8, $0x3  }
0x4f: {  	v9 =	vmul.u32 $0x30, v62  }
0x50: {  	v8 =	vand.u32 $0x7, v8  }
0x51: {  	v8 =	vor.u32 v8, v9  }
0x52: {  	v9 =	vperm.xlane v8, v5;
	_ =	sdelay $0x1  }
0x53: {  	v9 =	vadd.s32 v6, v9;
	_ =	sdelay $0x3  }
0x54: {  	s21 =	simm.s32 $0x8400;
	[tilespmem:$0x2100] =	vst v3;
	v8 =	vperm.xlane v8, v7  }
0x55: {  	[tilespmem:s21], [sflag:$0x3] =	stream.indirect_vreg.gather [hbm4b:s1+s5], $0x80, v9, vm0, $0xb8;
	[tilespmem:$0x1AA00] =	vst v63  }
0x56: {  	s25 =	simm.s32 $0x8C00;
	v8 =	vadd.s32 v6, v8  }
0x57: {  	[tilespmem:s25], [sflag:$0x3] =	stream.indirect_vreg.gather [hbm4b:s8+s5], $0x80, v9, vm0, $0xb8;
	[tilespmem:$0x1AA00] =	vst v63  }
0x58: {  	s26 =	simm.s32 $0x9400  }
0x59: {  	[tilespmem:s26], [sflag:$0x3] =	stream.indirect_vreg.gather [hbm4b:s9+s5], $0x80, v9, vm0, $0xb8;
	[tilespmem:$0x1AA00] =	vst v63  }
0x5a: {  	s28 =	simm.s32 $0x9C00  }
0x5b: {  	[tilespmem:s28], [sflag:$0x3] =	stream.indirect_vreg.gather [hbm4b:s1+s5], $0x80, v8, vm0, $0xb8;
	[tilespmem:$0x1AA00] =	vst v63  }
0x5c: {  	s2 =	simm.s32 $0xA400  }
0x5d: {  	[tilespmem:s2], [sflag:$0x3] =	stream.indirect_vreg.gather [hbm4b:s8+s5], $0x80, v8, vm0, $0xb8;
	[tilespmem:$0x1AA00] =	vst v63  }
0x5e: {  	s3 =	simm.s32 $0xAC00  }
0x5f: {  	[tilespmem:s3], [sflag:$0x3] =	stream.indirect_vreg.gather [hbm4b:s9+s5], $0x80, v8, vm0, $0xb8;
	[tilespmem:$0x1AA00] =	vst v63  }
0x60: {  	v8 =	vld [tilespmem:$0x30];
	_ =	sdelay $0x4  }
0x61: {  	v63 =	vshrl.u32 v8, $0x3  }
0x62: {  	v9 =	vmul.u32 $0x30, v63  }
0x63: {  	v8 =	vand.u32 $0x7, v8  }
0x64: {  	v8 =	vor.u32 v8, v9  }
0x65: {  	v9 =	vperm.xlane v8, v5;
	_ =	sdelay $0x1  }
0x66: {  	v9 =	vadd.s32 v6, v9;
	_ =	sdelay $0x3  }
0x67: {  	s7 =	simm.s32 $0xB400;
	[tilespmem:$0x2180] =	vst v4;
	v8 =	vperm.xlane v8, v7  }
0x68: {  	[tilespmem:s7], [sflag:$0x4] =	stream.indirect_vreg.gather [hbm4b:s1+s5], $0x80, v9, vm0, $0xb8;
	[tilespmem:$0x1AA00] =	vst v63  }
0x69: {  	s10 =	simm.s32 $0xBC00;
	v8 =	vadd.s32 v6, v8  }
0x6a: {  	[tilespmem:s10], [sflag:$0x4] =	stream.indirect_vreg.gather [hbm4b:s8+s5], $0x80, v9, vm0, $0xb8;
	[tilespmem:$0x1AA00] =	vst v63  }
0x6b: {  	s21 =	simm.s32 $0xC400  }
0x6c: {  	[tilespmem:s21], [sflag:$0x4] =	stream.indirect_vreg.gather [hbm4b:s9+s5], $0x80, v9, vm0, $0xb8;
	[tilespmem:$0x1AA00] =	vst v63  }
0x6d: {  	s25 =	simm.s32 $0xCC00  }
0x6e: {  	[tilespmem:s25], [sflag:$0x4] =	stream.indirect_vreg.gather [hbm4b:s1+s5], $0x80, v8, vm0, $0xb8;
	[tilespmem:$0x1AA00] =	vst v63  }
0x6f: {  	s26 =	simm.s32 $0xD400  }
0x70: {  	[tilespmem:s26], [sflag:$0x4] =	stream.indirect_vreg.gather [hbm4b:s8+s5], $0x80, v8, vm0, $0xb8;
	[tilespmem:$0x1AA00] =	vst v63  }
0x71: {  	s0 =	simm.s32 $0x0;
	s28 =	simm.s32 $0xDC00;
	s25 =	simm.s32 $0xE400  }
0x72: {  	[tilespmem:s28], [sflag:$0x4] =	stream.indirect_vreg.gather [hbm4b:s9+s5], $0x80, v8, vm0, $0xb8;
	[tilespmem:$0x1AA00] =	vst v63  }
.LBB2_2:
0x73: {  	p0 =	seq.s32 s0, $0x0  }
0x74: {  	s21 =	simm.s32 @!p0 $0xD  }
0x75: {  	s2 =	sor.u32 s6, s0;
	_ =	swait.ge @!p0 [sflag:s21], $0x3000  }
0x76: {  	s7 =	sor.u32 $0x1000, s2;
	[sflag:s21] =	ssyncset.done @!p0 $0x0  }
0x77: {  	s10 =	sshll.u32 s0, $0x7;
	v8 =	vor.u32 s7, v0;
	[sflag:s21] =	ssyncadd.s32 @!p0 $0xFFFFD000  }
0x78: {  	s21 =	sand.u32 $0x3FFFFF80, s10;
	[tilespmem:$0x2200] =	vst v8  }
0x79: {  	v8 =	vld [tilespmem:s21+$0x40];
	_ =	sdelay $0x4  }
0x7a: {  	v9 =	vshrl.u32 v8, $0x3  }
0x7b: {  	v9 =	vmul.u32 $0x30, v9  }
0x7c: {  	v8 =	vand.u32 $0x7, v8  }
0x7d: {  	v8 =	vor.u32 v8, v9  }
0x7e: {  	v9 =	vperm.xlane v8, v5;
	_ =	sdelay $0x1  }
0x7f: {  	v9 =	vadd.s32 v6, v9;
	_ =	sdelay $0x3  }
0x80: {  	s10 =	sand.u32 $0x1, s0;
	v8 =	vperm.xlane v8, v7  }
0x81: {  	[tilespmem:s25], [sflag:$0x5] =	stream.indirect_vreg.gather [hbm4b:s1+s5], $0x80, v9, vm0, $0xb8;
	[tilespmem:$0x1AA00] =	vst v63  }
0x82: {  	s7 =	simm.s32 $0xEC00;
	p1 =	seq.s32 s10, $0x1;
	v8 =	vadd.s32 v6, v8  }
0x83: {  	[tilespmem:s7], [sflag:$0x5] =	stream.indirect_vreg.gather [hbm4b:s8+s5], $0x80, v9, vm0, $0xb8;
	[tilespmem:$0x1AA00] =	vst v63  }
0x84: {  	s3 =	simm.s32 $0xF400;
	p2 =	seq.s32 @p1 s0, $0x3F  }
0x85: {  	[tilespmem:s3], [sflag:$0x5] =	stream.indirect_vreg.gather [hbm4b:s9+s5], $0x80, v9, vm0, $0xb8;
	[tilespmem:$0x1AA00] =	vst v63  }
0x86: {  	s28 =	smov.u32 s22;
	s22 =	simm.s32 $0xFC00;
	p2 =	por p2, !p1  }
0x87: {  	[tilespmem:s22], [sflag:$0x5] =	stream.indirect_vreg.gather [hbm4b:s1+s5], $0x80, v8, vm0, $0xb8;
	[tilespmem:$0x1AA00] =	vst v63  }
0x88: {  	s26 =	simm.s32 $0x10C00;
	s25 =	simm.s32 $0x10400;
	s22 =	sadd.s32 @!p2 $0x1, s0  }
0x89: {  	[tilespmem:s25], [sflag:$0x5] =	stream.indirect_vreg.gather [hbm4b:s8+s5], $0x80, v8, vm0, $0xb8;
	[tilespmem:$0x1AA00] =	vst v63  }
0x8a: {  	s3 =	sshrl.u32 @!p2 s22, $0x3;
	s25 =	smov.u32 s11;
	s11 =	simm.s32 @p1 $0x12  }
0x8b: {  	[tilespmem:s26], [sflag:$0x5] =	stream.indirect_vreg.gather [hbm4b:s9+s5], $0x80, v8, vm0, $0xb8;
	[tilespmem:$0x1AA00] =	vst v63  }
0x8c: {  	s22 =	sshll.u32 @!p2 s22, $0x7;
	s3 =	smul.u32 @!p2 $0x1800, s3;
	_ =	swait.ge @p1 [sflag:s11], $0x300  }
0x8d: {  	s22 =	sand.u32 @!p2 $0x300, s22;
	[sflag:s11] =	ssyncset.done @p1 $0x0  }
0x8e: {  	s3 =	sor.u32 @!p2 s22, s3;
	[sflag:s11] =	ssyncadd.s32 @p1 $0xFFFFFD00  }
0x8f: {  	s3 =	sshrl.u32 @!p2 s3, $0x3;
	s10 =	rddreg [dreg:$0x2]  }
0x90: {  	s22 =	simm.s32 @!p2 $0x1A400;
	s11 =	simm.s32 @!p2 $0x0;
	s3 =	sadd.s32 @!p2 s10, s3  }
0x91: {  	[tilespmem:s22], [sflag:$0x11] =	stream.linear.gather @!p2 [hbm4b:s3+s11], $0x80, $0x38;
	[tilespmem:$0x1AA00] =	vst v63  }
0x92: {  	s26 =	smov.u32 s12;
	s12 =	simm.s32 @!p2 $0x1A500;
	s22 =	sadd.s32 @!p2 $0x80, s3  }
0x93: {  	[tilespmem:s12], [sflag:$0x11] =	stream.linear.gather @!p2 [hbm4b:s22+s11], $0x80, $0x38;
	[tilespmem:$0x1AA00] =	vst v63  }
0x94: {  	s12 =	sadd.s32 @!p2 $0x100, s3;
	s22 =	simm.s32 @!p2 $0x1A600  }
0x95: {  	[tilespmem:s22], [sflag:$0x11] =	stream.linear.gather @!p2 [hbm4b:s12+s11], $0x80, $0x38;
	[tilespmem:$0x1AA00] =	vst v63  }
0x96: {  	s12 =	sadd.s32 @!p2 $0x180, s3;
	s22 =	simm.s32 @!p2 $0x1A700  }
0x97: {  	[tilespmem:s22], [sflag:$0x11] =	stream.linear.gather @!p2 [hbm4b:s12+s11], $0x80, $0x38;
	[tilespmem:$0x1AA00] =	vst v63  }
0x98: {  	s12 =	sadd.s32 @!p2 $0x200, s3;
	s22 =	simm.s32 @!p2 $0x1A800  }
0x99: {  	[tilespmem:s22], [sflag:$0x11] =	stream.linear.gather @!p2 [hbm4b:s12+s11], $0x80, $0x38;
	[tilespmem:$0x1AA00] =	vst v63  }
0x9a: {  	s3 =	sadd.s32 @!p2 $0x280, s3;
	s12 =	simm.s32 @!p2 $0x1A900  }
0x9b: {  	[tilespmem:s12], [sflag:$0x11] =	stream.linear.gather @!p2 [hbm4b:s3+s11], $0x80, $0x38;
	[tilespmem:$0x1AA00] =	vst v63  }
0x9c: {  	s3 =	sshrl.u32 @!p1 s0, $0x3  }
0x9d: {  	s11 =	sshll.u32 @!p1 s0, $0x7;
	s3 =	smul.u32 @!p1 $0x1800, s3  }
0x9e: {  	s11 =	sand.u32 @!p1 $0x300, s11  }
0x9f: {  	s12 =	simm.s32 @!p1 $0x11;
	s3 =	sor.u32 @!p1 s3, s11  }
0xa0: {  	_ =	swait.ge @!p1 [sflag:s12], $0x300;
	s3 =	sshrl.u32 @!p1 s3, $0x3  }
0xa1: {  	s22 =	simm.s32 @!p1 $0x1A480;
	[sflag:s12] =	ssyncset.done @!p1 $0x0;
	s3 =	sadd.s32 @!p1 s3, s10  }
0xa2: {  	[sflag:s12] =	ssyncadd.s32 @!p1 $0xFFFFFD00;
	s12 =	simm.s32 @!p1 $0x0;
	s11 =	sadd.s32 @!p1 $0x10, s3  }
0xa3: {  	[tilespmem:s22], [sflag:$0x12] =	stream.linear.gather @!p1 [hbm4b:s11+s12], $0x80, $0x38;
	[tilespmem:$0x1AA00] =	vst v63  }
0xa4: {  	s11 =	sadd.s32 @!p1 $0x90, s3;
	s22 =	simm.s32 @!p1 $0x1A580  }
0xa5: {  	[tilespmem:s22], [sflag:$0x12] =	stream.linear.gather @!p1 [hbm4b:s11+s12], $0x80, $0x38;
	[tilespmem:$0x1AA00] =	vst v63  }
0xa6: {  	s11 =	sadd.s32 @!p1 $0x110, s3;
	s22 =	simm.s32 @!p1 $0x1A680  }
0xa7: {  	[tilespmem:s22], [sflag:$0x12] =	stream.linear.gather @!p1 [hbm4b:s11+s12], $0x80, $0x38;
	[tilespmem:$0x1AA00] =	vst v63  }
0xa8: {  	s11 =	sadd.s32 @!p1 $0x190, s3;
	s22 =	simm.s32 @!p1 $0x1A780  }
0xa9: {  	[tilespmem:s22], [sflag:$0x12] =	stream.linear.gather @!p1 [hbm4b:s11+s12], $0x80, $0x38;
	[tilespmem:$0x1AA00] =	vst v63  }
0xaa: {  	s11 =	sadd.s32 @!p1 $0x210, s3;
	s22 =	simm.s32 @!p1 $0x1A880  }
0xab: {  	[tilespmem:s22], [sflag:$0x12] =	stream.linear.gather @!p1 [hbm4b:s11+s12], $0x80, $0x38;
	[tilespmem:$0x1AA00] =	vst v63  }
0xac: {  	s3 =	sadd.s32 @!p1 $0x290, s3;
	s11 =	simm.s32 @!p1 $0x1A980  }
0xad: {  	[tilespmem:s11], [sflag:$0x12] =	stream.linear.gather @!p1 [hbm4b:s3+s12], $0x80, $0x38;
	[tilespmem:$0x1AA00] =	vst v63  }
0xae: {  	s11 =	simm.s32 $0x1  }
0xaf: {  	_ =	swait.ge [sflag:s11], $0x3000  }
0xb0: {  	[sflag:s11] =	ssyncset.done $0x0  }
0xb1: {  	[sflag:s11] =	ssyncadd.s32 $0xFFFFD000  }
0xb2: {  	v8 =	vld [tilespmem:$0x2000];
	_ =	sdelay $0x4  }
0xb3: {  	v50 =	vshrl.u32 v8, $0x3  }
0xb4: {  	v9 =	vmul.u32 $0x30, v50  }
0xb5: {  	v8 =	vand.u32 $0x7, v8  }
0xb6: {  	v8 =	vor.u32 v8, v9  }
0xb7: {  	v9 =	vperm.xlane v8, v5;
	_ =	sdelay $0x1  }
0xb8: {  	v9 =	vadd.s32 v6, v9;
	_ =	sdelay $0x3  }
0xb9: {  	s12 =	smov.u32 s26;
	s26 =	simm.s32 $0x2400;
	v8 =	vperm.xlane v8, v7  }
0xba: {  	[hbm4b:s4+s5] =	stream.indirect_vreg.scatter [tilespmem:s26], [sflag:$0x9], $0x80, v9, vm0, $0xb8;
	[tilespmem:$0x1AA00] =	vst v63  }
0xbb: {  	s22 =	smov.u32 s28;
	s28 =	simm.s32 $0x2C00;
	v8 =	vadd.s32 v6, v8  }
0xbc: {  	[hbm4b:s13+s5] =	stream.indirect_vreg.scatter [tilespmem:s28], [sflag:$0x9], $0x80, v9, vm0, $0xb8;
	[tilespmem:$0x1AA00] =	vst v63  }
0xbd: {  	s10 =	simm.s32 $0x3400  }
0xbe: {  	[hbm4b:s14+s5] =	stream.indirect_vreg.scatter [tilespmem:s10], [sflag:$0x9], $0x80, v9, vm0, $0xb8;
	[tilespmem:$0x1AA00] =	vst v63  }
0xbf: {  	s11 =	simm.s32 $0x3C00  }
0xc0: {  	[hbm4b:s4+s5] =	stream.indirect_vreg.scatter [tilespmem:s11], [sflag:$0x9], $0x80, v8, vm0, $0xb8;
	[tilespmem:$0x1AA00] =	vst v63  }
0xc1: {  	s10 =	simm.s32 $0x4400  }
0xc2: {  	[hbm4b:s13+s5] =	stream.indirect_vreg.scatter [tilespmem:s10], [sflag:$0x9], $0x80, v8, vm0, $0xb8;
	[tilespmem:$0x1AA00] =	vst v63  }
0xc3: {  	s3 =	simm.s32 @!p0 $0xE;
	s11 =	simm.s32 $0x4C00  }
0xc4: {  	[hbm4b:s14+s5] =	stream.indirect_vreg.scatter [tilespmem:s11], [sflag:$0x9], $0x80, v8, vm0, $0xb8;
	[tilespmem:$0x1AA00] =	vst v63  }
0xc5: {  	_ =	swait.ge @!p0 [sflag:s3], $0x3000  }
0xc6: {  	s10 =	sor.u32 $0x1400, s2;
	[sflag:s3] =	ssyncset.done @!p0 $0x0  }
0xc7: {  	v8 =	vor.u32 s10, v0;
	[sflag:s3] =	ssyncadd.s32 @!p0 $0xFFFFD000  }
0xc8: {  	[tilespmem:$0x2280] =	vst v8  }
0xc9: {  	v8 =	vld [tilespmem:s21+$0x50];
	_ =	sdelay $0x4  }
0xca: {  	v51 =	vshrl.u32 v8, $0x3  }
0xcb: {  	v9 =	vmul.u32 $0x30, v51  }
0xcc: {  	v8 =	vand.u32 $0x7, v8  }
0xcd: {  	v8 =	vor.u32 v8, v9  }
0xce: {  	v9 =	vperm.xlane v8, v5;
	_ =	sdelay $0x1  }
0xcf: {  	v9 =	vadd.s32 v6, v9;
	_ =	sdelay $0x3  }
0xd0: {  	v8 =	vperm.xlane v8, v7  }
0xd1: {  	[tilespmem:s31], [sflag:$0x6] =	stream.indirect_vreg.gather [hbm4b:s1+s5], $0x80, v9, vm0, $0xb8;
	[tilespmem:$0x1AA00] =	vst v63  }
0xd2: {  	v8 =	vadd.s32 v6, v8  }
0xd3: {  	[tilespmem:s23], [sflag:$0x6] =	stream.indirect_vreg.gather [hbm4b:s8+s5], $0x80, v9, vm0, $0xb8;
	[tilespmem:$0x1AA00] =	vst v63  }
0xd4: {  	s10 =	simm.s32 $0x12400  }
0xd5: {  	[tilespmem:s10], [sflag:$0x6] =	stream.indirect_vreg.gather [hbm4b:s9+s5], $0x80, v9, vm0, $0xb8;
	[tilespmem:$0x1AA00] =	vst v63  }
0xd6: {  	_ = 	snop  }
0xd7: {  	[tilespmem:s29], [sflag:$0x6] =	stream.indirect_vreg.gather [hbm4b:s1+s5], $0x80, v8, vm0, $0xb8;
	[tilespmem:$0x1AA00] =	vst v63  }
0xd8: {  	_ = 	snop  }
0xd9: {  	[tilespmem:s30], [sflag:$0x6] =	stream.indirect_vreg.gather [hbm4b:s8+s5], $0x80, v8, vm0, $0xb8;
	[tilespmem:$0x1AA00] =	vst v63  }
0xda: {  	s11 =	simm.s32 $0x2  }
0xdb: {  	[tilespmem:s15], [sflag:$0x6] =	stream.indirect_vreg.gather [hbm4b:s9+s5], $0x80, v8, vm0, $0xb8;
	[tilespmem:$0x1AA00] =	vst v63  }
0xdc: {  	_ =	swait.ge [sflag:s11], $0x3000  }
0xdd: {  	[sflag:s11] =	ssyncset.done $0x0  }
0xde: {  	[sflag:s11] =	ssyncadd.s32 $0xFFFFD000  }
0xdf: {  	v8 =	vld [tilespmem:$0x2080];
	_ =	sdelay $0x4  }
0xe0: {  	v52 =	vshrl.u32 v8, $0x3  }
0xe1: {  	v9 =	vmul.u32 $0x30, v52  }
0xe2: {  	v8 =	vand.u32 $0x7, v8  }
0xe3: {  	v8 =	vor.u32 v8, v9  }
0xe4: {  	v9 =	vperm.xlane v8, v5;
	_ =	sdelay $0x1  }
0xe5: {  	v9 =	vadd.s32 v6, v9;
	_ =	sdelay $0x3  }
0xe6: {  	s11 =	simm.s32 $0x5400;
	v8 =	vperm.xlane v8, v7  }
0xe7: {  	[hbm4b:s4+s5] =	stream.indirect_vreg.scatter [tilespmem:s11], [sflag:$0xA], $0x80, v9, vm0, $0xb8;
	[tilespmem:$0x1AA00] =	vst v63  }
0xe8: {  	v8 =	vadd.s32 v6, v8;
	s11 =	simm.s32 $0x5C00  }
0xe9: {  	[hbm4b:s13+s5] =	stream.indirect_vreg.scatter [tilespmem:s11], [sflag:$0xA], $0x80, v9, vm0, $0xb8;
	[tilespmem:$0x1AA00] =	vst v63  }
0xea: {  	s11 =	simm.s32 $0x6400  }
0xeb: {  	[hbm4b:s14+s5] =	stream.indirect_vreg.scatter [tilespmem:s11], [sflag:$0xA], $0x80, v9, vm0, $0xb8;
	[tilespmem:$0x1AA00] =	vst v63  }
0xec: {  	s11 =	simm.s32 $0x6C00  }
0xed: {  	[hbm4b:s4+s5] =	stream.indirect_vreg.scatter [tilespmem:s11], [sflag:$0xA], $0x80, v8, vm0, $0xb8;
	[tilespmem:$0x1AA00] =	vst v63  }
0xee: {  	s11 =	simm.s32 $0x7400  }
0xef: {  	[hbm4b:s13+s5] =	stream.indirect_vreg.scatter [tilespmem:s11], [sflag:$0xA], $0x80, v8, vm0, $0xb8;
	[tilespmem:$0x1AA00] =	vst v63  }
0xf0: {  	s3 =	simm.s32 @!p0 $0xF;
	s11 =	simm.s32 $0x7C00  }
0xf1: {  	[hbm4b:s14+s5] =	stream.indirect_vreg.scatter [tilespmem:s11], [sflag:$0xA], $0x80, v8, vm0, $0xb8;
	[tilespmem:$0x1AA00] =	vst v63  }
0xf2: {  	_ =	swait.ge @!p0 [sflag:s3], $0x3000  }
0xf3: {  	s11 =	sor.u32 $0x1800, s2;
	[sflag:s3] =	ssyncset.done @!p0 $0x0  }
0xf4: {  	v8 =	vor.u32 s11, v0;
	[sflag:s3] =	ssyncadd.s32 @!p0 $0xFFFFD000  }
0xf5: {  	[tilespmem:$0x2300] =	vst v8  }
0xf6: {  	v8 =	vld [tilespmem:s21+$0x60];
	_ =	sdelay $0x4  }
0xf7: {  	v53 =	vshrl.u32 v8, $0x3  }
0xf8: {  	v9 =	vmul.u32 $0x30, v53  }
0xf9: {  	v8 =	vand.u32 $0x7, v8  }
0xfa: {  	v8 =	vor.u32 v8, v9  }
0xfb: {  	v9 =	vperm.xlane v8, v5;
	_ =	sdelay $0x1  }
0xfc: {  	v9 =	vadd.s32 v6, v9;
	_ =	sdelay $0x3  }
0xfd: {  	v8 =	vperm.xlane v8, v7  }
0xfe: {  	[tilespmem:s16], [sflag:$0x7] =	stream.indirect_vreg.gather [hbm4b:s1+s5], $0x80, v9, vm0, $0xb8;
	[tilespmem:$0x1AA00] =	vst v63  }
0xff: {  	v8 =	vadd.s32 v6, v8  }
0x100: {  	[tilespmem:s17], [sflag:$0x7] =	stream.indirect_vreg.gather [hbm4b:s8+s5], $0x80, v9, vm0, $0xb8;
	[tilespmem:$0x1AA00] =	vst v63  }
0x101: {  	_ = 	snop  }
0x102: {  	[tilespmem:s18], [sflag:$0x7] =	stream.indirect_vreg.gather [hbm4b:s9+s5], $0x80, v9, vm0, $0xb8;
	[tilespmem:$0x1AA00] =	vst v63  }
0x103: {  	_ = 	snop  }
0x104: {  	[tilespmem:s19], [sflag:$0x7] =	stream.indirect_vreg.gather [hbm4b:s1+s5], $0x80, v8, vm0, $0xb8;
	[tilespmem:$0x1AA00] =	vst v63  }
0x105: {  	_ = 	snop  }
0x106: {  	[tilespmem:s20], [sflag:$0x7] =	stream.indirect_vreg.gather [hbm4b:s8+s5], $0x80, v8, vm0, $0xb8;
	[tilespmem:$0x1AA00] =	vst v63  }
0x107: {  	s3 =	simm.s32 $0x3  }
0x108: {  	[tilespmem:s24], [sflag:$0x7] =	stream.indirect_vreg.gather [hbm4b:s9+s5], $0x80, v8, vm0, $0xb8;
	[tilespmem:$0x1AA00] =	vst v63  }
0x109: {  	_ =	swait.ge [sflag:s3], $0x3000  }
0x10a: {  	[sflag:s3] =	ssyncset.done $0x0  }
0x10b: {  	[sflag:s3] =	ssyncadd.s32 $0xFFFFD000  }
0x10c: {  	v8 =	vld [tilespmem:$0x2100];
	_ =	sdelay $0x4  }
0x10d: {  	v54 =	vshrl.u32 v8, $0x3  }
0x10e: {  	v9 =	vmul.u32 $0x30, v54  }
0x10f: {  	v8 =	vand.u32 $0x7, v8  }
0x110: {  	v8 =	vor.u32 v8, v9  }
0x111: {  	v9 =	vperm.xlane v8, v5;
	_ =	sdelay $0x1  }
0x112: {  	v9 =	vadd.s32 v6, v9;
	_ =	sdelay $0x3  }
0x113: {  	s3 =	simm.s32 $0x8400;
	v8 =	vperm.xlane v8, v7  }
0x114: {  	[hbm4b:s4+s5] =	stream.indirect_vreg.scatter [tilespmem:s3], [sflag:$0xB], $0x80, v9, vm0, $0xb8;
	[tilespmem:$0x1AA00] =	vst v63  }
0x115: {  	v8 =	vadd.s32 v6, v8;
	s3 =	simm.s32 $0x8C00  }
0x116: {  	[hbm4b:s13+s5] =	stream.indirect_vreg.scatter [tilespmem:s3], [sflag:$0xB], $0x80, v9, vm0, $0xb8;
	[tilespmem:$0x1AA00] =	vst v63  }
0x117: {  	s3 =	simm.s32 $0x9400  }
0x118: {  	[hbm4b:s14+s5] =	stream.indirect_vreg.scatter [tilespmem:s3], [sflag:$0xB], $0x80, v9, vm0, $0xb8;
	[tilespmem:$0x1AA00] =	vst v63  }
0x119: {  	s3 =	simm.s32 $0x9C00  }
0x11a: {  	[hbm4b:s4+s5] =	stream.indirect_vreg.scatter [tilespmem:s3], [sflag:$0xB], $0x80, v8, vm0, $0xb8;
	[tilespmem:$0x1AA00] =	vst v63  }
0x11b: {  	s3 =	simm.s32 $0xA400  }
0x11c: {  	[hbm4b:s13+s5] =	stream.indirect_vreg.scatter [tilespmem:s3], [sflag:$0xB], $0x80, v8, vm0, $0xb8;
	[tilespmem:$0x1AA00] =	vst v63  }
0x11d: {  	s3 =	simm.s32 $0xAC00  }
0x11e: {  	[hbm4b:s14+s5] =	stream.indirect_vreg.scatter [tilespmem:s3], [sflag:$0xB], $0x80, v8, vm0, $0xb8;
	[tilespmem:$0x1AA00] =	vst v63  }
0x11f: {  	s3 =	simm.s32 @!p0 $0x10  }
0x120: {  	_ =	swait.ge @!p0 [sflag:s3], $0x3000  }
0x121: {  	s2 =	sor.u32 $0x1C00, s2;
	[sflag:s3] =	ssyncset.done @!p0 $0x0  }
0x122: {  	v8 =	vor.u32 s2, v0;
	[sflag:s3] =	ssyncadd.s32 @!p0 $0xFFFFD000  }
0x123: {  	[tilespmem:$0x2380] =	vst v8  }
0x124: {  	v8 =	vld [tilespmem:s21+$0x70];
	_ =	sdelay $0x4  }
0x125: {  	v55 =	vshrl.u32 v8, $0x3  }
0x126: {  	v9 =	vmul.u32 $0x30, v55  }
0x127: {  	v8 =	vand.u32 $0x7, v8  }
0x128: {  	v8 =	vor.u32 v8, v9  }
0x129: {  	v9 =	vperm.xlane v8, v5;
	_ =	sdelay $0x1  }
0x12a: {  	v9 =	vadd.s32 v6, v9;
	_ =	sdelay $0x3  }
0x12b: {  	s3 =	simm.s32 $0x17400;
	v8 =	vperm.xlane v8, v7  }
0x12c: {  	[tilespmem:s3], [sflag:$0x8] =	stream.indirect_vreg.gather [hbm4b:s1+s5], $0x80, v9, vm0, $0xb8;
	[tilespmem:$0x1AA00] =	vst v63  }
0x12d: {  	s21 =	simm.s32 $0x17C00;
	v8 =	vadd.s32 v6, v8  }
0x12e: {  	[tilespmem:s21], [sflag:$0x8] =	stream.indirect_vreg.gather [hbm4b:s8+s5], $0x80, v9, vm0, $0xb8;
	[tilespmem:$0x1AA00] =	vst v63  }
0x12f: {  	s3 =	simm.s32 $0x18400  }
0x130: {  	[tilespmem:s3], [sflag:$0x8] =	stream.indirect_vreg.gather [hbm4b:s9+s5], $0x80, v9, vm0, $0xb8;
	[tilespmem:$0x1AA00] =	vst v63  }
0x131: {  	s21 =	simm.s32 $0x18C00  }
0x132: {  	[tilespmem:s21], [sflag:$0x8] =	stream.indirect_vreg.gather [hbm4b:s1+s5], $0x80, v8, vm0, $0xb8;
	[tilespmem:$0x1AA00] =	vst v63  }
0x133: {  	s3 =	simm.s32 $0x19400  }
0x134: {  	[tilespmem:s3], [sflag:$0x8] =	stream.indirect_vreg.gather [hbm4b:s8+s5], $0x80, v8, vm0, $0xb8;
	[tilespmem:$0x1AA00] =	vst v63  }
0x135: {  	s21 =	simm.s32 $0x19C00;
	s3 =	simm.s32 $0x4  }
0x136: {  	[tilespmem:s21], [sflag:$0x8] =	stream.indirect_vreg.gather [hbm4b:s9+s5], $0x80, v8, vm0, $0xb8;
	[tilespmem:$0x1AA00] =	vst v63  }
0x137: {  	_ =	swait.ge [sflag:s3], $0x3000  }
0x138: {  	[sflag:s3] =	ssyncset.done $0x0  }
0x139: {  	[sflag:s3] =	ssyncadd.s32 $0xFFFFD000  }
0x13a: {  	v8 =	vld [tilespmem:$0x2180];
	_ =	sdelay $0x4  }
0x13b: {  	v56 =	vshrl.u32 v8, $0x3  }
0x13c: {  	v9 =	vmul.u32 $0x30, v56  }
0x13d: {  	v8 =	vand.u32 $0x7, v8  }
0x13e: {  	v8 =	vor.u32 v8, v9  }
0x13f: {  	v9 =	vperm.xlane v8, v5;
	_ =	sdelay $0x1  }
0x140: {  	v9 =	vadd.s32 v6, v9;
	_ =	sdelay $0x3  }
0x141: {  	s21 =	simm.s32 $0xB400;
	v8 =	vperm.xlane v8, v7  }
0x142: {  	[hbm4b:s4+s5] =	stream.indirect_vreg.scatter [tilespmem:s21], [sflag:$0xC], $0x80, v9, vm0, $0xb8;
	[tilespmem:$0x1AA00] =	vst v63  }
0x143: {  	s3 =	simm.s32 $0xBC00;
	v8 =	vadd.s32 v6, v8  }
0x144: {  	[hbm4b:s13+s5] =	stream.indirect_vreg.scatter [tilespmem:s3], [sflag:$0xC], $0x80, v9, vm0, $0xb8;
	[tilespmem:$0x1AA00] =	vst v63  }
0x145: {  	s21 =	simm.s32 $0xC400  }
0x146: {  	[hbm4b:s14+s5] =	stream.indirect_vreg.scatter [tilespmem:s21], [sflag:$0xC], $0x80, v9, vm0, $0xb8;
	[tilespmem:$0x1AA00] =	vst v63  }
0x147: {  	s3 =	simm.s32 $0xCC00  }
0x148: {  	[hbm4b:s4+s5] =	stream.indirect_vreg.scatter [tilespmem:s3], [sflag:$0xC], $0x80, v8, vm0, $0xb8;
	[tilespmem:$0x1AA00] =	vst v63  }
0x149: {  	s2 =	sshll.u32 s0, $0x3;
	p0 =	seq.s32 s0, $0x3F;
	s21 =	simm.s32 $0xD400  }
0x14a: {  	[hbm4b:s13+s5] =	stream.indirect_vreg.scatter [tilespmem:s21], [sflag:$0xC], $0x80, v8, vm0, $0xb8;
	[tilespmem:$0x1AA00] =	vst v63  }
0x14b: {  	s2 =	sadd.s32 @!p0 $0x8, s2;
	s3 =	simm.s32 $0xDC00;
	s21 =	simm.s32 $0x9  }
0x14c: {  	v11 =	vlaneseq.u32 @!p0;
	[hbm4b:s14+s5] =	stream.indirect_vreg.scatter [tilespmem:s3], [sflag:$0xC], $0x80, v8, vm0, $0xb8;
	[tilespmem:$0x1AA00] =	vst v63  }
0x14d: {  	s3 =	sshrl.u32 @!p0 s2, $0x3;
	v8 =	vmul.u32 @!p0 $0x40, v11;
	_ =	swait.ge [sflag:s21], $0x3000  }
0x14e: {  	s3 =	sor.u32 @!p0 s6, s3;
	[sflag:s21] =	ssyncset.done $0x0  }
0x14f: {  	s2 =	sshll.u32 @!p0 s2, $0x4;
	v9 =	vadd.s32 @!p0 s3, v8;
	[sflag:s21] =	ssyncadd.s32 $0xFFFFD000  }
0x150: {  	s2 =	sand.u32 @!p0 $0x3FFFFFF0, s2;
	[tilespmem:$0x2000] =	vst @!p0 v9  }
0x151: {  	v9 =	vld @!p0 [tilespmem:s2+$0x0];
	_ =	sdelay $0x4  }
0x152: {  	v10 =	vshrl.u32 @!p0 v9, $0x3  }
0x153: {  	v10 =	vmul.u32 @!p0 $0x30, v10  }
0x154: {  	v9 =	vand.u32 @!p0 $0x7, v9  }
0x155: {  	v12 =	vor.u32 @!p0 v9, v10;
	v10 =	vand.u32 @!p0 $0x7, v11;
	v9 =	vshrl.u32 @!p0 v11, $0x3  }
0x156: {  	v13 =	vperm.xlane @!p0 v12, v10;
	v9 =	vmul.u32 @!p0 $0x8, v9;
	_ =	sdelay $0x1  }
0x157: {  	v13 =	vadd.s32 @!p0 v9, v13;
	_ =	sdelay $0x2  }
0x158: {  	v11 =	vor.u32 @!p0 $0x8, v11  }
0x159: {  	vm1 =	vmmov @!p0 $0xffff;
	s3 =	simm.s32 @!p0 $0x2400;
	s2 =	simm.s32 @!p0 $0x0;
	v12 =	vperm.xlane @!p0 v12, v11  }
0x15a: {  	[tilespmem:s3], [sflag:$0x1] =	stream.indirect_vreg.gather @!p0 [hbm4b:s1+s2], $0x80, v13, vm1, $0xb8;
	[tilespmem:$0x1AA00] =	vst v63  }
0x15b: {  	v12 =	vadd.s32 @!p0 v9, v12;
	s3 =	simm.s32 @!p0 $0x2C00  }
0x15c: {  	[tilespmem:s3], [sflag:$0x1] =	stream.indirect_vreg.gather @!p0 [hbm4b:s8+s2], $0x80, v13, vm1, $0xb8;
	[tilespmem:$0x1AA00] =	vst v63  }
0x15d: {  	s3 =	simm.s32 @!p0 $0x3400  }
0x15e: {  	[tilespmem:s3], [sflag:$0x1] =	stream.indirect_vreg.gather @!p0 [hbm4b:s9+s2], $0x80, v13, vm1, $0xb8;
	[tilespmem:$0x1AA00] =	vst v63  }
0x15f: {  	s3 =	simm.s32 @!p0 $0x3C00  }
0x160: {  	[tilespmem:s3], [sflag:$0x1] =	stream.indirect_vreg.gather @!p0 [hbm4b:s1+s2], $0x80, v12, vm1, $0xb8;
	[tilespmem:$0x1AA00] =	vst v63  }
0x161: {  	s3 =	simm.s32 @!p0 $0x4400  }
0x162: {  	[tilespmem:s3], [sflag:$0x1] =	stream.indirect_vreg.gather @!p0 [hbm4b:s8+s2], $0x80, v12, vm1, $0xb8;
	[tilespmem:$0x1AA00] =	vst v63  }
0x163: {  	s21 =	simm.s32 $0x5;
	s3 =	simm.s32 @!p0 $0x4C00  }
0x164: {  	[tilespmem:s3], [sflag:$0x1] =	stream.indirect_vreg.gather @!p0 [hbm4b:s9+s2], $0x80, v12, vm1, $0xb8;
	[tilespmem:$0x1AA00] =	vst v63  }
0x165: {  	_ =	swait.ge [sflag:s21], $0x3000  }
0x166: {  	[sflag:s21] =	ssyncset.done $0x0  }
0x167: {  	[sflag:s21] =	ssyncadd.s32 $0xFFFFD000  }
0x168: {  	v57 =	vld [tilespmem:$0x2200];
	_ =	sdelay $0x4  }
0x169: {  	v58 =	vshrl.u32 v57, $0x3  }
0x16a: {  	v13 =	vmul.u32 $0x30, v58  }
0x16b: {  	v12 =	vand.u32 $0x7, v57  }
0x16c: {  	v12 =	vor.u32 v12, v13  }
0x16d: {  	v13 =	vperm.xlane v12, v5;
	_ =	sdelay $0x1  }
0x16e: {  	v13 =	vadd.s32 v6, v13;
	_ =	sdelay $0x3  }
0x16f: {  	s11 =	smov.u32 s25;
	s25 =	simm.s32 $0xE400;
	v12 =	vperm.xlane v12, v7  }
0x170: {  	[hbm4b:s4+s5] =	stream.indirect_vreg.scatter [tilespmem:s25], [sflag:$0xD], $0x80, v13, vm0, $0xb8;
	[tilespmem:$0x1AA00] =	vst v63  }
0x171: {  	v12 =	vadd.s32 v6, v12  }
0x172: {  	[hbm4b:s13+s5] =	stream.indirect_vreg.scatter [tilespmem:s7], [sflag:$0xD], $0x80, v13, vm0, $0xb8;
	[tilespmem:$0x1AA00] =	vst v63  }
0x173: {  	s21 =	simm.s32 $0xF400  }
0x174: {  	[hbm4b:s14+s5] =	stream.indirect_vreg.scatter [tilespmem:s21], [sflag:$0xD], $0x80, v13, vm0, $0xb8;
	[tilespmem:$0x1AA00] =	vst v63  }
0x175: {  	s21 =	simm.s32 $0xFC00  }
0x176: {  	[hbm4b:s4+s5] =	stream.indirect_vreg.scatter [tilespmem:s21], [sflag:$0xD], $0x80, v12, vm0, $0xb8;
	[tilespmem:$0x1AA00] =	vst v63  }
0x177: {  	s21 =	simm.s32 $0x10400  }
0x178: {  	[hbm4b:s13+s5] =	stream.indirect_vreg.scatter [tilespmem:s21], [sflag:$0xD], $0x80, v12, vm0, $0xb8;
	[tilespmem:$0x1AA00] =	vst v63  }
0x179: {  	s7 =	simm.s32 $0xA;
	s21 =	simm.s32 $0x10C00  }
0x17a: {  	[hbm4b:s14+s5] =	stream.indirect_vreg.scatter [tilespmem:s21], [sflag:$0xD], $0x80, v12, vm0, $0xb8;
	[tilespmem:$0x1AA00] =	vst v63  }
0x17b: {  	s0 =	sadd.s32 @!p0 $0x1, s0;
	_ =	swait.ge [sflag:s7], $0x3000  }
0x17c: {  	s3 =	sor.u32 @!p0 s11, s0;
	[sflag:s7] =	ssyncset.done $0x0  }
0x17d: {  	v12 =	vadd.s32 @!p0 s3, v8;
	s3 =	sshll.u32 @!p0 s0, $0x7;
	[sflag:s7] =	ssyncadd.s32 $0xFFFFD000  }
0x17e: {  	s21 =	sand.u32 @!p0 $0x3FFFFF80, s3;
	[tilespmem:$0x2080] =	vst @!p0 v12  }
0x17f: {  	v12 =	vld @!p0 [tilespmem:s21+$0x10];
	_ =	sdelay $0x4  }
0x180: {  	v13 =	vshrl.u32 @!p0 v12, $0x3  }
0x181: {  	v13 =	vmul.u32 @!p0 $0x30, v13  }
0x182: {  	v12 =	vand.u32 @!p0 $0x7, v12  }
0x183: {  	v12 =	vor.u32 @!p0 v12, v13  }
0x184: {  	v13 =	vperm.xlane @!p0 v12, v10;
	_ =	sdelay $0x1  }
0x185: {  	v13 =	vadd.s32 @!p0 v9, v13;
	_ =	sdelay $0x3  }
0x186: {  	s3 =	simm.s32 @!p0 $0x5400;
	v12 =	vperm.xlane @!p0 v12, v11  }
0x187: {  	[tilespmem:s3], [sflag:$0x2] =	stream.indirect_vreg.gather @!p0 [hbm4b:s1+s2], $0x80, v13, vm1, $0xb8;
	[tilespmem:$0x1AA00] =	vst v63  }
0x188: {  	v12 =	vadd.s32 @!p0 v9, v12;
	s3 =	simm.s32 @!p0 $0x5C00  }
0x189: {  	[tilespmem:s3], [sflag:$0x2] =	stream.indirect_vreg.gather @!p0 [hbm4b:s8+s2], $0x80, v13, vm1, $0xb8;
	[tilespmem:$0x1AA00] =	vst v63  }
0x18a: {  	s3 =	simm.s32 @!p0 $0x6400  }
0x18b: {  	[tilespmem:s3], [sflag:$0x2] =	stream.indirect_vreg.gather @!p0 [hbm4b:s9+s2], $0x80, v13, vm1, $0xb8;
	[tilespmem:$0x1AA00] =	vst v63  }
0x18c: {  	s3 =	simm.s32 @!p0 $0x6C00  }
0x18d: {  	[tilespmem:s3], [sflag:$0x2] =	stream.indirect_vreg.gather @!p0 [hbm4b:s1+s2], $0x80, v12, vm1, $0xb8;
	[tilespmem:$0x1AA00] =	vst v63  }
0x18e: {  	s3 =	simm.s32 @!p0 $0x7400  }
0x18f: {  	[tilespmem:s3], [sflag:$0x2] =	stream.indirect_vreg.gather @!p0 [hbm4b:s8+s2], $0x80, v12, vm1, $0xb8;
	[tilespmem:$0x1AA00] =	vst v63  }
0x190: {  	s7 =	simm.s32 $0x6;
	s3 =	simm.s32 @!p0 $0x7C00  }
0x191: {  	[tilespmem:s3], [sflag:$0x2] =	stream.indirect_vreg.gather @!p0 [hbm4b:s9+s2], $0x80, v12, vm1, $0xb8;
	[tilespmem:$0x1AA00] =	vst v63  }
0x192: {  	_ =	swait.ge [sflag:s7], $0x3000  }
0x193: {  	[sflag:s7] =	ssyncset.done $0x0  }
0x194: {  	[sflag:s7] =	ssyncadd.s32 $0xFFFFD000  }
0x195: {  	v59 =	vld [tilespmem:$0x2280];
	_ =	sdelay $0x4  }
0x196: {  	v60 =	vshrl.u32 v59, $0x3  }
0x197: {  	v13 =	vmul.u32 $0x30, v60  }
0x198: {  	v12 =	vand.u32 $0x7, v59  }
0x199: {  	v12 =	vor.u32 v12, v13  }
0x19a: {  	v13 =	vperm.xlane v12, v5;
	_ =	sdelay $0x1  }
0x19b: {  	v13 =	vadd.s32 v6, v13;
	_ =	sdelay $0x3  }
0x19c: {  	v12 =	vperm.xlane v12, v7  }
0x19d: {  	[hbm4b:s4+s5] =	stream.indirect_vreg.scatter [tilespmem:s31], [sflag:$0xE], $0x80, v13, vm0, $0xb8;
	[tilespmem:$0x1AA00] =	vst v63  }
0x19e: {  	v12 =	vadd.s32 v6, v12  }
0x19f: {  	[hbm4b:s13+s5] =	stream.indirect_vreg.scatter [tilespmem:s23], [sflag:$0xE], $0x80, v13, vm0, $0xb8;
	[tilespmem:$0x1AA00] =	vst v63  }
0x1a0: {  	_ = 	snop  }
0x1a1: {  	[hbm4b:s14+s5] =	stream.indirect_vreg.scatter [tilespmem:s10], [sflag:$0xE], $0x80, v13, vm0, $0xb8;
	[tilespmem:$0x1AA00] =	vst v63  }
0x1a2: {  	_ = 	snop  }
0x1a3: {  	[hbm4b:s4+s5] =	stream.indirect_vreg.scatter [tilespmem:s29], [sflag:$0xE], $0x80, v12, vm0, $0xb8;
	[tilespmem:$0x1AA00] =	vst v63  }
0x1a4: {  	_ = 	snop  }
0x1a5: {  	[hbm4b:s13+s5] =	stream.indirect_vreg.scatter [tilespmem:s30], [sflag:$0xE], $0x80, v12, vm0, $0xb8;
	[tilespmem:$0x1AA00] =	vst v63  }
0x1a6: {  	s7 =	simm.s32 $0xB  }
0x1a7: {  	[hbm4b:s14+s5] =	stream.indirect_vreg.scatter [tilespmem:s15], [sflag:$0xE], $0x80, v12, vm0, $0xb8;
	[tilespmem:$0x1AA00] =	vst v63  }
0x1a8: {  	_ =	swait.ge [sflag:s7], $0x3000  }
0x1a9: {  	s3 =	sor.u32 @!p0 s12, s0;
	[sflag:s7] =	ssyncset.done $0x0  }
0x1aa: {  	v12 =	vadd.s32 @!p0 s3, v8;
	[sflag:s7] =	ssyncadd.s32 $0xFFFFD000  }
0x1ab: {  	[tilespmem:$0x2100] =	vst @!p0 v12  }
0x1ac: {  	v12 =	vld @!p0 [tilespmem:s21+$0x20];
	_ =	sdelay $0x4  }
0x1ad: {  	v13 =	vshrl.u32 @!p0 v12, $0x3  }
0x1ae: {  	v13 =	vmul.u32 @!p0 $0x30, v13  }
0x1af: {  	v12 =	vand.u32 @!p0 $0x7, v12  }
0x1b0: {  	v12 =	vor.u32 @!p0 v12, v13  }
0x1b1: {  	v13 =	vperm.xlane @!p0 v12, v10;
	_ =	sdelay $0x1  }
0x1b2: {  	v13 =	vadd.s32 @!p0 v9, v13;
	_ =	sdelay $0x3  }
0x1b3: {  	s3 =	simm.s32 @!p0 $0x8400;
	v12 =	vperm.xlane @!p0 v12, v11  }
0x1b4: {  	[tilespmem:s3], [sflag:$0x3] =	stream.indirect_vreg.gather @!p0 [hbm4b:s1+s2], $0x80, v13, vm1, $0xb8;
	[tilespmem:$0x1AA00] =	vst v63  }
0x1b5: {  	v12 =	vadd.s32 @!p0 v9, v12;
	s3 =	simm.s32 @!p0 $0x8C00  }
0x1b6: {  	[tilespmem:s3], [sflag:$0x3] =	stream.indirect_vreg.gather @!p0 [hbm4b:s8+s2], $0x80, v13, vm1, $0xb8;
	[tilespmem:$0x1AA00] =	vst v63  }
0x1b7: {  	s3 =	simm.s32 @!p0 $0x9400  }
0x1b8: {  	[tilespmem:s3], [sflag:$0x3] =	stream.indirect_vreg.gather @!p0 [hbm4b:s9+s2], $0x80, v13, vm1, $0xb8;
	[tilespmem:$0x1AA00] =	vst v63  }
0x1b9: {  	s3 =	simm.s32 @!p0 $0x9C00  }
0x1ba: {  	[tilespmem:s3], [sflag:$0x3] =	stream.indirect_vreg.gather @!p0 [hbm4b:s1+s2], $0x80, v12, vm1, $0xb8;
	[tilespmem:$0x1AA00] =	vst v63  }
0x1bb: {  	s3 =	simm.s32 @!p0 $0xA400  }
0x1bc: {  	[tilespmem:s3], [sflag:$0x3] =	stream.indirect_vreg.gather @!p0 [hbm4b:s8+s2], $0x80, v12, vm1, $0xb8;
	[tilespmem:$0x1AA00] =	vst v63  }
0x1bd: {  	s10 =	simm.s32 $0x7;
	s3 =	simm.s32 @!p0 $0xAC00  }
0x1be: {  	[tilespmem:s3], [sflag:$0x3] =	stream.indirect_vreg.gather @!p0 [hbm4b:s9+s2], $0x80, v12, vm1, $0xb8;
	[tilespmem:$0x1AA00] =	vst v63  }
0x1bf: {  	_ =	swait.ge [sflag:s10], $0x3000  }
0x1c0: {  	[sflag:s10] =	ssyncset.done $0x0  }
0x1c1: {  	[sflag:s10] =	ssyncadd.s32 $0xFFFFD000  }
0x1c2: {  	v61 =	vld [tilespmem:$0x2300];
	_ =	sdelay $0x4  }
0x1c3: {  	v62 =	vshrl.u32 v61, $0x3  }
0x1c4: {  	v13 =	vmul.u32 $0x30, v62  }
0x1c5: {  	v12 =	vand.u32 $0x7, v61  }
0x1c6: {  	v12 =	vor.u32 v12, v13  }
0x1c7: {  	v13 =	vperm.xlane v12, v5;
	_ =	sdelay $0x1  }
0x1c8: {  	v13 =	vadd.s32 v6, v13;
	_ =	sdelay $0x3  }
0x1c9: {  	v12 =	vperm.xlane v12, v7  }
0x1ca: {  	[hbm4b:s4+s5] =	stream.indirect_vreg.scatter [tilespmem:s16], [sflag:$0xF], $0x80, v13, vm0, $0xb8;
	[tilespmem:$0x1AA00] =	vst v63  }
0x1cb: {  	v12 =	vadd.s32 v6, v12  }
0x1cc: {  	[hbm4b:s13+s5] =	stream.indirect_vreg.scatter [tilespmem:s17], [sflag:$0xF], $0x80, v13, vm0, $0xb8;
	[tilespmem:$0x1AA00] =	vst v63  }
0x1cd: {  	_ = 	snop  }
0x1ce: {  	[hbm4b:s14+s5] =	stream.indirect_vreg.scatter [tilespmem:s18], [sflag:$0xF], $0x80, v13, vm0, $0xb8;
	[tilespmem:$0x1AA00] =	vst v63  }
0x1cf: {  	_ = 	snop  }
0x1d0: {  	[hbm4b:s4+s5] =	stream.indirect_vreg.scatter [tilespmem:s19], [sflag:$0xF], $0x80, v12, vm0, $0xb8;
	[tilespmem:$0x1AA00] =	vst v63  }
0x1d1: {  	_ = 	snop  }
0x1d2: {  	[hbm4b:s13+s5] =	stream.indirect_vreg.scatter [tilespmem:s20], [sflag:$0xF], $0x80, v12, vm0, $0xb8;
	[tilespmem:$0x1AA00] =	vst v63  }
0x1d3: {  	s10 =	simm.s32 $0xC  }
0x1d4: {  	[hbm4b:s14+s5] =	stream.indirect_vreg.scatter [tilespmem:s24], [sflag:$0xF], $0x80, v12, vm0, $0xb8;
	[tilespmem:$0x1AA00] =	vst v63  }
0x1d5: {  	_ =	swait.ge [sflag:s10], $0x3000  }
0x1d6: {  	s3 =	sor.u32 @!p0 s22, s0;
	[sflag:s10] =	ssyncset.done $0x0  }
0x1d7: {  	v8 =	vadd.s32 @!p0 s3, v8;
	[sflag:s10] =	ssyncadd.s32 $0xFFFFD000  }
0x1d8: {  	[tilespmem:$0x2180] =	vst @!p0 v8  }
0x1d9: {  	v8 =	vld @!p0 [tilespmem:s21+$0x30];
	_ =	sdelay $0x4  }
0x1da: {  	v12 =	vshrl.u32 @!p0 v8, $0x3  }
0x1db: {  	v12 =	vmul.u32 @!p0 $0x30, v12  }
0x1dc: {  	v8 =	vand.u32 @!p0 $0x7, v8  }
0x1dd: {  	v8 =	vor.u32 @!p0 v8, v12  }
0x1de: {  	v10 =	vperm.xlane @!p0 v8, v10;
	_ =	sdelay $0x1  }
0x1df: {  	v10 =	vadd.s32 @!p0 v9, v10;
	_ =	sdelay $0x3  }
0x1e0: {  	s3 =	simm.s32 @!p0 $0xB400;
	v8 =	vperm.xlane @!p0 v8, v11  }
0x1e1: {  	[tilespmem:s3], [sflag:$0x4] =	stream.indirect_vreg.gather @!p0 [hbm4b:s1+s2], $0x80, v10, vm1, $0xb8;
	[tilespmem:$0x1AA00] =	vst v63  }
0x1e2: {  	v8 =	vadd.s32 @!p0 v9, v8;
	s3 =	simm.s32 @!p0 $0xBC00  }
0x1e3: {  	[tilespmem:s3], [sflag:$0x4] =	stream.indirect_vreg.gather @!p0 [hbm4b:s8+s2], $0x80, v10, vm1, $0xb8;
	[tilespmem:$0x1AA00] =	vst v63  }
0x1e4: {  	s3 =	simm.s32 @!p0 $0xC400  }
0x1e5: {  	[tilespmem:s3], [sflag:$0x4] =	stream.indirect_vreg.gather @!p0 [hbm4b:s9+s2], $0x80, v10, vm1, $0xb8;
	[tilespmem:$0x1AA00] =	vst v63  }
0x1e6: {  	s3 =	simm.s32 @!p0 $0xCC00  }
0x1e7: {  	[tilespmem:s3], [sflag:$0x4] =	stream.indirect_vreg.gather @!p0 [hbm4b:s1+s2], $0x80, v8, vm1, $0xb8;
	[tilespmem:$0x1AA00] =	vst v63  }
0x1e8: {  	s3 =	simm.s32 @!p0 $0xD400  }
0x1e9: {  	[tilespmem:s3], [sflag:$0x4] =	stream.indirect_vreg.gather @!p0 [hbm4b:s8+s2], $0x80, v8, vm1, $0xb8;
	[tilespmem:$0x1AA00] =	vst v63  }
0x1ea: {  	s10 =	simm.s32 $0x8;
	s3 =	simm.s32 @!p0 $0xDC00  }
0x1eb: {  	[tilespmem:s3], [sflag:$0x4] =	stream.indirect_vreg.gather @!p0 [hbm4b:s9+s2], $0x80, v8, vm1, $0xb8;
	[tilespmem:$0x1AA00] =	vst v63  }
0x1ec: {  	_ =	swait.ge [sflag:s10], $0x3000  }
0x1ed: {  	[sflag:s10] =	ssyncset.done $0x0  }
0x1ee: {  	[sflag:s10] =	ssyncadd.s32 $0xFFFFD000  }
0x1ef: {  	v8 =	vld [tilespmem:$0x2380];
	_ =	sdelay $0x4  }
0x1f0: {  	v63 =	vshrl.u32 v8, $0x3  }
0x1f1: {  	v9 =	vmul.u32 $0x30, v63  }
0x1f2: {  	v8 =	vand.u32 $0x7, v8  }
0x1f3: {  	v8 =	vor.u32 v8, v9  }
0x1f4: {  	v9 =	vperm.xlane v8, v5;
	_ =	sdelay $0x1  }
0x1f5: {  	v9 =	vadd.s32 v6, v9;
	_ =	sdelay $0x3  }
0x1f6: {  	s10 =	simm.s32 $0x17400;
	v8 =	vperm.xlane v8, v7  }
0x1f7: {  	[hbm4b:s4+s5] =	stream.indirect_vreg.scatter [tilespmem:s10], [sflag:$0x10], $0x80, v9, vm0, $0xb8;
	[tilespmem:$0x1AA00] =	vst v63  }
0x1f8: {  	s21 =	simm.s32 $0x17C00;
	v8 =	vadd.s32 v6, v8  }
0x1f9: {  	[hbm4b:s13+s5] =	stream.indirect_vreg.scatter [tilespmem:s21], [sflag:$0x10], $0x80, v9, vm0, $0xb8;
	[tilespmem:$0x1AA00] =	vst v63  }
0x1fa: {  	s0 =	simm.s32 @p0 $0x40;
	s3 =	simm.s32 $0x18400  }
0x1fb: {  	[hbm4b:s14+s5] =	stream.indirect_vreg.scatter [tilespmem:s3], [sflag:$0x10], $0x80, v9, vm0, $0xb8;
	[tilespmem:$0x1AA00] =	vst v63  }
0x1fc: {  	s7 =	simm.s32 $0x18C00;
	p0 =	sne.s32 s0, $0x40  }
0x1fd: {  	[hbm4b:s4+s5] =	stream.indirect_vreg.scatter [tilespmem:s7], [sflag:$0x10], $0x80, v8, vm0, $0xb8;
	[tilespmem:$0x1AA00] =	vst v63  }
.Ltmp0:
0x1fe: {  	_ = 	snop;
	(pc) =	sbr.rel @p0 .LBB2_2-.Ltmp0, $4  }
0x1ff: {  	s10 =	simm.s32 $0x19400  }
0x200: {  	[hbm4b:s13+s5] =	stream.indirect_vreg.scatter [tilespmem:s10], [sflag:$0x10], $0x80, v8, vm0, $0xb8;
	[tilespmem:$0x1AA00] =	vst v63  }
0x201: {  	s21 =	simm.s32 $0x19C00  }
0x202: {  	[hbm4b:s14+s5] =	stream.indirect_vreg.scatter [tilespmem:s21], [sflag:$0x10], $0x80, v8, vm0, $0xb8;
	[tilespmem:$0x1AA00] =	vst v63  }
0x203: {  	s0 =	simm.s32 $0xD  }
0x204: {  	_ =	swait.ge [sflag:s0], $0x3000  }
0x205: {  	[sflag:s0] =	ssyncset.done $0x0  }
0x206: {  	s10 =	simm.s32 $0xE;
	[sflag:s0] =	ssyncadd.s32 $0xFFFFD000  }
0x207: {  	_ =	swait.ge [sflag:s10], $0x3000  }
0x208: {  	[sflag:s10] =	ssyncset.done $0x0  }
0x209: {  	s21 =	simm.s32 $0xF;
	[sflag:s10] =	ssyncadd.s32 $0xFFFFD000  }
0x20a: {  	_ =	swait.ge [sflag:s21], $0x3000  }
0x20b: {  	[sflag:s21] =	ssyncset.done $0x0  }
0x20c: {  	s2 =	simm.s32 $0x10;
	[sflag:s21] =	ssyncadd.s32 $0xFFFFD000  }
0x20d: {  	_ =	swait.ge [sflag:s2], $0x3000  }
0x20e: {  	s3 =	rddreg [dreg:$0xc]  }
0x20f: {  	s25 =	rddreg [dreg:$0x6];
	s3 =	sadd.s32 $0x1, s3  }
0x210: {  	p0 =	sne.s32 s3, s25  }
.Ltmp1:
0x211: {  	_ = 	snop;
	(pc) =	sbr.rel @p0 .LBB2_1-.Ltmp1, $4  }
0x212: {  	_ = 	snop  }
0x213: {  	[sflag:s2] =	ssyncset.done $0x0  }
0x214: {  	[sflag:s2] =	ssyncadd.s32 $0xFFFFD000  }
0x215: {  	s21 =	simm.s32 $0x3400;
	s10 =	rddreg [dreg:$0x2];
	s25 =	simm.s32 $0x3C00  }
0x216: {  	_ =	sfence.sel $0x180000  }
0x217: {  	[bflag:$0x0] =	sbarrier.arrive $0xFFFF  }
0x218: {  	_ =	strace $0x90000047  }
0x219: {  	s0 =	stileid.u32;
	[bflag:$0x2] =	sbarrier.arrive $0xFFFF  }
0x21a: {  	p0 =	sne.s32 s0, $0x0;
	s0 =	rddreg [dreg:$0x4]  }
0x21b: {  	s0 =	sadd.s32 @!p0 $0x100000, s0  }
0x21c: {  	[sflag:s0] =	ssyncadd.tile.s32 @!p0 $0x1;
	_ =	shalt  }
.Lfunc_end2:
_tile_overlayer_lowered:
.L_overlay_start_2:
0x21d: {  	(tag) =	ssettag $0x2  }
0x21e: {  	s0 =	rddreg [dreg:$0x0];
	s2 =	stileid.u32  }
0x21f: {  	s1 =	rddreg [dreg:$0x1];
	p0 =	sne.s32 s2, $0x0  }
0x220: {  	s3 =	rddreg [dreg:$0x2];
	[bflag:$0x3] =	sbarrier.arrive $0xFFFF;
	s2 =	simm.s32 @!p0 $0x1C13  }
0x221: {  	[timem:s3], [sflag:s2] =	dma.local @!p0 [hbm:s0], s1  }
0x222: {  	s0 =	simm.s32 @!p0 $0x13  }
0x223: {  	_ =	swait.ge @!p0 [sflag:s0], s1  }
0x224: {  	s1 =	ssub.s32 @!p0 $0x0, s1;
	[sflag:s0] =	ssyncset.done @!p0 $0x0  }
0x225: {  	[sflag:s0] =	ssyncadd.s32 @!p0 s1  }
0x226: {  	[bflag:$0x3] =	sbarrier.arrive $0xFFFF  }
0x227: {  	_ =	shalt  }

</sc_bundles>
